<compile_context>
chip_gen: v7x
topology: tpu7x:2x2x1
jax: 0.10.2.dev20260603
libtpu: 0.0.44.dev20260713+nightly
codegen_flags: <defaults>
</compile_context>

<pallas_src>
import dataclasses
import functools

import jax
import jax.numpy as jnp
from jax import lax
from jax.experimental import pallas as pl
from jax.experimental.pallas import tpu as pltpu
from jax.experimental.pallas import tpu_sc as plsc

NC = 2
NS = 16
NW = NC * NS
LANES = 16
BE = 128


def _pack_bf16_pair(a, b):
    ua = lax.bitcast_convert_type(a, jnp.uint32)
    ub = lax.bitcast_convert_type(b, jnp.uint32)
    ra = (ua + 0x7FFF + ((ua >> 16) & 1)) >> 16
    rb = (ub + 0x7FFF + ((ub >> 16) & 1)) & jnp.uint32(0xFFFF0000)
    return lax.bitcast_convert_type(ra | rb, jnp.int32)


def _tables_body(h_ref, w_ref, p_ref, q_ref):
    hh = h_ref[...]
    w = w_ref[...]
    s = jnp.sin(hh)
    c = jnp.cos(hh)
    p_ref[...] = _pack_bf16_pair(s * w, c * w)
    q_ref[...] = _pack_bf16_pair(c, -s)


def _build_tables(h, W):
    n, d = h.shape
    out_shape = [
        jax.ShapeDtypeStruct((n, d), jnp.int32),
        jax.ShapeDtypeStruct((n, d), jnp.int32),
    ]
    return pl.pallas_call(_tables_body, out_shape=out_shape)(h, W)


def _sc_gather_dot(p32, q32, ei, bvec):
    e_total = ei.shape[1]
    nchunk = e_total // BE
    nk = -(-nchunk // NW)
    assert nk >= 5, "pipeline prologue/epilogue assume at least 5 chunks"
    d = p32.shape[1]
    mesh = plsc.VectorSubcoreMesh(
        core_axis_name="c", subcore_axis_name="s", num_cores=NC, num_subcores=NS
    )
    cp = pltpu.CompilerParams()
    if "needs_layout_passes" in pltpu.CompilerParams.__dataclass_fields__:
        cp = dataclasses.replace(cp, needs_layout_passes=False)

    @functools.partial(
        pl.kernel,
        compiler_params=cp,
        out_type=jax.ShapeDtypeStruct((e_total,), jnp.float32),
        mesh=mesh,
        scratch_types=(
            [pltpu.VMEM((2, BE), jnp.int32) for _ in range(3)]
            + [pltpu.VMEM((BE, d), jnp.int32) for _ in range(3)]
            + [pltpu.VMEM((BE, d), jnp.int32) for _ in range(3)]
            + [pltpu.VMEM((BE,), jnp.float32) for _ in range(3)]
            + [pltpu.VMEM((LANES,), jnp.float32)]
            + [pltpu.SemaphoreType.DMA for _ in range(9)]
        ),
    )
    def sc_kernel(p_hbm, q_hbm, ei_hbm, bvec_hbm, out_hbm,
                  idxb0, idxb1, idxb2, sp0, sp1, sp2, sq0, sq1, sq2,
                  ob0, ob1, ob2, bvec,
                  si0, si1, si2, sg0, sg1, sg2, so0, so1, so2):
        idxb = (idxb0, idxb1, idxb2)
        sp = (sp0, sp1, sp2)
        sq = (sq0, sq1, sq2)
        ob = (ob0, ob1, ob2)
        si = (si0, si1, si2)
        sg = (sg0, sg1, sg2)
        so = (so0, so1, so2)
        wid = lax.axis_index("s") * NC + lax.axis_index("c")
        pltpu.sync_copy(bvec_hbm, bvec)
        lane_iota = lax.iota(jnp.int32, LANES)
        last_lane = lane_iota == (LANES - 1)

        def base_of(k):
            c = jnp.minimum(wid + k * NW, nchunk - 1)
            return c * BE

        def idx_slice(k):
            return ei_hbm.at[:, pl.ds(base_of(k), BE)]

        def issue_idx(k, buf, sem):
            pltpu.async_copy(idx_slice(k), idxb[buf], si[sem])

        def wait_idx(k, buf, sem):
            pltpu.make_async_copy(idx_slice(k), idxb[buf], si[sem]).wait()

        def issue_gather(buf):
            pltpu.async_copy(p_hbm.at[idxb[buf].at[0]], sp[buf], sg[buf])
            pltpu.async_copy(q_hbm.at[idxb[buf].at[1]], sq[buf], sg[buf])

        def wait_gather(buf):
            pltpu.make_async_copy(p_hbm.at[idxb[buf].at[0]], sp[buf], sg[buf]).wait()
            pltpu.make_async_copy(q_hbm.at[idxb[buf].at[1]], sq[buf], sg[buf]).wait()

        def out_slice(k):
            return out_hbm.at[pl.ds(base_of(k), BE)]

        def wait_out(k, buf):
            pltpu.make_async_copy(ob[buf], out_slice(k), so[buf]).wait()

        def compute(k, buf):
            srows = sp[buf]
            orows = sq[buf]
            outbuf = ob[buf]

            @plsc.parallel_loop(0, BE, unroll=2)
            def _edge(e):
                accs = [bvec[...], None, None, None]
                for j in range(d // LANES):
                    s32 = srows[e, pl.ds(j * LANES, LANES)]
                    o32 = orows[e, pl.ds(j * LANES, LANES)]
                    sb = plsc.bitcast(s32, jnp.bfloat16)
                    obf = plsc.bitcast(o32, jnp.bfloat16)
                    prod = sb * obf
                    p_lo, p_hi = plsc.unpack(prod, format=plsc.PackFormat.INTERLEAVED)
                    lane = j % 4
                    part = p_lo + p_hi
                    accs[lane] = part if accs[lane] is None else accs[lane] + part
                total = plsc.cumsum((accs[0] + accs[1]) + (accs[2] + accs[3]))
                eidx = jnp.full((LANES,), e, jnp.int32)
                plsc.store_scatter(outbuf, [eidx], total, mask=last_lane)

            pltpu.async_copy(outbuf, out_slice(k), so[buf])

        def body(k, par):
            kp2 = (par + 2) % 3
            wait_idx(k + 2, kp2, kp2)
            issue_gather(kp2)
            wait_gather(par)
            issue_idx(k + 3, par, par)

            @pl.when(k >= 3)
            def _():
                wait_out(k - 3, par)

            compute(k, par)

        pltpu.sync_copy(idx_slice(0), idxb[0])
        issue_gather(0)
        issue_idx(1, 1, 1)
        issue_idx(2, 2, 2)
        wait_idx(1, 1, 1)
        issue_gather(1)

        @pl.loop(0, (nk - 2) // 3)
        def _trip(t):
            for par in range(3):
                body(3 * t + par, par)

        for k in range(nk - 2 - (nk - 2) % 3, nk - 2):
            body(k, k % 3)

        for k in (nk - 2, nk - 1):
            wait_gather(k % 3)
            wait_out(k - 3, k % 3)
            compute(k, k % 3)
        wait_idx(nk, (nk - 3) % 3, (nk - 3) % 3)
        for k in (nk - 2, nk - 1, nk - 3):
            wait_out(k, k % 3)

    return sc_kernel(p32, q32, ei, bvec)


def kernel(h, edge_index, W, b):
    e_total = edge_index.shape[1]
    ei = edge_index.astype(jnp.int32)
    p32, q32 = _build_tables(h, W)
    bvec = jnp.zeros((LANES,), jnp.float32).at[0].set(b[0])
    out = _sc_gather_dot(p32, q32, ei, bvec)
    return out.reshape(e_total, 1)

# --- scband reference (transcript-rebuilt; emitter-appended) ---
"""Pipeline reference for scband-sine-predictor-51170240364869 (READ-ONLY COPY).

The authoritative reference and input builder live on the scoring server;
editing this copy changes nothing except your own understanding.
"""

import jax, jax.numpy as jnp
import numpy as np

N = 10000
E = 320000
D = 128

def setup_inputs(seed: int = 0) -> dict:
    key = jax.random.key(seed)
    k1, k2, k3, k4 = jax.random.split(key, 4)
    h = jax.random.normal(k1, (N, D), dtype=jnp.float32)
    edge_index = jax.random.randint(k2, (2, E), 0, N, dtype=jnp.int64)
    # Linear(in_features=D, out_features=1) params (PyTorch default init style)
    bound = 1.0 / np.sqrt(D)
    W = jax.random.uniform(k3, (1, D), minval=-bound, maxval=bound, dtype=jnp.float32)
    b = jax.random.uniform(k4, (1,), minval=-bound, maxval=bound, dtype=jnp.float32)
    return {"h": h, "edge_index": edge_index, "W": W, "b": b}

def reference(h, edge_index, W, b):
    # s = h[edges_src], o = h[edges_dst]  (gather on SparseCore)
    s = jnp.take(h, edge_index[0], axis=0)
    o = jnp.take(h, edge_index[1], axis=0)
    # score = Linear(sin(s - o)) -> [E, 1]
    score = jnp.sin(s - o) @ W.T + b
    return score

if __name__ == "__main__":
    import jax
    _d = setup_inputs()
    print(jax.jit(kernel)(*tuple(_d.values())))

</pallas_src>

<mosaic_0001>
#map = affine_map<(d0, d1) -> (0, 0)>
#map1 = affine_map<(d0, d1) -> (0)>
module attributes {stable_mosaic.version = 14 : i64} {
  func.func @sc_kernel(%arg0: i32, %arg1: i32, %arg2: memref<10000x128xi32, #tpu.memory_space<hbm>>, %arg3: memref<10000x128xi32, #tpu.memory_space<hbm>>, %arg4: memref<2x320000xi32, #tpu.memory_space<hbm>>, %arg5: memref<16xf32, #tpu.memory_space<hbm>>, %arg6: memref<320000xf32, #tpu.memory_space<hbm>>, %arg7: memref<2x128xi32, #tpu.memory_space<vmem>>, %arg8: memref<2x128xi32, #tpu.memory_space<vmem>>, %arg9: memref<2x128xi32, #tpu.memory_space<vmem>>, %arg10: memref<128x128xi32, #tpu.memory_space<vmem>>, %arg11: memref<128x128xi32, #tpu.memory_space<vmem>>, %arg12: memref<128x128xi32, #tpu.memory_space<vmem>>, %arg13: memref<128x128xi32, #tpu.memory_space<vmem>>, %arg14: memref<128x128xi32, #tpu.memory_space<vmem>>, %arg15: memref<128x128xi32, #tpu.memory_space<vmem>>, %arg16: memref<128xf32, #tpu.memory_space<vmem>>, %arg17: memref<128xf32, #tpu.memory_space<vmem>>, %arg18: memref<128xf32, #tpu.memory_space<vmem>>, %arg19: memref<16xf32, #tpu.memory_space<vmem>>, %arg20: memref<!tpu.dma_semaphore, #tpu.memory_space<semaphore_mem>>, %arg21: memref<!tpu.dma_semaphore, #tpu.memory_space<semaphore_mem>>, %arg22: memref<!tpu.dma_semaphore, #tpu.memory_space<semaphore_mem>>, %arg23: memref<!tpu.dma_semaphore, #tpu.memory_space<semaphore_mem>>, %arg24: memref<!tpu.dma_semaphore, #tpu.memory_space<semaphore_mem>>, %arg25: memref<!tpu.dma_semaphore, #tpu.memory_space<semaphore_mem>>, %arg26: memref<!tpu.dma_semaphore, #tpu.memory_space<semaphore_mem>>, %arg27: memref<!tpu.dma_semaphore, #tpu.memory_space<semaphore_mem>>, %arg28: memref<!tpu.dma_semaphore, #tpu.memory_space<semaphore_mem>>) attributes {dimension_semantics = [#tpu.dimension_semantics<core_parallel>, #tpu.dimension_semantics<subcore_parallel>], iteration_bounds = array<i64: 2, 16>, scalar_prefetch = 0 : i64, scratch_operands = 22 : i64, tpu.core_type = #tpu.core_type<sc_vector_subcore>, window_params = [{transform_indices = #map}, {transform_indices = #map}, {transform_indices = #map}, {transform_indices = #map1}, {transform_indices = #map1}]} {
    %mul3A = arith.constant 2 : i32
    %mul3A_0 = arith.muli %arg1, %mul3A : i32
    %add3A = arith.addi %mul3A_0, %arg0 : i32
    "tpu.region"() ({
      %run_scoped3A = tpu.sem_alloc : memref<!tpu.dma_semaphore, #tpu.memory_space<semaphore_mem>>
      tpu.enqueue_dma source(%arg5 : memref<16xf32, #tpu.memory_space<hbm>>) target(%arg19 : memref<16xf32, #tpu.memory_space<vmem>>) target_semaphore(%run_scoped3A : memref<!tpu.dma_semaphore, #tpu.memory_space<semaphore_mem>>)
      tpu.wait_dma2 semaphore(%run_scoped3A : memref<!tpu.dma_semaphore, #tpu.memory_space<semaphore_mem>>) src(%arg5 : memref<16xf32, #tpu.memory_space<hbm>>) dst(%arg19 : memref<16xf32, #tpu.memory_space<vmem>>)
      tpu.yield
    }) : () -> ()
    %iota3A = tpu.iota {dimensions = array<i32: 0>} : vector<16xi32>
    %eq3A = arith.constant 15 : i32
    %eq3A_1 = vector.broadcast %eq3A : i32 to vector<16xi32>
    %eq3A_2 = arith.cmpi eq, %iota3A, %eq3A_1 : vector<16xi32>
    %add3A_3 = arith.constant 0 : i32
    %add3A_4 = arith.addi %add3A, %add3A_3 : i32
    %min3A = arith.constant 2499 : i32
    %min3A_5 = arith.minsi %add3A_4, %min3A : i32
    %mul3A_6 = arith.constant 128 : i32
    %mul3A_7 = arith.muli %min3A_5, %mul3A_6 : i32
    "tpu.region"() ({
      %run_scoped3A = tpu.sem_alloc : memref<!tpu.dma_semaphore, #tpu.memory_space<semaphore_mem>>
      %dma_start3A_301 = arith.constant 0 : i32
      %dma_start3A_302 = tpu.memref_slice %arg4[%dma_start3A_301, %mul3A_7] : memref<2x320000xi32, #tpu.memory_space<hbm>> -> memref<2x128xi32, #tpu.memory_space<hbm>>
      %dma_start3A_303 = arith.constant 0 : i32
      %dma_start3A_304 = tpu.memref_slice %arg4[%dma_start3A_303, %mul3A_7] : memref<2x320000xi32, #tpu.memory_space<hbm>> -> memref<2x128xi32, #tpu.memory_space<hbm>>
      tpu.enqueue_dma source(%dma_start3A_304 : memref<2x128xi32, #tpu.memory_space<hbm>>) target(%arg7 : memref<2x128xi32, #tpu.memory_space<vmem>>) target_semaphore(%run_scoped3A : memref<!tpu.dma_semaphore, #tpu.memory_space<semaphore_mem>>)
      %dma_wait3A_305 = arith.constant 0 : i32
      %dma_wait3A_306 = tpu.memref_slice %arg4[%dma_wait3A_305, %mul3A_7] : memref<2x320000xi32, #tpu.memory_space<hbm>> -> memref<2x128xi32, #tpu.memory_space<hbm>>
      %dma_wait3A_307 = arith.constant 0 : i32
      %dma_wait3A_308 = tpu.memref_slice %arg4[%dma_wait3A_307, %mul3A_7] : memref<2x320000xi32, #tpu.memory_space<hbm>> -> memref<2x128xi32, #tpu.memory_space<hbm>>
      tpu.wait_dma2 semaphore(%run_scoped3A : memref<!tpu.dma_semaphore, #tpu.memory_space<semaphore_mem>>) src(%dma_wait3A_308 : memref<2x128xi32, #tpu.memory_space<hbm>>) dst(%arg7 : memref<2x128xi32, #tpu.memory_space<vmem>>)
      tpu.yield
    }) : () -> ()
    %dma_start3A = arith.constant 0 : i32
    %dma_start3A_8 = arith.constant 0 : i32
    %dma_start3A_9 = tpu.memref_slice %arg7[%dma_start3A, %dma_start3A_8] : memref<2x128xi32, #tpu.memory_space<vmem>> -> memref<1x128xi32, #tpu.memory_space<vmem>>
    %dma_start3A_10 = tpu.memref_squeeze %dma_start3A_9 : memref<1x128xi32, #tpu.memory_space<vmem>> -> memref<128xi32, #tpu.memory_space<vmem>>
    %dma_start3A_11 = arith.constant 0 : i32
    %dma_start3A_12 = arith.constant 0 : i32
    %dma_start3A_13 = tpu.memref_slice %arg2[%dma_start3A_11, %dma_start3A_12] : memref<10000x128xi32, #tpu.memory_space<hbm>> -> memref<10000x128xi32, #tpu.memory_space<hbm>>
    tpu.enqueue_indirect_dma source(%dma_start3A_13 : memref<10000x128xi32, #tpu.memory_space<hbm>>) target(%arg10 : memref<128x128xi32, #tpu.memory_space<vmem>>) offsets(%dma_start3A_10 : memref<128xi32, #tpu.memory_space<vmem>>) semaphore(%arg23 : memref<!tpu.dma_semaphore, #tpu.memory_space<semaphore_mem>>)
    %dma_start3A_14 = arith.constant 1 : i32
    %dma_start3A_15 = arith.constant 0 : i32
    %dma_start3A_16 = tpu.memref_slice %arg7[%dma_start3A_14, %dma_start3A_15] : memref<2x128xi32, #tpu.memory_space<vmem>> -> memref<1x128xi32, #tpu.memory_space<vmem>>
    %dma_start3A_17 = tpu.memref_squeeze %dma_start3A_16 : memref<1x128xi32, #tpu.memory_space<vmem>> -> memref<128xi32, #tpu.memory_space<vmem>>
    %dma_start3A_18 = arith.constant 0 : i32
    %dma_start3A_19 = arith.constant 0 : i32
    %dma_start3A_20 = tpu.memref_slice %arg3[%dma_start3A_18, %dma_start3A_19] : memref<10000x128xi32, #tpu.memory_space<hbm>> -> memref<10000x128xi32, #tpu.memory_space<hbm>>
    tpu.enqueue_indirect_dma source(%dma_start3A_20 : memref<10000x128xi32, #tpu.memory_space<hbm>>) target(%arg13 : memref<128x128xi32, #tpu.memory_space<vmem>>) offsets(%dma_start3A_17 : memref<128xi32, #tpu.memory_space<vmem>>) semaphore(%arg23 : memref<!tpu.dma_semaphore, #tpu.memory_space<semaphore_mem>>)
    %add3A_21 = arith.constant 32 : i32
    %add3A_22 = arith.addi %add3A, %add3A_21 : i32
    %min3A_23 = arith.constant 2499 : i32
    %min3A_24 = arith.minsi %add3A_22, %min3A_23 : i32
    %mul3A_25 = arith.constant 128 : i32
    %mul3A_26 = arith.muli %min3A_24, %mul3A_25 : i32
    %dma_start3A_27 = arith.constant 0 : i32
    %dma_start3A_28 = tpu.memref_slice %arg4[%dma_start3A_27, %mul3A_26] : memref<2x320000xi32, #tpu.memory_space<hbm>> -> memref<2x128xi32, #tpu.memory_space<hbm>>
    %dma_start3A_29 = arith.constant 0 : i32
    %dma_start3A_30 = tpu.memref_slice %arg4[%dma_start3A_29, %mul3A_26] : memref<2x320000xi32, #tpu.memory_space<hbm>> -> memref<2x128xi32, #tpu.memory_space<hbm>>
    tpu.enqueue_dma source(%dma_start3A_30 : memref<2x128xi32, #tpu.memory_space<hbm>>) target(%arg8 : memref<2x128xi32, #tpu.memory_space<vmem>>) target_semaphore(%arg21 : memref<!tpu.dma_semaphore, #tpu.memory_space<semaphore_mem>>)
    %add3A_31 = arith.constant 64 : i32
    %add3A_32 = arith.addi %add3A, %add3A_31 : i32
    %min3A_33 = arith.constant 2499 : i32
    %min3A_34 = arith.minsi %add3A_32, %min3A_33 : i32
    %mul3A_35 = arith.constant 128 : i32
    %mul3A_36 = arith.muli %min3A_34, %mul3A_35 : i32
    %dma_start3A_37 = arith.constant 0 : i32
    %dma_start3A_38 = tpu.memref_slice %arg4[%dma_start3A_37, %mul3A_36] : memref<2x320000xi32, #tpu.memory_space<hbm>> -> memref<2x128xi32, #tpu.memory_space<hbm>>
    %dma_start3A_39 = arith.constant 0 : i32
    %dma_start3A_40 = tpu.memref_slice %arg4[%dma_start3A_39, %mul3A_36] : memref<2x320000xi32, #tpu.memory_space<hbm>> -> memref<2x128xi32, #tpu.memory_space<hbm>>
    tpu.enqueue_dma source(%dma_start3A_40 : memref<2x128xi32, #tpu.memory_space<hbm>>) target(%arg9 : memref<2x128xi32, #tpu.memory_space<vmem>>) target_semaphore(%arg22 : memref<!tpu.dma_semaphore, #tpu.memory_space<semaphore_mem>>)
    %add3A_41 = arith.constant 32 : i32
    %add3A_42 = arith.addi %add3A, %add3A_41 : i32
    %min3A_43 = arith.constant 2499 : i32
    %min3A_44 = arith.minsi %add3A_42, %min3A_43 : i32
    %mul3A_45 = arith.constant 128 : i32
    %mul3A_46 = arith.muli %min3A_44, %mul3A_45 : i32
    %dma_wait3A = arith.constant 0 : i32
    %dma_wait3A_47 = tpu.memref_slice %arg4[%dma_wait3A, %mul3A_46] : memref<2x320000xi32, #tpu.memory_space<hbm>> -> memref<2x128xi32, #tpu.memory_space<hbm>>
    %dma_wait3A_48 = arith.constant 0 : i32
    %dma_wait3A_49 = tpu.memref_slice %arg4[%dma_wait3A_48, %mul3A_46] : memref<2x320000xi32, #tpu.memory_space<hbm>> -> memref<2x128xi32, #tpu.memory_space<hbm>>
    tpu.wait_dma2 semaphore(%arg21 : memref<!tpu.dma_semaphore, #tpu.memory_space<semaphore_mem>>) src(%dma_wait3A_49 : memref<2x128xi32, #tpu.memory_space<hbm>>) dst(%arg8 : memref<2x128xi32, #tpu.memory_space<vmem>>)
    %dma_start3A_50 = arith.constant 0 : i32
    %dma_start3A_51 = arith.constant 0 : i32
    %dma_start3A_52 = tpu.memref_slice %arg8[%dma_start3A_50, %dma_start3A_51] : memref<2x128xi32, #tpu.memory_space<vmem>> -> memref<1x128xi32, #tpu.memory_space<vmem>>
    %dma_start3A_53 = tpu.memref_squeeze %dma_start3A_52 : memref<1x128xi32, #tpu.memory_space<vmem>> -> memref<128xi32, #tpu.memory_space<vmem>>
    %dma_start3A_54 = arith.constant 0 : i32
    %dma_start3A_55 = arith.constant 0 : i32
    %dma_start3A_56 = tpu.memref_slice %arg2[%dma_start3A_54, %dma_start3A_55] : memref<10000x128xi32, #tpu.memory_space<hbm>> -> memref<10000x128xi32, #tpu.memory_space<hbm>>
    tpu.enqueue_indirect_dma source(%dma_start3A_56 : memref<10000x128xi32, #tpu.memory_space<hbm>>) target(%arg11 : memref<128x128xi32, #tpu.memory_space<vmem>>) offsets(%dma_start3A_53 : memref<128xi32, #tpu.memory_space<vmem>>) semaphore(%arg24 : memref<!tpu.dma_semaphore, #tpu.memory_space<semaphore_mem>>)
    %dma_start3A_57 = arith.constant 1 : i32
    %dma_start3A_58 = arith.constant 0 : i32
    %dma_start3A_59 = tpu.memref_slice %arg8[%dma_start3A_57, %dma_start3A_58] : memref<2x128xi32, #tpu.memory_space<vmem>> -> memref<1x128xi32, #tpu.memory_space<vmem>>
    %dma_start3A_60 = tpu.memref_squeeze %dma_start3A_59 : memref<1x128xi32, #tpu.memory_space<vmem>> -> memref<128xi32, #tpu.memory_space<vmem>>
    %dma_start3A_61 = arith.constant 0 : i32
    %dma_start3A_62 = arith.constant 0 : i32
    %dma_start3A_63 = tpu.memref_slice %arg3[%dma_start3A_61, %dma_start3A_62] : memref<10000x128xi32, #tpu.memory_space<hbm>> -> memref<10000x128xi32, #tpu.memory_space<hbm>>
    tpu.enqueue_indirect_dma source(%dma_start3A_63 : memref<10000x128xi32, #tpu.memory_space<hbm>>) target(%arg14 : memref<128x128xi32, #tpu.memory_space<vmem>>) offsets(%dma_start3A_60 : memref<128xi32, #tpu.memory_space<vmem>>) semaphore(%arg24 : memref<!tpu.dma_semaphore, #tpu.memory_space<semaphore_mem>>)
    %scan3A = arith.constant 0 : i32
    %scan3A_64 = arith.constant 25 : i32
    %scan3A_65 = arith.addi %scan3A, %scan3A_64 : i32
    %scan3A_66 = arith.constant 1 : i32
    scf.for %scan3A_301 = %scan3A to %scan3A_65 step %scan3A_66  : i32 {
      %mul3A_302 = arith.constant 1 : i32
      %mul3A_303 = arith.muli %scan3A_301, %mul3A_302 : i32
      %add3A_304 = arith.constant 0 : i32
      %add3A_305 = arith.addi %add3A_304, %mul3A_303 : i32
      %mul3A_306 = arith.constant 3 : i32
      %mul3A_307 = arith.muli %mul3A_306, %add3A_305 : i32
      %add3A_308 = arith.constant 0 : i32
      %add3A_309 = arith.addi %mul3A_307, %add3A_308 : i32
      %add3A_310 = arith.constant 2 : i32
      %add3A_311 = arith.addi %add3A_309, %add3A_310 : i32
      %mul3A_312 = arith.constant 32 : i32
      %mul3A_313 = arith.muli %add3A_311, %mul3A_312 : i32
      %add3A_314 = arith.addi %add3A, %mul3A_313 : i32
      %min3A_315 = arith.constant 2499 : i32
      %min3A_316 = arith.minsi %add3A_314, %min3A_315 : i32
      %mul3A_317 = arith.constant 128 : i32
      %mul3A_318 = arith.muli %min3A_316, %mul3A_317 : i32
      %dma_wait3A_319 = arith.constant 0 : i32
      %dma_wait3A_320 = tpu.memref_slice %arg4[%dma_wait3A_319, %mul3A_318] : memref<2x320000xi32, #tpu.memory_space<hbm>> -> memref<2x128xi32, #tpu.memory_space<hbm>>
      %dma_wait3A_321 = arith.constant 0 : i32
      %dma_wait3A_322 = tpu.memref_slice %arg4[%dma_wait3A_321, %mul3A_318] : memref<2x320000xi32, #tpu.memory_space<hbm>> -> memref<2x128xi32, #tpu.memory_space<hbm>>
      tpu.wait_dma2 semaphore(%arg22 : memref<!tpu.dma_semaphore, #tpu.memory_space<semaphore_mem>>) src(%dma_wait3A_322 : memref<2x128xi32, #tpu.memory_space<hbm>>) dst(%arg9 : memref<2x128xi32, #tpu.memory_space<vmem>>)
      %dma_start3A_323 = arith.constant 0 : i32
      %dma_start3A_324 = arith.constant 0 : i32
      %dma_start3A_325 = tpu.memref_slice %arg9[%dma_start3A_323, %dma_start3A_324] : memref<2x128xi32, #tpu.memory_space<vmem>> -> memref<1x128xi32, #tpu.memory_space<vmem>>
      %dma_start3A_326 = tpu.memref_squeeze %dma_start3A_325 : memref<1x128xi32, #tpu.memory_space<vmem>> -> memref<128xi32, #tpu.memory_space<vmem>>
      %dma_start3A_327 = arith.constant 0 : i32
      %dma_start3A_328 = arith.constant 0 : i32
      %dma_start3A_329 = tpu.memref_slice %arg2[%dma_start3A_327, %dma_start3A_328] : memref<10000x128xi32, #tpu.memory_space<hbm>> -> memref<10000x128xi32, #tpu.memory_space<hbm>>
      tpu.enqueue_indirect_dma source(%dma_start3A_329 : memref<10000x128xi32, #tpu.memory_space<hbm>>) target(%arg12 : memref<128x128xi32, #tpu.memory_space<vmem>>) offsets(%dma_start3A_326 : memref<128xi32, #tpu.memory_space<vmem>>) semaphore(%arg25 : memref<!tpu.dma_semaphore, #tpu.memory_space<semaphore_mem>>)
      %dma_start3A_330 = arith.constant 1 : i32
      %dma_start3A_331 = arith.constant 0 : i32
      %dma_start3A_332 = tpu.memref_slice %arg9[%dma_start3A_330, %dma_start3A_331] : memref<2x128xi32, #tpu.memory_space<vmem>> -> memref<1x128xi32, #tpu.memory_space<vmem>>
      %dma_start3A_333 = tpu.memref_squeeze %dma_start3A_332 : memref<1x128xi32, #tpu.memory_space<vmem>> -> memref<128xi32, #tpu.memory_space<vmem>>
      %dma_start3A_334 = arith.constant 0 : i32
      %dma_start3A_335 = arith.constant 0 : i32
      %dma_start3A_336 = tpu.memref_slice %arg3[%dma_start3A_334, %dma_start3A_335] : memref<10000x128xi32, #tpu.memory_space<hbm>> -> memref<10000x128xi32, #tpu.memory_space<hbm>>
      tpu.enqueue_indirect_dma source(%dma_start3A_336 : memref<10000x128xi32, #tpu.memory_space<hbm>>) target(%arg15 : memref<128x128xi32, #tpu.memory_space<vmem>>) offsets(%dma_start3A_333 : memref<128xi32, #tpu.memory_space<vmem>>) semaphore(%arg25 : memref<!tpu.dma_semaphore, #tpu.memory_space<semaphore_mem>>)
      %dma_wait3A_337 = arith.constant 0 : i32
      %dma_wait3A_338 = arith.constant 0 : i32
      %dma_wait3A_339 = tpu.memref_slice %arg7[%dma_wait3A_337, %dma_wait3A_338] : memref<2x128xi32, #tpu.memory_space<vmem>> -> memref<1x128xi32, #tpu.memory_space<vmem>>
      %dma_wait3A_340 = tpu.memref_squeeze %dma_wait3A_339 : memref<1x128xi32, #tpu.memory_space<vmem>> -> memref<128xi32, #tpu.memory_space<vmem>>
      %dma_wait3A_341 = arith.constant 0 : i32
      %dma_wait3A_342 = arith.constant 0 : i32
      %dma_wait3A_343 = tpu.memref_slice %arg2[%dma_wait3A_341, %dma_wait3A_342] : memref<10000x128xi32, #tpu.memory_space<hbm>> -> memref<10000x128xi32, #tpu.memory_space<hbm>>
      tpu.wait_indirect_dma semaphore(%arg23 : memref<!tpu.dma_semaphore, #tpu.memory_space<semaphore_mem>>) src(%dma_wait3A_343 : memref<10000x128xi32, #tpu.memory_space<hbm>>) dst(%arg10 : memref<128x128xi32, #tpu.memory_space<vmem>>)
      %dma_wait3A_344 = arith.constant 1 : i32
      %dma_wait3A_345 = arith.constant 0 : i32
      %dma_wait3A_346 = tpu.memref_slice %arg7[%dma_wait3A_344, %dma_wait3A_345] : memref<2x128xi32, #tpu.memory_space<vmem>> -> memref<1x128xi32, #tpu.memory_space<vmem>>
      %dma_wait3A_347 = tpu.memref_squeeze %dma_wait3A_346 : memref<1x128xi32, #tpu.memory_space<vmem>> -> memref<128xi32, #tpu.memory_space<vmem>>
      %dma_wait3A_348 = arith.constant 0 : i32
      %dma_wait3A_349 = arith.constant 0 : i32
      %dma_wait3A_350 = tpu.memref_slice %arg3[%dma_wait3A_348, %dma_wait3A_349] : memref<10000x128xi32, #tpu.memory_space<hbm>> -> memref<10000x128xi32, #tpu.memory_space<hbm>>
      tpu.wait_indirect_dma semaphore(%arg23 : memref<!tpu.dma_semaphore, #tpu.memory_space<semaphore_mem>>) src(%dma_wait3A_350 : memref<10000x128xi32, #tpu.memory_space<hbm>>) dst(%arg13 : memref<128x128xi32, #tpu.memory_space<vmem>>)
      %add3A_351 = arith.constant 3 : i32
      %add3A_352 = arith.addi %add3A_309, %add3A_351 : i32
      %mul3A_353 = arith.constant 32 : i32
      %mul3A_354 = arith.muli %add3A_352, %mul3A_353 : i32
      %add3A_355 = arith.addi %add3A, %mul3A_354 : i32
      %min3A_356 = arith.constant 2499 : i32
      %min3A_357 = arith.minsi %add3A_355, %min3A_356 : i32
      %mul3A_358 = arith.constant 128 : i32
      %mul3A_359 = arith.muli %min3A_357, %mul3A_358 : i32
      %dma_start3A_360 = arith.constant 0 : i32
      %dma_start3A_361 = tpu.memref_slice %arg4[%dma_start3A_360, %mul3A_359] : memref<2x320000xi32, #tpu.memory_space<hbm>> -> memref<2x128xi32, #tpu.memory_space<hbm>>
      %dma_start3A_362 = arith.constant 0 : i32
      %dma_start3A_363 = tpu.memref_slice %arg4[%dma_start3A_362, %mul3A_359] : memref<2x320000xi32, #tpu.memory_space<hbm>> -> memref<2x128xi32, #tpu.memory_space<hbm>>
      tpu.enqueue_dma source(%dma_start3A_363 : memref<2x128xi32, #tpu.memory_space<hbm>>) target(%arg7 : memref<2x128xi32, #tpu.memory_space<vmem>>) target_semaphore(%arg20 : memref<!tpu.dma_semaphore, #tpu.memory_space<semaphore_mem>>)
      %ge3A = arith.constant 3 : i32
      %ge3A_364 = arith.cmpi sge, %add3A_309, %ge3A : i32
      %convert_element_type3A = arith.extui %ge3A_364 : i1 to i32
      %cond3A = arith.constant 0 : i32
      %cond3A_365 = arith.cmpi ne, %convert_element_type3A, %cond3A : i32
      scf.if %cond3A_365 {
        %sub3A = arith.constant 3 : i32
        %sub3A_528 = arith.subi %add3A_309, %sub3A : i32
        %mul3A_529 = arith.constant 32 : i32
        %mul3A_530 = arith.muli %sub3A_528, %mul3A_529 : i32
        %add3A_531 = arith.addi %add3A, %mul3A_530 : i32
        %min3A_532 = arith.constant 2499 : i32
        %min3A_533 = arith.minsi %add3A_531, %min3A_532 : i32
        %mul3A_534 = arith.constant 128 : i32
        %mul3A_535 = arith.muli %min3A_533, %mul3A_534 : i32
        %dma_wait3A_536 = tpu.memref_slice %arg6[%mul3A_535] : memref<320000xf32, #tpu.memory_space<hbm>> -> memref<128xf32, #tpu.memory_space<hbm>>
        %dma_wait3A_537 = tpu.memref_slice %arg6[%mul3A_535] : memref<320000xf32, #tpu.memory_space<hbm>> -> memref<128xf32, #tpu.memory_space<hbm>>
        tpu.wait_dma2 semaphore(%arg26 : memref<!tpu.dma_semaphore, #tpu.memory_space<semaphore_mem>>) src(%arg16 : memref<128xf32, #tpu.memory_space<vmem>>) dst(%dma_wait3A_537 : memref<128xf32, #tpu.memory_space<hbm>>)
      } else {
      }
      %parallel_loop3A_366 = arith.constant 0 : i32
      %parallel_loop3A_367 = arith.constant 128 : i32
      %parallel_loop3A_368 = arith.constant 1 : i32
      scf.for %parallel_loop3A_528 = %parallel_loop3A_366 to %parallel_loop3A_367 step %parallel_loop3A_368  : i32 {
        %parallel_loop3A_529 = arith.constant 0 : index
        %parallel_loop3A_530 = tpu.vector_load %arg19[%parallel_loop3A_529] {strides = array<i32>} : memref<16xf32, #tpu.memory_space<vmem>>, vector<16xf32>,
        %parallel_loop3A_531 = arith.index_cast %parallel_loop3A_528 : i32 to index
        %parallel_loop3A_532 = arith.constant 0 : index
        %parallel_loop3A_533 = tpu.vector_load %arg10[%parallel_loop3A_531, %parallel_loop3A_532] {strides = array<i32>} : memref<128x128xi32, #tpu.memory_space<vmem>>, vector<16xi32>,
        %parallel_loop3A_534 = arith.index_cast %parallel_loop3A_528 : i32 to index
        %parallel_loop3A_535 = arith.constant 0 : index
        %parallel_loop3A_536 = tpu.vector_load %arg13[%parallel_loop3A_534, %parallel_loop3A_535] {strides = array<i32>} : memref<128x128xi32, #tpu.memory_space<vmem>>, vector<16xi32>,
        %parallel_loop3A_537 = vector.bitcast %parallel_loop3A_533 : vector<16xi32> to vector<32xbf16>
        %parallel_loop3A_538 = vector.bitcast %parallel_loop3A_536 : vector<16xi32> to vector<32xbf16>
        %parallel_loop3A_539 = arith.mulf %parallel_loop3A_537, %parallel_loop3A_538 : vector<32xbf16>
        %parallel_loop3A_540 = tpu.unpack_subelements %parallel_loop3A_539, 0 {pack_format = #tpu.pack_format<interleaved>} : vector<32xbf16> -> vector<16xf32>
        %parallel_loop3A_541 = tpu.unpack_subelements %parallel_loop3A_539, 1 {pack_format = #tpu.pack_format<interleaved>} : vector<32xbf16> -> vector<16xf32>
        %parallel_loop3A_542 = arith.addf %parallel_loop3A_540, %parallel_loop3A_541 : vector<16xf32>
        %parallel_loop3A_543 = arith.addf %parallel_loop3A_530, %parallel_loop3A_542 : vector<16xf32>
        %parallel_loop3A_544 = arith.index_cast %parallel_loop3A_528 : i32 to index
        %parallel_loop3A_545 = arith.constant 16 : index
        %parallel_loop3A_546 = tpu.vector_load %arg10[%parallel_loop3A_544, %parallel_loop3A_545] {strides = array<i32>} : memref<128x128xi32, #tpu.memory_space<vmem>>, vector<16xi32>,
        %parallel_loop3A_547 = arith.index_cast %parallel_loop3A_528 : i32 to index
        %parallel_loop3A_548 = arith.constant 16 : index
        %parallel_loop3A_549 = tpu.vector_load %arg13[%parallel_loop3A_547, %parallel_loop3A_548] {strides = array<i32>} : memref<128x128xi32, #tpu.memory_space<vmem>>, vector<16xi32>,
        %parallel_loop3A_550 = vector.bitcast %parallel_loop3A_546 : vector<16xi32> to vector<32xbf16>
        %parallel_loop3A_551 = vector.bitcast %parallel_loop3A_549 : vector<16xi32> to vector<32xbf16>
        %parallel_loop3A_552 = arith.mulf %parallel_loop3A_550, %parallel_loop3A_551 : vector<32xbf16>
        %parallel_loop3A_553 = tpu.unpack_subelements %parallel_loop3A_552, 0 {pack_format = #tpu.pack_format<interleaved>} : vector<32xbf16> -> vector<16xf32>
        %parallel_loop3A_554 = tpu.unpack_subelements %parallel_loop3A_552, 1 {pack_format = #tpu.pack_format<interleaved>} : vector<32xbf16> -> vector<16xf32>
        %parallel_loop3A_555 = arith.addf %parallel_loop3A_553, %parallel_loop3A_554 : vector<16xf32>
        %parallel_loop3A_556 = arith.index_cast %parallel_loop3A_528 : i32 to index
        %parallel_loop3A_557 = arith.constant 32 : index
        %parallel_loop3A_558 = tpu.vector_load %arg10[%parallel_loop3A_556, %parallel_loop3A_557] {strides = array<i32>} : memref<128x128xi32, #tpu.memory_space<vmem>>, vector<16xi32>,
        %parallel_loop3A_559 = arith.index_cast %parallel_loop3A_528 : i32 to index
        %parallel_loop3A_560 = arith.constant 32 : index
        %parallel_loop3A_561 = tpu.vector_load %arg13[%parallel_loop3A_559, %parallel_loop3A_560] {strides = array<i32>} : memref<128x128xi32, #tpu.memory_space<vmem>>, vector<16xi32>,
        %parallel_loop3A_562 = vector.bitcast %parallel_loop3A_558 : vector<16xi32> to vector<32xbf16>
        %parallel_loop3A_563 = vector.bitcast %parallel_loop3A_561 : vector<16xi32> to vector<32xbf16>
        %parallel_loop3A_564 = arith.mulf %parallel_loop3A_562, %parallel_loop3A_563 : vector<32xbf16>
        %parallel_loop3A_565 = tpu.unpack_subelements %parallel_loop3A_564, 0 {pack_format = #tpu.pack_format<interleaved>} : vector<32xbf16> -> vector<16xf32>
        %parallel_loop3A_566 = tpu.unpack_subelements %parallel_loop3A_564, 1 {pack_format = #tpu.pack_format<interleaved>} : vector<32xbf16> -> vector<16xf32>
        %parallel_loop3A_567 = arith.addf %parallel_loop3A_565, %parallel_loop3A_566 : vector<16xf32>
        %parallel_loop3A_568 = arith.index_cast %parallel_loop3A_528 : i32 to index
        %parallel_loop3A_569 = arith.constant 48 : index
        %parallel_loop3A_570 = tpu.vector_load %arg10[%parallel_loop3A_568, %parallel_loop3A_569] {strides = array<i32>} : memref<128x128xi32, #tpu.memory_space<vmem>>, vector<16xi32>,
        %parallel_loop3A_571 = arith.index_cast %parallel_loop3A_528 : i32 to index
        %parallel_loop3A_572 = arith.constant 48 : index
        %parallel_loop3A_573 = tpu.vector_load %arg13[%parallel_loop3A_571, %parallel_loop3A_572] {strides = array<i32>} : memref<128x128xi32, #tpu.memory_space<vmem>>, vector<16xi32>,
        %parallel_loop3A_574 = vector.bitcast %parallel_loop3A_570 : vector<16xi32> to vector<32xbf16>
        %parallel_loop3A_575 = vector.bitcast %parallel_loop3A_573 : vector<16xi32> to vector<32xbf16>
        %parallel_loop3A_576 = arith.mulf %parallel_loop3A_574, %parallel_loop3A_575 : vector<32xbf16>
        %parallel_loop3A_577 = tpu.unpack_subelements %parallel_loop3A_576, 0 {pack_format = #tpu.pack_format<interleaved>} : vector<32xbf16> -> vector<16xf32>
        %parallel_loop3A_578 = tpu.unpack_subelements %parallel_loop3A_576, 1 {pack_format = #tpu.pack_format<interleaved>} : vector<32xbf16> -> vector<16xf32>
        %parallel_loop3A_579 = arith.addf %parallel_loop3A_577, %parallel_loop3A_578 : vector<16xf32>
        %parallel_loop3A_580 = arith.index_cast %parallel_loop3A_528 : i32 to index
        %parallel_loop3A_581 = arith.constant 64 : index
        %parallel_loop3A_582 = tpu.vector_load %arg10[%parallel_loop3A_580, %parallel_loop3A_581] {strides = array<i32>} : memref<128x128xi32, #tpu.memory_space<vmem>>, vector<16xi32>,
        %parallel_loop3A_583 = arith.index_cast %parallel_loop3A_528 : i32 to index
        %parallel_loop3A_584 = arith.constant 64 : index
        %parallel_loop3A_585 = tpu.vector_load %arg13[%parallel_loop3A_583, %parallel_loop3A_584] {strides = array<i32>} : memref<128x128xi32, #tpu.memory_space<vmem>>, vector<16xi32>,
        %parallel_loop3A_586 = vector.bitcast %parallel_loop3A_582 : vector<16xi32> to vector<32xbf16>
        %parallel_loop3A_587 = vector.bitcast %parallel_loop3A_585 : vector<16xi32> to vector<32xbf16>
        %parallel_loop3A_588 = arith.mulf %parallel_loop3A_586, %parallel_loop3A_587 : vector<32xbf16>
        %parallel_loop3A_589 = tpu.unpack_subelements %parallel_loop3A_588, 0 {pack_format = #tpu.pack_format<interleaved>} : vector<32xbf16> -> vector<16xf32>
        %parallel_loop3A_590 = tpu.unpack_subelements %parallel_loop3A_588, 1 {pack_format = #tpu.pack_format<interleaved>} : vector<32xbf16> -> vector<16xf32>
        %parallel_loop3A_591 = arith.addf %parallel_loop3A_589, %parallel_loop3A_590 : vector<16xf32>
        %parallel_loop3A_592 = arith.addf %parallel_loop3A_543, %parallel_loop3A_591 : vector<16xf32>
        %parallel_loop3A_593 = arith.index_cast %parallel_loop3A_528 : i32 to index
        %parallel_loop3A_594 = arith.constant 80 : index
        %parallel_loop3A_595 = tpu.vector_load %arg10[%parallel_loop3A_593, %parallel_loop3A_594] {strides = array<i32>} : memref<128x128xi32, #tpu.memory_space<vmem>>, vector<16xi32>,
        %parallel_loop3A_596 = arith.index_cast %parallel_loop3A_528 : i32 to index
        %parallel_loop3A_597 = arith.constant 80 : index
        %parallel_loop3A_598 = tpu.vector_load %arg13[%parallel_loop3A_596, %parallel_loop3A_597] {strides = array<i32>} : memref<128x128xi32, #tpu.memory_space<vmem>>, vector<16xi32>,
        %parallel_loop3A_599 = vector.bitcast %parallel_loop3A_595 : vector<16xi32> to vector<32xbf16>
        %parallel_loop3A_600 = vector.bitcast %parallel_loop3A_598 : vector<16xi32> to vector<32xbf16>
        %parallel_loop3A_601 = arith.mulf %parallel_loop3A_599, %parallel_loop3A_600 : vector<32xbf16>
        %parallel_loop3A_602 = tpu.unpack_subelements %parallel_loop3A_601, 0 {pack_format = #tpu.pack_format<interleaved>} : vector<32xbf16> -> vector<16xf32>
        %parallel_loop3A_603 = tpu.unpack_subelements %parallel_loop3A_601, 1 {pack_format = #tpu.pack_format<interleaved>} : vector<32xbf16> -> vector<16xf32>
        %parallel_loop3A_604 = arith.addf %parallel_loop3A_602, %parallel_loop3A_603 : vector<16xf32>
        %parallel_loop3A_605 = arith.addf %parallel_loop3A_555, %parallel_loop3A_604 : vector<16xf32>
        %parallel_loop3A_606 = arith.index_cast %parallel_loop3A_528 : i32 to index
        %parallel_loop3A_607 = arith.constant 96 : index
        %parallel_loop3A_608 = tpu.vector_load %arg10[%parallel_loop3A_606, %parallel_loop3A_607] {strides = array<i32>} : memref<128x128xi32, #tpu.memory_space<vmem>>, vector<16xi32>,
        %parallel_loop3A_609 = arith.index_cast %parallel_loop3A_528 : i32 to index
        %parallel_loop3A_610 = arith.constant 96 : index
        %parallel_loop3A_611 = tpu.vector_load %arg13[%parallel_loop3A_609, %parallel_loop3A_610] {strides = array<i32>} : memref<128x128xi32, #tpu.memory_space<vmem>>, vector<16xi32>,
        %parallel_loop3A_612 = vector.bitcast %parallel_loop3A_608 : vector<16xi32> to vector<32xbf16>
        %parallel_loop3A_613 = vector.bitcast %parallel_loop3A_611 : vector<16xi32> to vector<32xbf16>
        %parallel_loop3A_614 = arith.mulf %parallel_loop3A_612, %parallel_loop3A_613 : vector<32xbf16>
        %parallel_loop3A_615 = tpu.unpack_subelements %parallel_loop3A_614, 0 {pack_format = #tpu.pack_format<interleaved>} : vector<32xbf16> -> vector<16xf32>
        %parallel_loop3A_616 = tpu.unpack_subelements %parallel_loop3A_614, 1 {pack_format = #tpu.pack_format<interleaved>} : vector<32xbf16> -> vector<16xf32>
        %parallel_loop3A_617 = arith.addf %parallel_loop3A_615, %parallel_loop3A_616 : vector<16xf32>
        %parallel_loop3A_618 = arith.addf %parallel_loop3A_567, %parallel_loop3A_617 : vector<16xf32>
        %parallel_loop3A_619 = arith.index_cast %parallel_loop3A_528 : i32 to index
        %parallel_loop3A_620 = arith.constant 112 : index
        %parallel_loop3A_621 = tpu.vector_load %arg10[%parallel_loop3A_619, %parallel_loop3A_620] {strides = array<i32>} : memref<128x128xi32, #tpu.memory_space<vmem>>, vector<16xi32>,
        %parallel_loop3A_622 = arith.index_cast %parallel_loop3A_528 : i32 to index
        %parallel_loop3A_623 = arith.constant 112 : index
        %parallel_loop3A_624 = tpu.vector_load %arg13[%parallel_loop3A_622, %parallel_loop3A_623] {strides = array<i32>} : memref<128x128xi32, #tpu.memory_space<vmem>>, vector<16xi32>,
        %parallel_loop3A_625 = vector.bitcast %parallel_loop3A_621 : vector<16xi32> to vector<32xbf16>
        %parallel_loop3A_626 = vector.bitcast %parallel_loop3A_624 : vector<16xi32> to vector<32xbf16>
        %parallel_loop3A_627 = arith.mulf %parallel_loop3A_625, %parallel_loop3A_626 : vector<32xbf16>
        %parallel_loop3A_628 = tpu.unpack_subelements %parallel_loop3A_627, 0 {pack_format = #tpu.pack_format<interleaved>} : vector<32xbf16> -> vector<16xf32>
        %parallel_loop3A_629 = tpu.unpack_subelements %parallel_loop3A_627, 1 {pack_format = #tpu.pack_format<interleaved>} : vector<32xbf16> -> vector<16xf32>
        %parallel_loop3A_630 = arith.addf %parallel_loop3A_628, %parallel_loop3A_629 : vector<16xf32>
        %parallel_loop3A_631 = arith.addf %parallel_loop3A_579, %parallel_loop3A_630 : vector<16xf32>
        %parallel_loop3A_632 = arith.addf %parallel_loop3A_592, %parallel_loop3A_605 : vector<16xf32>
        %parallel_loop3A_633 = arith.addf %parallel_loop3A_618, %parallel_loop3A_631 : vector<16xf32>
        %parallel_loop3A_634 = arith.addf %parallel_loop3A_632, %parallel_loop3A_633 : vector<16xf32>
        %parallel_loop3A_635 = arith.constant true
        %parallel_loop3A_636 = vector.broadcast %parallel_loop3A_635 : i1 to vector<16xi1>
        %parallel_loop3A_637 = tpu.scan <sum>, %parallel_loop3A_634 masked %parallel_loop3A_636 : vector<16xf32>, vector<16xi1> -> vector<16xf32>
        %parallel_loop3A_638 = vector.broadcast %parallel_loop3A_528 : i32 to vector<16xi32>
        tpu.vector_store_idx %arg16[%parallel_loop3A_638], %parallel_loop3A_637 masked %eq3A_2 : memref<128xf32, #tpu.memory_space<vmem>>[vector<16xi32>], vector<16xf32>, vector<16xi1>
      } {sc.loop_unroll_factor = 2 : i64, sc.parallel_access}
      %mul3A_369 = arith.constant 32 : i32
      %mul3A_370 = arith.muli %add3A_309, %mul3A_369 : i32
      %add3A_371 = arith.addi %add3A, %mul3A_370 : i32
      %min3A_372 = arith.constant 2499 : i32
      %min3A_373 = arith.minsi %add3A_371, %min3A_372 : i32
      %mul3A_374 = arith.constant 128 : i32
      %mul3A_375 = arith.muli %min3A_373, %mul3A_374 : i32
      %dma_start3A_376 = tpu.memref_slice %arg6[%mul3A_375] : memref<320000xf32, #tpu.memory_space<hbm>> -> memref<128xf32, #tpu.memory_space<hbm>>
      %dma_start3A_377 = tpu.memref_slice %arg6[%mul3A_375] : memref<320000xf32, #tpu.memory_space<hbm>> -> memref<128xf32, #tpu.memory_space<hbm>>
      tpu.enqueue_dma source(%arg16 : memref<128xf32, #tpu.memory_space<vmem>>) target(%dma_start3A_377 : memref<128xf32, #tpu.memory_space<hbm>>) target_semaphore(%arg26 : memref<!tpu.dma_semaphore, #tpu.memory_space<semaphore_mem>>)
      %mul3A_378 = arith.constant 3 : i32
      %mul3A_379 = arith.muli %mul3A_378, %add3A_305 : i32
      %add3A_380 = arith.constant 1 : i32
      %add3A_381 = arith.addi %mul3A_379, %add3A_380 : i32
      %add3A_382 = arith.constant 2 : i32
      %add3A_383 = arith.addi %add3A_381, %add3A_382 : i32
      %mul3A_384 = arith.constant 32 : i32
      %mul3A_385 = arith.muli %add3A_383, %mul3A_384 : i32
      %add3A_386 = arith.addi %add3A, %mul3A_385 : i32
      %min3A_387 = arith.constant 2499 : i32
      %min3A_388 = arith.minsi %add3A_386, %min3A_387 : i32
      %mul3A_389 = arith.constant 128 : i32
      %mul3A_390 = arith.muli %min3A_388, %mul3A_389 : i32
      %dma_wait3A_391 = arith.constant 0 : i32
      %dma_wait3A_392 = tpu.memref_slice %arg4[%dma_wait3A_391, %mul3A_390] : memref<2x320000xi32, #tpu.memory_space<hbm>> -> memref<2x128xi32, #tpu.memory_space<hbm>>
      %dma_wait3A_393 = arith.constant 0 : i32
      %dma_wait3A_394 = tpu.memref_slice %arg4[%dma_wait3A_393, %mul3A_390] : memref<2x320000xi32, #tpu.memory_space<hbm>> -> memref<2x128xi32, #tpu.memory_space<hbm>>
      tpu.wait_dma2 semaphore(%arg20 : memref<!tpu.dma_semaphore, #tpu.memory_space<semaphore_mem>>) src(%dma_wait3A_394 : memref<2x128xi32, #tpu.memory_space<hbm>>) dst(%arg7 : memref<2x128xi32, #tpu.memory_space<vmem>>)
      %dma_start3A_395 = arith.constant 0 : i32
      %dma_start3A_396 = arith.constant 0 : i32
      %dma_start3A_397 = tpu.memref_slice %arg7[%dma_start3A_395, %dma_start3A_396] : memref<2x128xi32, #tpu.memory_space<vmem>> -> memref<1x128xi32, #tpu.memory_space<vmem>>
      %dma_start3A_398 = tpu.memref_squeeze %dma_start3A_397 : memref<1x128xi32, #tpu.memory_space<vmem>> -> memref<128xi32, #tpu.memory_space<vmem>>
      %dma_start3A_399 = arith.constant 0 : i32
      %dma_start3A_400 = arith.constant 0 : i32
      %dma_start3A_401 = tpu.memref_slice %arg2[%dma_start3A_399, %dma_start3A_400] : memref<10000x128xi32, #tpu.memory_space<hbm>> -> memref<10000x128xi32, #tpu.memory_space<hbm>>
      tpu.enqueue_indirect_dma source(%dma_start3A_401 : memref<10000x128xi32, #tpu.memory_space<hbm>>) target(%arg10 : memref<128x128xi32, #tpu.memory_space<vmem>>) offsets(%dma_start3A_398 : memref<128xi32, #tpu.memory_space<vmem>>) semaphore(%arg23 : memref<!tpu.dma_semaphore, #tpu.memory_space<semaphore_mem>>)
      %dma_start3A_402 = arith.constant 1 : i32
      %dma_start3A_403 = arith.constant 0 : i32
      %dma_start3A_404 = tpu.memref_slice %arg7[%dma_start3A_402, %dma_start3A_403] : memref<2x128xi32, #tpu.memory_space<vmem>> -> memref<1x128xi32, #tpu.memory_space<vmem>>
      %dma_start3A_405 = tpu.memref_squeeze %dma_start3A_404 : memref<1x128xi32, #tpu.memory_space<vmem>> -> memref<128xi32, #tpu.memory_space<vmem>>
      %dma_start3A_406 = arith.constant 0 : i32
      %dma_start3A_407 = arith.constant 0 : i32
      %dma_start3A_408 = tpu.memref_slice %arg3[%dma_start3A_406, %dma_start3A_407] : memref<10000x128xi32, #tpu.memory_space<hbm>> -> memref<10000x128xi32, #tpu.memory_space<hbm>>
      tpu.enqueue_indirect_dma source(%dma_start3A_408 : memref<10000x128xi32, #tpu.memory_space<hbm>>) target(%arg13 : memref<128x128xi32, #tpu.memory_space<vmem>>) offsets(%dma_start3A_405 : memref<128xi32, #tpu.memory_space<vmem>>) semaphore(%arg23 : memref<!tpu.dma_semaphore, #tpu.memory_space<semaphore_mem>>)
      %dma_wait3A_409 = arith.constant 0 : i32
      %dma_wait3A_410 = arith.constant 0 : i32
      %dma_wait3A_411 = tpu.memref_slice %arg8[%dma_wait3A_409, %dma_wait3A_410] : memref<2x128xi32, #tpu.memory_space<vmem>> -> memref<1x128xi32, #tpu.memory_space<vmem>>
      %dma_wait3A_412 = tpu.memref_squeeze %dma_wait3A_411 : memref<1x128xi32, #tpu.memory_space<vmem>> -> memref<128xi32, #tpu.memory_space<vmem>>
      %dma_wait3A_413 = arith.constant 0 : i32
      %dma_wait3A_414 = arith.constant 0 : i32
      %dma_wait3A_415 = tpu.memref_slice %arg2[%dma_wait3A_413, %dma_wait3A_414] : memref<10000x128xi32, #tpu.memory_space<hbm>> -> memref<10000x128xi32, #tpu.memory_space<hbm>>
      tpu.wait_indirect_dma semaphore(%arg24 : memref<!tpu.dma_semaphore, #tpu.memory_space<semaphore_mem>>) src(%dma_wait3A_415 : memref<10000x128xi32, #tpu.memory_space<hbm>>) dst(%arg11 : memref<128x128xi32, #tpu.memory_space<vmem>>)
      %dma_wait3A_416 = arith.constant 1 : i32
      %dma_wait3A_417 = arith.constant 0 : i32
      %dma_wait3A_418 = tpu.memref_slice %arg8[%dma_wait3A_416, %dma_wait3A_417] : memref<2x128xi32, #tpu.memory_space<vmem>> -> memref<1x128xi32, #tpu.memory_space<vmem>>
      %dma_wait3A_419 = tpu.memref_squeeze %dma_wait3A_418 : memref<1x128xi32, #tpu.memory_space<vmem>> -> memref<128xi32, #tpu.memory_space<vmem>>
      %dma_wait3A_420 = arith.constant 0 : i32
      %dma_wait3A_421 = arith.constant 0 : i32
      %dma_wait3A_422 = tpu.memref_slice %arg3[%dma_wait3A_420, %dma_wait3A_421] : memref<10000x128xi32, #tpu.memory_space<hbm>> -> memref<10000x128xi32, #tpu.memory_space<hbm>>
      tpu.wait_indirect_dma semaphore(%arg24 : memref<!tpu.dma_semaphore, #tpu.memory_space<semaphore_mem>>) src(%dma_wait3A_422 : memref<10000x128xi32, #tpu.memory_space<hbm>>) dst(%arg14 : memref<128x128xi32, #tpu.memory_space<vmem>>)
      %add3A_423 = arith.constant 3 : i32
      %add3A_424 = arith.addi %add3A_381, %add3A_423 : i32
      %mul3A_425 = arith.constant 32 : i32
      %mul3A_426 = arith.muli %add3A_424, %mul3A_425 : i32
      %add3A_427 = arith.addi %add3A, %mul3A_426 : i32
      %min3A_428 = arith.constant 2499 : i32
      %min3A_429 = arith.minsi %add3A_427, %min3A_428 : i32
      %mul3A_430 = arith.constant 128 : i32
      %mul3A_431 = arith.muli %min3A_429, %mul3A_430 : i32
      %dma_start3A_432 = arith.constant 0 : i32
      %dma_start3A_433 = tpu.memref_slice %arg4[%dma_start3A_432, %mul3A_431] : memref<2x320000xi32, #tpu.memory_space<hbm>> -> memref<2x128xi32, #tpu.memory_space<hbm>>
      %dma_start3A_434 = arith.constant 0 : i32
      %dma_start3A_435 = tpu.memref_slice %arg4[%dma_start3A_434, %mul3A_431] : memref<2x320000xi32, #tpu.memory_space<hbm>> -> memref<2x128xi32, #tpu.memory_space<hbm>>
      tpu.enqueue_dma source(%dma_start3A_435 : memref<2x128xi32, #tpu.memory_space<hbm>>) target(%arg8 : memref<2x128xi32, #tpu.memory_space<vmem>>) target_semaphore(%arg21 : memref<!tpu.dma_semaphore, #tpu.memory_space<semaphore_mem>>)
      %ge3A_436 = arith.constant 3 : i32
      %ge3A_437 = arith.cmpi sge, %add3A_381, %ge3A_436 : i32
      %convert_element_type3A_438 = arith.extui %ge3A_437 : i1 to i32
      %cond3A_439 = arith.constant 0 : i32
      %cond3A_440 = arith.cmpi ne, %convert_element_type3A_438, %cond3A_439 : i32
      scf.if %cond3A_440 {
        %sub3A = arith.constant 3 : i32
        %sub3A_528 = arith.subi %add3A_381, %sub3A : i32
        %mul3A_529 = arith.constant 32 : i32
        %mul3A_530 = arith.muli %sub3A_528, %mul3A_529 : i32
        %add3A_531 = arith.addi %add3A, %mul3A_530 : i32
        %min3A_532 = arith.constant 2499 : i32
        %min3A_533 = arith.minsi %add3A_531, %min3A_532 : i32
        %mul3A_534 = arith.constant 128 : i32
        %mul3A_535 = arith.muli %min3A_533, %mul3A_534 : i32
        %dma_wait3A_536 = tpu.memref_slice %arg6[%mul3A_535] : memref<320000xf32, #tpu.memory_space<hbm>> -> memref<128xf32, #tpu.memory_space<hbm>>
        %dma_wait3A_537 = tpu.memref_slice %arg6[%mul3A_535] : memref<320000xf32, #tpu.memory_space<hbm>> -> memref<128xf32, #tpu.memory_space<hbm>>
        tpu.wait_dma2 semaphore(%arg27 : memref<!tpu.dma_semaphore, #tpu.memory_space<semaphore_mem>>) src(%arg17 : memref<128xf32, #tpu.memory_space<vmem>>) dst(%dma_wait3A_537 : memref<128xf32, #tpu.memory_space<hbm>>)
      } else {
      }
      %parallel_loop3A_441 = arith.constant 0 : i32
      %parallel_loop3A_442 = arith.constant 128 : i32
      %parallel_loop3A_443 = arith.constant 1 : i32
      scf.for %parallel_loop3A_528 = %parallel_loop3A_441 to %parallel_loop3A_442 step %parallel_loop3A_443  : i32 {
        %parallel_loop3A_529 = arith.constant 0 : index
        %parallel_loop3A_530 = tpu.vector_load %arg19[%parallel_loop3A_529] {strides = array<i32>} : memref<16xf32, #tpu.memory_space<vmem>>, vector<16xf32>,
        %parallel_loop3A_531 = arith.index_cast %parallel_loop3A_528 : i32 to index
        %parallel_loop3A_532 = arith.constant 0 : index
        %parallel_loop3A_533 = tpu.vector_load %arg11[%parallel_loop3A_531, %parallel_loop3A_532] {strides = array<i32>} : memref<128x128xi32, #tpu.memory_space<vmem>>, vector<16xi32>,
        %parallel_loop3A_534 = arith.index_cast %parallel_loop3A_528 : i32 to index
        %parallel_loop3A_535 = arith.constant 0 : index
        %parallel_loop3A_536 = tpu.vector_load %arg14[%parallel_loop3A_534, %parallel_loop3A_535] {strides = array<i32>} : memref<128x128xi32, #tpu.memory_space<vmem>>, vector<16xi32>,
        %parallel_loop3A_537 = vector.bitcast %parallel_loop3A_533 : vector<16xi32> to vector<32xbf16>
        %parallel_loop3A_538 = vector.bitcast %parallel_loop3A_536 : vector<16xi32> to vector<32xbf16>
        %parallel_loop3A_539 = arith.mulf %parallel_loop3A_537, %parallel_loop3A_538 : vector<32xbf16>
        %parallel_loop3A_540 = tpu.unpack_subelements %parallel_loop3A_539, 0 {pack_format = #tpu.pack_format<interleaved>} : vector<32xbf16> -> vector<16xf32>
        %parallel_loop3A_541 = tpu.unpack_subelements %parallel_loop3A_539, 1 {pack_format = #tpu.pack_format<interleaved>} : vector<32xbf16> -> vector<16xf32>
        %parallel_loop3A_542 = arith.addf %parallel_loop3A_540, %parallel_loop3A_541 : vector<16xf32>
        %parallel_loop3A_543 = arith.addf %parallel_loop3A_530, %parallel_loop3A_542 : vector<16xf32>
        %parallel_loop3A_544 = arith.index_cast %parallel_loop3A_528 : i32 to index
        %parallel_loop3A_545 = arith.constant 16 : index
        %parallel_loop3A_546 = tpu.vector_load %arg11[%parallel_loop3A_544, %parallel_loop3A_545] {strides = array<i32>} : memref<128x128xi32, #tpu.memory_space<vmem>>, vector<16xi32>,
        %parallel_loop3A_547 = arith.index_cast %parallel_loop3A_528 : i32 to index
        %parallel_loop3A_548 = arith.constant 16 : index
        %parallel_loop3A_549 = tpu.vector_load %arg14[%parallel_loop3A_547, %parallel_loop3A_548] {strides = array<i32>} : memref<128x128xi32, #tpu.memory_space<vmem>>, vector<16xi32>,
        %parallel_loop3A_550 = vector.bitcast %parallel_loop3A_546 : vector<16xi32> to vector<32xbf16>
        %parallel_loop3A_551 = vector.bitcast %parallel_loop3A_549 : vector<16xi32> to vector<32xbf16>
        %parallel_loop3A_552 = arith.mulf %parallel_loop3A_550, %parallel_loop3A_551 : vector<32xbf16>
        %parallel_loop3A_553 = tpu.unpack_subelements %parallel_loop3A_552, 0 {pack_format = #tpu.pack_format<interleaved>} : vector<32xbf16> -> vector<16xf32>
        %parallel_loop3A_554 = tpu.unpack_subelements %parallel_loop3A_552, 1 {pack_format = #tpu.pack_format<interleaved>} : vector<32xbf16> -> vector<16xf32>
        %parallel_loop3A_555 = arith.addf %parallel_loop3A_553, %parallel_loop3A_554 : vector<16xf32>
        %parallel_loop3A_556 = arith.index_cast %parallel_loop3A_528 : i32 to index
        %parallel_loop3A_557 = arith.constant 32 : index
        %parallel_loop3A_558 = tpu.vector_load %arg11[%parallel_loop3A_556, %parallel_loop3A_557] {strides = array<i32>} : memref<128x128xi32, #tpu.memory_space<vmem>>, vector<16xi32>,
        %parallel_loop3A_559 = arith.index_cast %parallel_loop3A_528 : i32 to index
        %parallel_loop3A_560 = arith.constant 32 : index
        %parallel_loop3A_561 = tpu.vector_load %arg14[%parallel_loop3A_559, %parallel_loop3A_560] {strides = array<i32>} : memref<128x128xi32, #tpu.memory_space<vmem>>, vector<16xi32>,
        %parallel_loop3A_562 = vector.bitcast %parallel_loop3A_558 : vector<16xi32> to vector<32xbf16>
        %parallel_loop3A_563 = vector.bitcast %parallel_loop3A_561 : vector<16xi32> to vector<32xbf16>
        %parallel_loop3A_564 = arith.mulf %parallel_loop3A_562, %parallel_loop3A_563 : vector<32xbf16>
        %parallel_loop3A_565 = tpu.unpack_subelements %parallel_loop3A_564, 0 {pack_format = #tpu.pack_format<interleaved>} : vector<32xbf16> -> vector<16xf32>
        %parallel_loop3A_566 = tpu.unpack_subelements %parallel_loop3A_564, 1 {pack_format = #tpu.pack_format<interleaved>} : vector<32xbf16> -> vector<16xf32>
        %parallel_loop3A_567 = arith.addf %parallel_loop3A_565, %parallel_loop3A_566 : vector<16xf32>
        %parallel_loop3A_568 = arith.index_cast %parallel_loop3A_528 : i32 to index
        %parallel_loop3A_569 = arith.constant 48 : index
        %parallel_loop3A_570 = tpu.vector_load %arg11[%parallel_loop3A_568, %parallel_loop3A_569] {strides = array<i32>} : memref<128x128xi32, #tpu.memory_space<vmem>>, vector<16xi32>,
        %parallel_loop3A_571 = arith.index_cast %parallel_loop3A_528 : i32 to index
        %parallel_loop3A_572 = arith.constant 48 : index
        %parallel_loop3A_573 = tpu.vector_load %arg14[%parallel_loop3A_571, %parallel_loop3A_572] {strides = array<i32>} : memref<128x128xi32, #tpu.memory_space<vmem>>, vector<16xi32>,
        %parallel_loop3A_574 = vector.bitcast %parallel_loop3A_570 : vector<16xi32> to vector<32xbf16>
        %parallel_loop3A_575 = vector.bitcast %parallel_loop3A_573 : vector<16xi32> to vector<32xbf16>
        %parallel_loop3A_576 = arith.mulf %parallel_loop3A_574, %parallel_loop3A_575 : vector<32xbf16>
        %parallel_loop3A_577 = tpu.unpack_subelements %parallel_loop3A_576, 0 {pack_format = #tpu.pack_format<interleaved>} : vector<32xbf16> -> vector<16xf32>
        %parallel_loop3A_578 = tpu.unpack_subelements %parallel_loop3A_576, 1 {pack_format = #tpu.pack_format<interleaved>} : vector<32xbf16> -> vector<16xf32>
        %parallel_loop3A_579 = arith.addf %parallel_loop3A_577, %parallel_loop3A_578 : vector<16xf32>
        %parallel_loop3A_580 = arith.index_cast %parallel_loop3A_528 : i32 to index
        %parallel_loop3A_581 = arith.constant 64 : index
        %parallel_loop3A_582 = tpu.vector_load %arg11[%parallel_loop3A_580, %parallel_loop3A_581] {strides = array<i32>} : memref<128x128xi32, #tpu.memory_space<vmem>>, vector<16xi32>,
        %parallel_loop3A_583 = arith.index_cast %parallel_loop3A_528 : i32 to index
        %parallel_loop3A_584 = arith.constant 64 : index
        %parallel_loop3A_585 = tpu.vector_load %arg14[%parallel_loop3A_583, %parallel_loop3A_584] {strides = array<i32>} : memref<128x128xi32, #tpu.memory_space<vmem>>, vector<16xi32>,
        %parallel_loop3A_586 = vector.bitcast %parallel_loop3A_582 : vector<16xi32> to vector<32xbf16>
        %parallel_loop3A_587 = vector.bitcast %parallel_loop3A_585 : vector<16xi32> to vector<32xbf16>
        %parallel_loop3A_588 = arith.mulf %parallel_loop3A_586, %parallel_loop3A_587 : vector<32xbf16>
        %parallel_loop3A_589 = tpu.unpack_subelements %parallel_loop3A_588, 0 {pack_format = #tpu.pack_format<interleaved>} : vector<32xbf16> -> vector<16xf32>
        %parallel_loop3A_590 = tpu.unpack_subelements %parallel_loop3A_588, 1 {pack_format = #tpu.pack_format<interleaved>} : vector<32xbf16> -> vector<16xf32>
        %parallel_loop3A_591 = arith.addf %parallel_loop3A_589, %parallel_loop3A_590 : vector<16xf32>
        %parallel_loop3A_592 = arith.addf %parallel_loop3A_543, %parallel_loop3A_591 : vector<16xf32>
        %parallel_loop3A_593 = arith.index_cast %parallel_loop3A_528 : i32 to index
        %parallel_loop3A_594 = arith.constant 80 : index
        %parallel_loop3A_595 = tpu.vector_load %arg11[%parallel_loop3A_593, %parallel_loop3A_594] {strides = array<i32>} : memref<128x128xi32, #tpu.memory_space<vmem>>, vector<16xi32>,
        %parallel_loop3A_596 = arith.index_cast %parallel_loop3A_528 : i32 to index
        %parallel_loop3A_597 = arith.constant 80 : index
        %parallel_loop3A_598 = tpu.vector_load %arg14[%parallel_loop3A_596, %parallel_loop3A_597] {strides = array<i32>} : memref<128x128xi32, #tpu.memory_space<vmem>>, vector<16xi32>,
        %parallel_loop3A_599 = vector.bitcast %parallel_loop3A_595 : vector<16xi32> to vector<32xbf16>
        %parallel_loop3A_600 = vector.bitcast %parallel_loop3A_598 : vector<16xi32> to vector<32xbf16>
        %parallel_loop3A_601 = arith.mulf %parallel_loop3A_599, %parallel_loop3A_600 : vector<32xbf16>
        %parallel_loop3A_602 = tpu.unpack_subelements %parallel_loop3A_601, 0 {pack_format = #tpu.pack_format<interleaved>} : vector<32xbf16> -> vector<16xf32>
        %parallel_loop3A_603 = tpu.unpack_subelements %parallel_loop3A_601, 1 {pack_format = #tpu.pack_format<interleaved>} : vector<32xbf16> -> vector<16xf32>
        %parallel_loop3A_604 = arith.addf %parallel_loop3A_602, %parallel_loop3A_603 : vector<16xf32>
        %parallel_loop3A_605 = arith.addf %parallel_loop3A_555, %parallel_loop3A_604 : vector<16xf32>
        %parallel_loop3A_606 = arith.index_cast %parallel_loop3A_528 : i32 to index
        %parallel_loop3A_607 = arith.constant 96 : index
        %parallel_loop3A_608 = tpu.vector_load %arg11[%parallel_loop3A_606, %parallel_loop3A_607] {strides = array<i32>} : memref<128x128xi32, #tpu.memory_space<vmem>>, vector<16xi32>,
        %parallel_loop3A_609 = arith.index_cast %parallel_loop3A_528 : i32 to index
        %parallel_loop3A_610 = arith.constant 96 : index
        %parallel_loop3A_611 = tpu.vector_load %arg14[%parallel_loop3A_609, %parallel_loop3A_610] {strides = array<i32>} : memref<128x128xi32, #tpu.memory_space<vmem>>, vector<16xi32>,
        %parallel_loop3A_612 = vector.bitcast %parallel_loop3A_608 : vector<16xi32> to vector<32xbf16>
        %parallel_loop3A_613 = vector.bitcast %parallel_loop3A_611 : vector<16xi32> to vector<32xbf16>
        %parallel_loop3A_614 = arith.mulf %parallel_loop3A_612, %parallel_loop3A_613 : vector<32xbf16>
        %parallel_loop3A_615 = tpu.unpack_subelements %parallel_loop3A_614, 0 {pack_format = #tpu.pack_format<interleaved>} : vector<32xbf16> -> vector<16xf32>
        %parallel_loop3A_616 = tpu.unpack_subelements %parallel_loop3A_614, 1 {pack_format = #tpu.pack_format<interleaved>} : vector<32xbf16> -> vector<16xf32>
        %parallel_loop3A_617 = arith.addf %parallel_loop3A_615, %parallel_loop3A_616 : vector<16xf32>
        %parallel_loop3A_618 = arith.addf %parallel_loop3A_567, %parallel_loop3A_617 : vector<16xf32>
        %parallel_loop3A_619 = arith.index_cast %parallel_loop3A_528 : i32 to index
        %parallel_loop3A_620 = arith.constant 112 : index
        %parallel_loop3A_621 = tpu.vector_load %arg11[%parallel_loop3A_619, %parallel_loop3A_620] {strides = array<i32>} : memref<128x128xi32, #tpu.memory_space<vmem>>, vector<16xi32>,
        %parallel_loop3A_622 = arith.index_cast %parallel_loop3A_528 : i32 to index
        %parallel_loop3A_623 = arith.constant 112 : index
        %parallel_loop3A_624 = tpu.vector_load %arg14[%parallel_loop3A_622, %parallel_loop3A_623] {strides = array<i32>} : memref<128x128xi32, #tpu.memory_space<vmem>>, vector<16xi32>,
        %parallel_loop3A_625 = vector.bitcast %parallel_loop3A_621 : vector<16xi32> to vector<32xbf16>
        %parallel_loop3A_626 = vector.bitcast %parallel_loop3A_624 : vector<16xi32> to vector<32xbf16>
        %parallel_loop3A_627 = arith.mulf %parallel_loop3A_625, %parallel_loop3A_626 : vector<32xbf16>
        %parallel_loop3A_628 = tpu.unpack_subelements %parallel_loop3A_627, 0 {pack_format = #tpu.pack_format<interleaved>} : vector<32xbf16> -> vector<16xf32>
        %parallel_loop3A_629 = tpu.unpack_subelements %parallel_loop3A_627, 1 {pack_format = #tpu.pack_format<interleaved>} : vector<32xbf16> -> vector<16xf32>
        %parallel_loop3A_630 = arith.addf %parallel_loop3A_628, %parallel_loop3A_629 : vector<16xf32>
        %parallel_loop3A_631 = arith.addf %parallel_loop3A_579, %parallel_loop3A_630 : vector<16xf32>
        %parallel_loop3A_632 = arith.addf %parallel_loop3A_592, %parallel_loop3A_605 : vector<16xf32>
        %parallel_loop3A_633 = arith.addf %parallel_loop3A_618, %parallel_loop3A_631 : vector<16xf32>
        %parallel_loop3A_634 = arith.addf %parallel_loop3A_632, %parallel_loop3A_633 : vector<16xf32>
        %parallel_loop3A_635 = arith.constant true
        %parallel_loop3A_636 = vector.broadcast %parallel_loop3A_635 : i1 to vector<16xi1>
        %parallel_loop3A_637 = tpu.scan <sum>, %parallel_loop3A_634 masked %parallel_loop3A_636 : vector<16xf32>, vector<16xi1> -> vector<16xf32>
        %parallel_loop3A_638 = vector.broadcast %parallel_loop3A_528 : i32 to vector<16xi32>
        tpu.vector_store_idx %arg17[%parallel_loop3A_638], %parallel_loop3A_637 masked %eq3A_2 : memref<128xf32, #tpu.memory_space<vmem>>[vector<16xi32>], vector<16xf32>, vector<16xi1>
      } {sc.loop_unroll_factor = 2 : i64, sc.parallel_access}
      %mul3A_444 = arith.constant 32 : i32
      %mul3A_445 = arith.muli %add3A_381, %mul3A_444 : i32
      %add3A_446 = arith.addi %add3A, %mul3A_445 : i32
      %min3A_447 = arith.constant 2499 : i32
      %min3A_448 = arith.minsi %add3A_446, %min3A_447 : i32
      %mul3A_449 = arith.constant 128 : i32
      %mul3A_450 = arith.muli %min3A_448, %mul3A_449 : i32
      %dma_start3A_451 = tpu.memref_slice %arg6[%mul3A_450] : memref<320000xf32, #tpu.memory_space<hbm>> -> memref<128xf32, #tpu.memory_space<hbm>>
      %dma_start3A_452 = tpu.memref_slice %arg6[%mul3A_450] : memref<320000xf32, #tpu.memory_space<hbm>> -> memref<128xf32, #tpu.memory_space<hbm>>
      tpu.enqueue_dma source(%arg17 : memref<128xf32, #tpu.memory_space<vmem>>) target(%dma_start3A_452 : memref<128xf32, #tpu.memory_space<hbm>>) target_semaphore(%arg27 : memref<!tpu.dma_semaphore, #tpu.memory_space<semaphore_mem>>)
      %mul3A_453 = arith.constant 3 : i32
      %mul3A_454 = arith.muli %mul3A_453, %add3A_305 : i32
      %add3A_455 = arith.constant 2 : i32
      %add3A_456 = arith.addi %mul3A_454, %add3A_455 : i32
      %add3A_457 = arith.constant 2 : i32
      %add3A_458 = arith.addi %add3A_456, %add3A_457 : i32
      %mul3A_459 = arith.constant 32 : i32
      %mul3A_460 = arith.muli %add3A_458, %mul3A_459 : i32
      %add3A_461 = arith.addi %add3A, %mul3A_460 : i32
      %min3A_462 = arith.constant 2499 : i32
      %min3A_463 = arith.minsi %add3A_461, %min3A_462 : i32
      %mul3A_464 = arith.constant 128 : i32
      %mul3A_465 = arith.muli %min3A_463, %mul3A_464 : i32
      %dma_wait3A_466 = arith.constant 0 : i32
      %dma_wait3A_467 = tpu.memref_slice %arg4[%dma_wait3A_466, %mul3A_465] : memref<2x320000xi32, #tpu.memory_space<hbm>> -> memref<2x128xi32, #tpu.memory_space<hbm>>
      %dma_wait3A_468 = arith.constant 0 : i32
      %dma_wait3A_469 = tpu.memref_slice %arg4[%dma_wait3A_468, %mul3A_465] : memref<2x320000xi32, #tpu.memory_space<hbm>> -> memref<2x128xi32, #tpu.memory_space<hbm>>
      tpu.wait_dma2 semaphore(%arg21 : memref<!tpu.dma_semaphore, #tpu.memory_space<semaphore_mem>>) src(%dma_wait3A_469 : memref<2x128xi32, #tpu.memory_space<hbm>>) dst(%arg8 : memref<2x128xi32, #tpu.memory_space<vmem>>)
      %dma_start3A_470 = arith.constant 0 : i32
      %dma_start3A_471 = arith.constant 0 : i32
      %dma_start3A_472 = tpu.memref_slice %arg8[%dma_start3A_470, %dma_start3A_471] : memref<2x128xi32, #tpu.memory_space<vmem>> -> memref<1x128xi32, #tpu.memory_space<vmem>>
      %dma_start3A_473 = tpu.memref_squeeze %dma_start3A_472 : memref<1x128xi32, #tpu.memory_space<vmem>> -> memref<128xi32, #tpu.memory_space<vmem>>
      %dma_start3A_474 = arith.constant 0 : i32
      %dma_start3A_475 = arith.constant 0 : i32
      %dma_start3A_476 = tpu.memref_slice %arg2[%dma_start3A_474, %dma_start3A_475] : memref<10000x128xi32, #tpu.memory_space<hbm>> -> memref<10000x128xi32, #tpu.memory_space<hbm>>
      tpu.enqueue_indirect_dma source(%dma_start3A_476 : memref<10000x128xi32, #tpu.memory_space<hbm>>) target(%arg11 : memref<128x128xi32, #tpu.memory_space<vmem>>) offsets(%dma_start3A_473 : memref<128xi32, #tpu.memory_space<vmem>>) semaphore(%arg24 : memref<!tpu.dma_semaphore, #tpu.memory_space<semaphore_mem>>)
      %dma_start3A_477 = arith.constant 1 : i32
      %dma_start3A_478 = arith.constant 0 : i32
      %dma_start3A_479 = tpu.memref_slice %arg8[%dma_start3A_477, %dma_start3A_478] : memref<2x128xi32, #tpu.memory_space<vmem>> -> memref<1x128xi32, #tpu.memory_space<vmem>>
      %dma_start3A_480 = tpu.memref_squeeze %dma_start3A_479 : memref<1x128xi32, #tpu.memory_space<vmem>> -> memref<128xi32, #tpu.memory_space<vmem>>
      %dma_start3A_481 = arith.constant 0 : i32
      %dma_start3A_482 = arith.constant 0 : i32
      %dma_start3A_483 = tpu.memref_slice %arg3[%dma_start3A_481, %dma_start3A_482] : memref<10000x128xi32, #tpu.memory_space<hbm>> -> memref<10000x128xi32, #tpu.memory_space<hbm>>
      tpu.enqueue_indirect_dma source(%dma_start3A_483 : memref<10000x128xi32, #tpu.memory_space<hbm>>) target(%arg14 : memref<128x128xi32, #tpu.memory_space<vmem>>) offsets(%dma_start3A_480 : memref<128xi32, #tpu.memory_space<vmem>>) semaphore(%arg24 : memref<!tpu.dma_semaphore, #tpu.memory_space<semaphore_mem>>)
      %dma_wait3A_484 = arith.constant 0 : i32
      %dma_wait3A_485 = arith.constant 0 : i32
      %dma_wait3A_486 = tpu.memref_slice %arg9[%dma_wait3A_484, %dma_wait3A_485] : memref<2x128xi32, #tpu.memory_space<vmem>> -> memref<1x128xi32, #tpu.memory_space<vmem>>
      %dma_wait3A_487 = tpu.memref_squeeze %dma_wait3A_486 : memref<1x128xi32, #tpu.memory_space<vmem>> -> memref<128xi32, #tpu.memory_space<vmem>>
      %dma_wait3A_488 = arith.constant 0 : i32
      %dma_wait3A_489 = arith.constant 0 : i32
      %dma_wait3A_490 = tpu.memref_slice %arg2[%dma_wait3A_488, %dma_wait3A_489] : memref<10000x128xi32, #tpu.memory_space<hbm>> -> memref<10000x128xi32, #tpu.memory_space<hbm>>
      tpu.wait_indirect_dma semaphore(%arg25 : memref<!tpu.dma_semaphore, #tpu.memory_space<semaphore_mem>>) src(%dma_wait3A_490 : memref<10000x128xi32, #tpu.memory_space<hbm>>) dst(%arg12 : memref<128x128xi32, #tpu.memory_space<vmem>>)
      %dma_wait3A_491 = arith.constant 1 : i32
      %dma_wait3A_492 = arith.constant 0 : i32
      %dma_wait3A_493 = tpu.memref_slice %arg9[%dma_wait3A_491, %dma_wait3A_492] : memref<2x128xi32, #tpu.memory_space<vmem>> -> memref<1x128xi32, #tpu.memory_space<vmem>>
      %dma_wait3A_494 = tpu.memref_squeeze %dma_wait3A_493 : memref<1x128xi32, #tpu.memory_space<vmem>> -> memref<128xi32, #tpu.memory_space<vmem>>
      %dma_wait3A_495 = arith.constant 0 : i32
      %dma_wait3A_496 = arith.constant 0 : i32
      %dma_wait3A_497 = tpu.memref_slice %arg3[%dma_wait3A_495, %dma_wait3A_496] : memref<10000x128xi32, #tpu.memory_space<hbm>> -> memref<10000x128xi32, #tpu.memory_space<hbm>>
      tpu.wait_indirect_dma semaphore(%arg25 : memref<!tpu.dma_semaphore, #tpu.memory_space<semaphore_mem>>) src(%dma_wait3A_497 : memref<10000x128xi32, #tpu.memory_space<hbm>>) dst(%arg15 : memref<128x128xi32, #tpu.memory_space<vmem>>)
      %add3A_498 = arith.constant 3 : i32
      %add3A_499 = arith.addi %add3A_456, %add3A_498 : i32
      %mul3A_500 = arith.constant 32 : i32
      %mul3A_501 = arith.muli %add3A_499, %mul3A_500 : i32
      %add3A_502 = arith.addi %add3A, %mul3A_501 : i32
      %min3A_503 = arith.constant 2499 : i32
      %min3A_504 = arith.minsi %add3A_502, %min3A_503 : i32
      %mul3A_505 = arith.constant 128 : i32
      %mul3A_506 = arith.muli %min3A_504, %mul3A_505 : i32
      %dma_start3A_507 = arith.constant 0 : i32
      %dma_start3A_508 = tpu.memref_slice %arg4[%dma_start3A_507, %mul3A_506] : memref<2x320000xi32, #tpu.memory_space<hbm>> -> memref<2x128xi32, #tpu.memory_space<hbm>>
      %dma_start3A_509 = arith.constant 0 : i32
      %dma_start3A_510 = tpu.memref_slice %arg4[%dma_start3A_509, %mul3A_506] : memref<2x320000xi32, #tpu.memory_space<hbm>> -> memref<2x128xi32, #tpu.memory_space<hbm>>
      tpu.enqueue_dma source(%dma_start3A_510 : memref<2x128xi32, #tpu.memory_space<hbm>>) target(%arg9 : memref<2x128xi32, #tpu.memory_space<vmem>>) target_semaphore(%arg22 : memref<!tpu.dma_semaphore, #tpu.memory_space<semaphore_mem>>)
      %ge3A_511 = arith.constant 3 : i32
      %ge3A_512 = arith.cmpi sge, %add3A_456, %ge3A_511 : i32
      %convert_element_type3A_513 = arith.extui %ge3A_512 : i1 to i32
      %cond3A_514 = arith.constant 0 : i32
      %cond3A_515 = arith.cmpi ne, %convert_element_type3A_513, %cond3A_514 : i32
      scf.if %cond3A_515 {
        %sub3A = arith.constant 3 : i32
        %sub3A_528 = arith.subi %add3A_456, %sub3A : i32
        %mul3A_529 = arith.constant 32 : i32
        %mul3A_530 = arith.muli %sub3A_528, %mul3A_529 : i32
        %add3A_531 = arith.addi %add3A, %mul3A_530 : i32
        %min3A_532 = arith.constant 2499 : i32
        %min3A_533 = arith.minsi %add3A_531, %min3A_532 : i32
        %mul3A_534 = arith.constant 128 : i32
        %mul3A_535 = arith.muli %min3A_533, %mul3A_534 : i32
        %dma_wait3A_536 = tpu.memref_slice %arg6[%mul3A_535] : memref<320000xf32, #tpu.memory_space<hbm>> -> memref<128xf32, #tpu.memory_space<hbm>>
        %dma_wait3A_537 = tpu.memref_slice %arg6[%mul3A_535] : memref<320000xf32, #tpu.memory_space<hbm>> -> memref<128xf32, #tpu.memory_space<hbm>>
        tpu.wait_dma2 semaphore(%arg28 : memref<!tpu.dma_semaphore, #tpu.memory_space<semaphore_mem>>) src(%arg18 : memref<128xf32, #tpu.memory_space<vmem>>) dst(%dma_wait3A_537 : memref<128xf32, #tpu.memory_space<hbm>>)
      } else {
      }
      %parallel_loop3A_516 = arith.constant 0 : i32
      %parallel_loop3A_517 = arith.constant 128 : i32
      %parallel_loop3A_518 = arith.constant 1 : i32
      scf.for %parallel_loop3A_528 = %parallel_loop3A_516 to %parallel_loop3A_517 step %parallel_loop3A_518  : i32 {
        %parallel_loop3A_529 = arith.constant 0 : index
        %parallel_loop3A_530 = tpu.vector_load %arg19[%parallel_loop3A_529] {strides = array<i32>} : memref<16xf32, #tpu.memory_space<vmem>>, vector<16xf32>,
        %parallel_loop3A_531 = arith.index_cast %parallel_loop3A_528 : i32 to index
        %parallel_loop3A_532 = arith.constant 0 : index
        %parallel_loop3A_533 = tpu.vector_load %arg12[%parallel_loop3A_531, %parallel_loop3A_532] {strides = array<i32>} : memref<128x128xi32, #tpu.memory_space<vmem>>, vector<16xi32>,
        %parallel_loop3A_534 = arith.index_cast %parallel_loop3A_528 : i32 to index
        %parallel_loop3A_535 = arith.constant 0 : index
        %parallel_loop3A_536 = tpu.vector_load %arg15[%parallel_loop3A_534, %parallel_loop3A_535] {strides = array<i32>} : memref<128x128xi32, #tpu.memory_space<vmem>>, vector<16xi32>,
        %parallel_loop3A_537 = vector.bitcast %parallel_loop3A_533 : vector<16xi32> to vector<32xbf16>
        %parallel_loop3A_538 = vector.bitcast %parallel_loop3A_536 : vector<16xi32> to vector<32xbf16>
        %parallel_loop3A_539 = arith.mulf %parallel_loop3A_537, %parallel_loop3A_538 : vector<32xbf16>
        %parallel_loop3A_540 = tpu.unpack_subelements %parallel_loop3A_539, 0 {pack_format = #tpu.pack_format<interleaved>} : vector<32xbf16> -> vector<16xf32>
        %parallel_loop3A_541 = tpu.unpack_subelements %parallel_loop3A_539, 1 {pack_format = #tpu.pack_format<interleaved>} : vector<32xbf16> -> vector<16xf32>
        %parallel_loop3A_542 = arith.addf %parallel_loop3A_540, %parallel_loop3A_541 : vector<16xf32>
        %parallel_loop3A_543 = arith.addf %parallel_loop3A_530, %parallel_loop3A_542 : vector<16xf32>
        %parallel_loop3A_544 = arith.index_cast %parallel_loop3A_528 : i32 to index
        %parallel_loop3A_545 = arith.constant 16 : index
        %parallel_loop3A_546 = tpu.vector_load %arg12[%parallel_loop3A_544, %parallel_loop3A_545] {strides = array<i32>} : memref<128x128xi32, #tpu.memory_space<vmem>>, vector<16xi32>,
        %parallel_loop3A_547 = arith.index_cast %parallel_loop3A_528 : i32 to index
        %parallel_loop3A_548 = arith.constant 16 : index
        %parallel_loop3A_549 = tpu.vector_load %arg15[%parallel_loop3A_547, %parallel_loop3A_548] {strides = array<i32>} : memref<128x128xi32, #tpu.memory_space<vmem>>, vector<16xi32>,
        %parallel_loop3A_550 = vector.bitcast %parallel_loop3A_546 : vector<16xi32> to vector<32xbf16>
        %parallel_loop3A_551 = vector.bitcast %parallel_loop3A_549 : vector<16xi32> to vector<32xbf16>
        %parallel_loop3A_552 = arith.mulf %parallel_loop3A_550, %parallel_loop3A_551 : vector<32xbf16>
        %parallel_loop3A_553 = tpu.unpack_subelements %parallel_loop3A_552, 0 {pack_format = #tpu.pack_format<interleaved>} : vector<32xbf16> -> vector<16xf32>
        %parallel_loop3A_554 = tpu.unpack_subelements %parallel_loop3A_552, 1 {pack_format = #tpu.pack_format<interleaved>} : vector<32xbf16> -> vector<16xf32>
        %parallel_loop3A_555 = arith.addf %parallel_loop3A_553, %parallel_loop3A_554 : vector<16xf32>
        %parallel_loop3A_556 = arith.index_cast %parallel_loop3A_528 : i32 to index
        %parallel_loop3A_557 = arith.constant 32 : index
        %parallel_loop3A_558 = tpu.vector_load %arg12[%parallel_loop3A_556, %parallel_loop3A_557] {strides = array<i32>} : memref<128x128xi32, #tpu.memory_space<vmem>>, vector<16xi32>,
        %parallel_loop3A_559 = arith.index_cast %parallel_loop3A_528 : i32 to index
        %parallel_loop3A_560 = arith.constant 32 : index
        %parallel_loop3A_561 = tpu.vector_load %arg15[%parallel_loop3A_559, %parallel_loop3A_560] {strides = array<i32>} : memref<128x128xi32, #tpu.memory_space<vmem>>, vector<16xi32>,
        %parallel_loop3A_562 = vector.bitcast %parallel_loop3A_558 : vector<16xi32> to vector<32xbf16>
        %parallel_loop3A_563 = vector.bitcast %parallel_loop3A_561 : vector<16xi32> to vector<32xbf16>
        %parallel_loop3A_564 = arith.mulf %parallel_loop3A_562, %parallel_loop3A_563 : vector<32xbf16>
        %parallel_loop3A_565 = tpu.unpack_subelements %parallel_loop3A_564, 0 {pack_format = #tpu.pack_format<interleaved>} : vector<32xbf16> -> vector<16xf32>
        %parallel_loop3A_566 = tpu.unpack_subelements %parallel_loop3A_564, 1 {pack_format = #tpu.pack_format<interleaved>} : vector<32xbf16> -> vector<16xf32>
        %parallel_loop3A_567 = arith.addf %parallel_loop3A_565, %parallel_loop3A_566 : vector<16xf32>
        %parallel_loop3A_568 = arith.index_cast %parallel_loop3A_528 : i32 to index
        %parallel_loop3A_569 = arith.constant 48 : index
        %parallel_loop3A_570 = tpu.vector_load %arg12[%parallel_loop3A_568, %parallel_loop3A_569] {strides = array<i32>} : memref<128x128xi32, #tpu.memory_space<vmem>>, vector<16xi32>,
        %parallel_loop3A_571 = arith.index_cast %parallel_loop3A_528 : i32 to index
        %parallel_loop3A_572 = arith.constant 48 : index
        %parallel_loop3A_573 = tpu.vector_load %arg15[%parallel_loop3A_571, %parallel_loop3A_572] {strides = array<i32>} : memref<128x128xi32, #tpu.memory_space<vmem>>, vector<16xi32>,
        %parallel_loop3A_574 = vector.bitcast %parallel_loop3A_570 : vector<16xi32> to vector<32xbf16>
        %parallel_loop3A_575 = vector.bitcast %parallel_loop3A_573 : vector<16xi32> to vector<32xbf16>
        %parallel_loop3A_576 = arith.mulf %parallel_loop3A_574, %parallel_loop3A_575 : vector<32xbf16>
        %parallel_loop3A_577 = tpu.unpack_subelements %parallel_loop3A_576, 0 {pack_format = #tpu.pack_format<interleaved>} : vector<32xbf16> -> vector<16xf32>
        %parallel_loop3A_578 = tpu.unpack_subelements %parallel_loop3A_576, 1 {pack_format = #tpu.pack_format<interleaved>} : vector<32xbf16> -> vector<16xf32>
        %parallel_loop3A_579 = arith.addf %parallel_loop3A_577, %parallel_loop3A_578 : vector<16xf32>
        %parallel_loop3A_580 = arith.index_cast %parallel_loop3A_528 : i32 to index
        %parallel_loop3A_581 = arith.constant 64 : index
        %parallel_loop3A_582 = tpu.vector_load %arg12[%parallel_loop3A_580, %parallel_loop3A_581] {strides = array<i32>} : memref<128x128xi32, #tpu.memory_space<vmem>>, vector<16xi32>,
        %parallel_loop3A_583 = arith.index_cast %parallel_loop3A_528 : i32 to index
        %parallel_loop3A_584 = arith.constant 64 : index
        %parallel_loop3A_585 = tpu.vector_load %arg15[%parallel_loop3A_583, %parallel_loop3A_584] {strides = array<i32>} : memref<128x128xi32, #tpu.memory_space<vmem>>, vector<16xi32>,
        %parallel_loop3A_586 = vector.bitcast %parallel_loop3A_582 : vector<16xi32> to vector<32xbf16>
        %parallel_loop3A_587 = vector.bitcast %parallel_loop3A_585 : vector<16xi32> to vector<32xbf16>
        %parallel_loop3A_588 = arith.mulf %parallel_loop3A_586, %parallel_loop3A_587 : vector<32xbf16>
        %parallel_loop3A_589 = tpu.unpack_subelements %parallel_loop3A_588, 0 {pack_format = #tpu.pack_format<interleaved>} : vector<32xbf16> -> vector<16xf32>
        %parallel_loop3A_590 = tpu.unpack_subelements %parallel_loop3A_588, 1 {pack_format = #tpu.pack_format<interleaved>} : vector<32xbf16> -> vector<16xf32>
        %parallel_loop3A_591 = arith.addf %parallel_loop3A_589, %parallel_loop3A_590 : vector<16xf32>
        %parallel_loop3A_592 = arith.addf %parallel_loop3A_543, %parallel_loop3A_591 : vector<16xf32>
        %parallel_loop3A_593 = arith.index_cast %parallel_loop3A_528 : i32 to index
        %parallel_loop3A_594 = arith.constant 80 : index
        %parallel_loop3A_595 = tpu.vector_load %arg12[%parallel_loop3A_593, %parallel_loop3A_594] {strides = array<i32>} : memref<128x128xi32, #tpu.memory_space<vmem>>, vector<16xi32>,
        %parallel_loop3A_596 = arith.index_cast %parallel_loop3A_528 : i32 to index
        %parallel_loop3A_597 = arith.constant 80 : index
        %parallel_loop3A_598 = tpu.vector_load %arg15[%parallel_loop3A_596, %parallel_loop3A_597] {strides = array<i32>} : memref<128x128xi32, #tpu.memory_space<vmem>>, vector<16xi32>,
        %parallel_loop3A_599 = vector.bitcast %parallel_loop3A_595 : vector<16xi32> to vector<32xbf16>
        %parallel_loop3A_600 = vector.bitcast %parallel_loop3A_598 : vector<16xi32> to vector<32xbf16>
        %parallel_loop3A_601 = arith.mulf %parallel_loop3A_599, %parallel_loop3A_600 : vector<32xbf16>
        %parallel_loop3A_602 = tpu.unpack_subelements %parallel_loop3A_601, 0 {pack_format = #tpu.pack_format<interleaved>} : vector<32xbf16> -> vector<16xf32>
        %parallel_loop3A_603 = tpu.unpack_subelements %parallel_loop3A_601, 1 {pack_format = #tpu.pack_format<interleaved>} : vector<32xbf16> -> vector<16xf32>
        %parallel_loop3A_604 = arith.addf %parallel_loop3A_602, %parallel_loop3A_603 : vector<16xf32>
        %parallel_loop3A_605 = arith.addf %parallel_loop3A_555, %parallel_loop3A_604 : vector<16xf32>
        %parallel_loop3A_606 = arith.index_cast %parallel_loop3A_528 : i32 to index
        %parallel_loop3A_607 = arith.constant 96 : index
        %parallel_loop3A_608 = tpu.vector_load %arg12[%parallel_loop3A_606, %parallel_loop3A_607] {strides = array<i32>} : memref<128x128xi32, #tpu.memory_space<vmem>>, vector<16xi32>,
        %parallel_loop3A_609 = arith.index_cast %parallel_loop3A_528 : i32 to index
        %parallel_loop3A_610 = arith.constant 96 : index
        %parallel_loop3A_611 = tpu.vector_load %arg15[%parallel_loop3A_609, %parallel_loop3A_610] {strides = array<i32>} : memref<128x128xi32, #tpu.memory_space<vmem>>, vector<16xi32>,
        %parallel_loop3A_612 = vector.bitcast %parallel_loop3A_608 : vector<16xi32> to vector<32xbf16>
        %parallel_loop3A_613 = vector.bitcast %parallel_loop3A_611 : vector<16xi32> to vector<32xbf16>
        %parallel_loop3A_614 = arith.mulf %parallel_loop3A_612, %parallel_loop3A_613 : vector<32xbf16>
        %parallel_loop3A_615 = tpu.unpack_subelements %parallel_loop3A_614, 0 {pack_format = #tpu.pack_format<interleaved>} : vector<32xbf16> -> vector<16xf32>
        %parallel_loop3A_616 = tpu.unpack_subelements %parallel_loop3A_614, 1 {pack_format = #tpu.pack_format<interleaved>} : vector<32xbf16> -> vector<16xf32>
        %parallel_loop3A_617 = arith.addf %parallel_loop3A_615, %parallel_loop3A_616 : vector<16xf32>
        %parallel_loop3A_618 = arith.addf %parallel_loop3A_567, %parallel_loop3A_617 : vector<16xf32>
        %parallel_loop3A_619 = arith.index_cast %parallel_loop3A_528 : i32 to index
        %parallel_loop3A_620 = arith.constant 112 : index
        %parallel_loop3A_621 = tpu.vector_load %arg12[%parallel_loop3A_619, %parallel_loop3A_620] {strides = array<i32>} : memref<128x128xi32, #tpu.memory_space<vmem>>, vector<16xi32>,
        %parallel_loop3A_622 = arith.index_cast %parallel_loop3A_528 : i32 to index
        %parallel_loop3A_623 = arith.constant 112 : index
        %parallel_loop3A_624 = tpu.vector_load %arg15[%parallel_loop3A_622, %parallel_loop3A_623] {strides = array<i32>} : memref<128x128xi32, #tpu.memory_space<vmem>>, vector<16xi32>,
        %parallel_loop3A_625 = vector.bitcast %parallel_loop3A_621 : vector<16xi32> to vector<32xbf16>
        %parallel_loop3A_626 = vector.bitcast %parallel_loop3A_624 : vector<16xi32> to vector<32xbf16>
        %parallel_loop3A_627 = arith.mulf %parallel_loop3A_625, %parallel_loop3A_626 : vector<32xbf16>
        %parallel_loop3A_628 = tpu.unpack_subelements %parallel_loop3A_627, 0 {pack_format = #tpu.pack_format<interleaved>} : vector<32xbf16> -> vector<16xf32>
        %parallel_loop3A_629 = tpu.unpack_subelements %parallel_loop3A_627, 1 {pack_format = #tpu.pack_format<interleaved>} : vector<32xbf16> -> vector<16xf32>
        %parallel_loop3A_630 = arith.addf %parallel_loop3A_628, %parallel_loop3A_629 : vector<16xf32>
        %parallel_loop3A_631 = arith.addf %parallel_loop3A_579, %parallel_loop3A_630 : vector<16xf32>
        %parallel_loop3A_632 = arith.addf %parallel_loop3A_592, %parallel_loop3A_605 : vector<16xf32>
        %parallel_loop3A_633 = arith.addf %parallel_loop3A_618, %parallel_loop3A_631 : vector<16xf32>
        %parallel_loop3A_634 = arith.addf %parallel_loop3A_632, %parallel_loop3A_633 : vector<16xf32>
        %parallel_loop3A_635 = arith.constant true
        %parallel_loop3A_636 = vector.broadcast %parallel_loop3A_635 : i1 to vector<16xi1>
        %parallel_loop3A_637 = tpu.scan <sum>, %parallel_loop3A_634 masked %parallel_loop3A_636 : vector<16xf32>, vector<16xi1> -> vector<16xf32>
        %parallel_loop3A_638 = vector.broadcast %parallel_loop3A_528 : i32 to vector<16xi32>
        tpu.vector_store_idx %arg18[%parallel_loop3A_638], %parallel_loop3A_637 masked %eq3A_2 : memref<128xf32, #tpu.memory_space<vmem>>[vector<16xi32>], vector<16xf32>, vector<16xi1>
      } {sc.loop_unroll_factor = 2 : i64, sc.parallel_access}
      %mul3A_519 = arith.constant 32 : i32
      %mul3A_520 = arith.muli %add3A_456, %mul3A_519 : i32
      %add3A_521 = arith.addi %add3A, %mul3A_520 : i32
      %min3A_522 = arith.constant 2499 : i32
      %min3A_523 = arith.minsi %add3A_521, %min3A_522 : i32
      %mul3A_524 = arith.constant 128 : i32
      %mul3A_525 = arith.muli %min3A_523, %mul3A_524 : i32
      %dma_start3A_526 = tpu.memref_slice %arg6[%mul3A_525] : memref<320000xf32, #tpu.memory_space<hbm>> -> memref<128xf32, #tpu.memory_space<hbm>>
      %dma_start3A_527 = tpu.memref_slice %arg6[%mul3A_525] : memref<320000xf32, #tpu.memory_space<hbm>> -> memref<128xf32, #tpu.memory_space<hbm>>
      tpu.enqueue_dma source(%arg18 : memref<128xf32, #tpu.memory_space<vmem>>) target(%dma_start3A_527 : memref<128xf32, #tpu.memory_space<hbm>>) target_semaphore(%arg28 : memref<!tpu.dma_semaphore, #tpu.memory_space<semaphore_mem>>)
    }
    %scan3A_67 = arith.constant 25 : i32
    %add3A_68 = arith.constant 2464 : i32
    %add3A_69 = arith.addi %add3A, %add3A_68 : i32
    %min3A_70 = arith.constant 2499 : i32
    %min3A_71 = arith.minsi %add3A_69, %min3A_70 : i32
    %mul3A_72 = arith.constant 128 : i32
    %mul3A_73 = arith.muli %min3A_71, %mul3A_72 : i32
    %dma_wait3A_74 = arith.constant 0 : i32
    %dma_wait3A_75 = tpu.memref_slice %arg4[%dma_wait3A_74, %mul3A_73] : memref<2x320000xi32, #tpu.memory_space<hbm>> -> memref<2x128xi32, #tpu.memory_space<hbm>>
    %dma_wait3A_76 = arith.constant 0 : i32
    %dma_wait3A_77 = tpu.memref_slice %arg4[%dma_wait3A_76, %mul3A_73] : memref<2x320000xi32, #tpu.memory_space<hbm>> -> memref<2x128xi32, #tpu.memory_space<hbm>>
    tpu.wait_dma2 semaphore(%arg22 : memref<!tpu.dma_semaphore, #tpu.memory_space<semaphore_mem>>) src(%dma_wait3A_77 : memref<2x128xi32, #tpu.memory_space<hbm>>) dst(%arg9 : memref<2x128xi32, #tpu.memory_space<vmem>>)
    %dma_start3A_78 = arith.constant 0 : i32
    %dma_start3A_79 = arith.constant 0 : i32
    %dma_start3A_80 = tpu.memref_slice %arg9[%dma_start3A_78, %dma_start3A_79] : memref<2x128xi32, #tpu.memory_space<vmem>> -> memref<1x128xi32, #tpu.memory_space<vmem>>
    %dma_start3A_81 = tpu.memref_squeeze %dma_start3A_80 : memref<1x128xi32, #tpu.memory_space<vmem>> -> memref<128xi32, #tpu.memory_space<vmem>>
    %dma_start3A_82 = arith.constant 0 : i32
    %dma_start3A_83 = arith.constant 0 : i32
    %dma_start3A_84 = tpu.memref_slice %arg2[%dma_start3A_82, %dma_start3A_83] : memref<10000x128xi32, #tpu.memory_space<hbm>> -> memref<10000x128xi32, #tpu.memory_space<hbm>>
    tpu.enqueue_indirect_dma source(%dma_start3A_84 : memref<10000x128xi32, #tpu.memory_space<hbm>>) target(%arg12 : memref<128x128xi32, #tpu.memory_space<vmem>>) offsets(%dma_start3A_81 : memref<128xi32, #tpu.memory_space<vmem>>) semaphore(%arg25 : memref<!tpu.dma_semaphore, #tpu.memory_space<semaphore_mem>>)
    %dma_start3A_85 = arith.constant 1 : i32
    %dma_start3A_86 = arith.constant 0 : i32
    %dma_start3A_87 = tpu.memref_slice %arg9[%dma_start3A_85, %dma_start3A_86] : memref<2x128xi32, #tpu.memory_space<vmem>> -> memref<1x128xi32, #tpu.memory_space<vmem>>
    %dma_start3A_88 = tpu.memref_squeeze %dma_start3A_87 : memref<1x128xi32, #tpu.memory_space<vmem>> -> memref<128xi32, #tpu.memory_space<vmem>>
    %dma_start3A_89 = arith.constant 0 : i32
    %dma_start3A_90 = arith.constant 0 : i32
    %dma_start3A_91 = tpu.memref_slice %arg3[%dma_start3A_89, %dma_start3A_90] : memref<10000x128xi32, #tpu.memory_space<hbm>> -> memref<10000x128xi32, #tpu.memory_space<hbm>>
    tpu.enqueue_indirect_dma source(%dma_start3A_91 : memref<10000x128xi32, #tpu.memory_space<hbm>>) target(%arg15 : memref<128x128xi32, #tpu.memory_space<vmem>>) offsets(%dma_start3A_88 : memref<128xi32, #tpu.memory_space<vmem>>) semaphore(%arg25 : memref<!tpu.dma_semaphore, #tpu.memory_space<semaphore_mem>>)
    %dma_wait3A_92 = arith.constant 0 : i32
    %dma_wait3A_93 = arith.constant 0 : i32
    %dma_wait3A_94 = tpu.memref_slice %arg7[%dma_wait3A_92, %dma_wait3A_93] : memref<2x128xi32, #tpu.memory_space<vmem>> -> memref<1x128xi32, #tpu.memory_space<vmem>>
    %dma_wait3A_95 = tpu.memref_squeeze %dma_wait3A_94 : memref<1x128xi32, #tpu.memory_space<vmem>> -> memref<128xi32, #tpu.memory_space<vmem>>
    %dma_wait3A_96 = arith.constant 0 : i32
    %dma_wait3A_97 = arith.constant 0 : i32
    %dma_wait3A_98 = tpu.memref_slice %arg2[%dma_wait3A_96, %dma_wait3A_97] : memref<10000x128xi32, #tpu.memory_space<hbm>> -> memref<10000x128xi32, #tpu.memory_space<hbm>>
    tpu.wait_indirect_dma semaphore(%arg23 : memref<!tpu.dma_semaphore, #tpu.memory_space<semaphore_mem>>) src(%dma_wait3A_98 : memref<10000x128xi32, #tpu.memory_space<hbm>>) dst(%arg10 : memref<128x128xi32, #tpu.memory_space<vmem>>)
    %dma_wait3A_99 = arith.constant 1 : i32
    %dma_wait3A_100 = arith.constant 0 : i32
    %dma_wait3A_101 = tpu.memref_slice %arg7[%dma_wait3A_99, %dma_wait3A_100] : memref<2x128xi32, #tpu.memory_space<vmem>> -> memref<1x128xi32, #tpu.memory_space<vmem>>
    %dma_wait3A_102 = tpu.memref_squeeze %dma_wait3A_101 : memref<1x128xi32, #tpu.memory_space<vmem>> -> memref<128xi32, #tpu.memory_space<vmem>>
    %dma_wait3A_103 = arith.constant 0 : i32
    %dma_wait3A_104 = arith.constant 0 : i32
    %dma_wait3A_105 = tpu.memref_slice %arg3[%dma_wait3A_103, %dma_wait3A_104] : memref<10000x128xi32, #tpu.memory_space<hbm>> -> memref<10000x128xi32, #tpu.memory_space<hbm>>
    tpu.wait_indirect_dma semaphore(%arg23 : memref<!tpu.dma_semaphore, #tpu.memory_space<semaphore_mem>>) src(%dma_wait3A_105 : memref<10000x128xi32, #tpu.memory_space<hbm>>) dst(%arg13 : memref<128x128xi32, #tpu.memory_space<vmem>>)
    %add3A_106 = arith.constant 2496 : i32
    %add3A_107 = arith.addi %add3A, %add3A_106 : i32
    %min3A_108 = arith.constant 2499 : i32
    %min3A_109 = arith.minsi %add3A_107, %min3A_108 : i32
    %mul3A_110 = arith.constant 128 : i32
    %mul3A_111 = arith.muli %min3A_109, %mul3A_110 : i32
    %dma_start3A_112 = arith.constant 0 : i32
    %dma_start3A_113 = tpu.memref_slice %arg4[%dma_start3A_112, %mul3A_111] : memref<2x320000xi32, #tpu.memory_space<hbm>> -> memref<2x128xi32, #tpu.memory_space<hbm>>
    %dma_start3A_114 = arith.constant 0 : i32
    %dma_start3A_115 = tpu.memref_slice %arg4[%dma_start3A_114, %mul3A_111] : memref<2x320000xi32, #tpu.memory_space<hbm>> -> memref<2x128xi32, #tpu.memory_space<hbm>>
    tpu.enqueue_dma source(%dma_start3A_115 : memref<2x128xi32, #tpu.memory_space<hbm>>) target(%arg7 : memref<2x128xi32, #tpu.memory_space<vmem>>) target_semaphore(%arg20 : memref<!tpu.dma_semaphore, #tpu.memory_space<semaphore_mem>>)
    %add3A_116 = arith.constant 2304 : i32
    %add3A_117 = arith.addi %add3A, %add3A_116 : i32
    %min3A_118 = arith.constant 2499 : i32
    %min3A_119 = arith.minsi %add3A_117, %min3A_118 : i32
    %mul3A_120 = arith.constant 128 : i32
    %mul3A_121 = arith.muli %min3A_119, %mul3A_120 : i32
    %dma_wait3A_122 = tpu.memref_slice %arg6[%mul3A_121] : memref<320000xf32, #tpu.memory_space<hbm>> -> memref<128xf32, #tpu.memory_space<hbm>>
    %dma_wait3A_123 = tpu.memref_slice %arg6[%mul3A_121] : memref<320000xf32, #tpu.memory_space<hbm>> -> memref<128xf32, #tpu.memory_space<hbm>>
    tpu.wait_dma2 semaphore(%arg26 : memref<!tpu.dma_semaphore, #tpu.memory_space<semaphore_mem>>) src(%arg16 : memref<128xf32, #tpu.memory_space<vmem>>) dst(%dma_wait3A_123 : memref<128xf32, #tpu.memory_space<hbm>>)
    %parallel_loop3A = arith.constant 0 : i32
    %parallel_loop3A_124 = arith.constant 128 : i32
    %parallel_loop3A_125 = arith.constant 1 : i32
    scf.for %parallel_loop3A_301 = %parallel_loop3A to %parallel_loop3A_124 step %parallel_loop3A_125  : i32 {
      %parallel_loop3A_302 = arith.constant 0 : index
      %parallel_loop3A_303 = tpu.vector_load %arg19[%parallel_loop3A_302] {strides = array<i32>} : memref<16xf32, #tpu.memory_space<vmem>>, vector<16xf32>,
      %parallel_loop3A_304 = arith.index_cast %parallel_loop3A_301 : i32 to index
      %parallel_loop3A_305 = arith.constant 0 : index
      %parallel_loop3A_306 = tpu.vector_load %arg10[%parallel_loop3A_304, %parallel_loop3A_305] {strides = array<i32>} : memref<128x128xi32, #tpu.memory_space<vmem>>, vector<16xi32>,
      %parallel_loop3A_307 = arith.index_cast %parallel_loop3A_301 : i32 to index
      %parallel_loop3A_308 = arith.constant 0 : index
      %parallel_loop3A_309 = tpu.vector_load %arg13[%parallel_loop3A_307, %parallel_loop3A_308] {strides = array<i32>} : memref<128x128xi32, #tpu.memory_space<vmem>>, vector<16xi32>,
      %parallel_loop3A_310 = vector.bitcast %parallel_loop3A_306 : vector<16xi32> to vector<32xbf16>
      %parallel_loop3A_311 = vector.bitcast %parallel_loop3A_309 : vector<16xi32> to vector<32xbf16>
      %parallel_loop3A_312 = arith.mulf %parallel_loop3A_310, %parallel_loop3A_311 : vector<32xbf16>
      %parallel_loop3A_313 = tpu.unpack_subelements %parallel_loop3A_312, 0 {pack_format = #tpu.pack_format<interleaved>} : vector<32xbf16> -> vector<16xf32>
      %parallel_loop3A_314 = tpu.unpack_subelements %parallel_loop3A_312, 1 {pack_format = #tpu.pack_format<interleaved>} : vector<32xbf16> -> vector<16xf32>
      %parallel_loop3A_315 = arith.addf %parallel_loop3A_313, %parallel_loop3A_314 : vector<16xf32>
      %parallel_loop3A_316 = arith.addf %parallel_loop3A_303, %parallel_loop3A_315 : vector<16xf32>
      %parallel_loop3A_317 = arith.index_cast %parallel_loop3A_301 : i32 to index
      %parallel_loop3A_318 = arith.constant 16 : index
      %parallel_loop3A_319 = tpu.vector_load %arg10[%parallel_loop3A_317, %parallel_loop3A_318] {strides = array<i32>} : memref<128x128xi32, #tpu.memory_space<vmem>>, vector<16xi32>,
      %parallel_loop3A_320 = arith.index_cast %parallel_loop3A_301 : i32 to index
      %parallel_loop3A_321 = arith.constant 16 : index
      %parallel_loop3A_322 = tpu.vector_load %arg13[%parallel_loop3A_320, %parallel_loop3A_321] {strides = array<i32>} : memref<128x128xi32, #tpu.memory_space<vmem>>, vector<16xi32>,
      %parallel_loop3A_323 = vector.bitcast %parallel_loop3A_319 : vector<16xi32> to vector<32xbf16>
      %parallel_loop3A_324 = vector.bitcast %parallel_loop3A_322 : vector<16xi32> to vector<32xbf16>
      %parallel_loop3A_325 = arith.mulf %parallel_loop3A_323, %parallel_loop3A_324 : vector<32xbf16>
      %parallel_loop3A_326 = tpu.unpack_subelements %parallel_loop3A_325, 0 {pack_format = #tpu.pack_format<interleaved>} : vector<32xbf16> -> vector<16xf32>
      %parallel_loop3A_327 = tpu.unpack_subelements %parallel_loop3A_325, 1 {pack_format = #tpu.pack_format<interleaved>} : vector<32xbf16> -> vector<16xf32>
      %parallel_loop3A_328 = arith.addf %parallel_loop3A_326, %parallel_loop3A_327 : vector<16xf32>
      %parallel_loop3A_329 = arith.index_cast %parallel_loop3A_301 : i32 to index
      %parallel_loop3A_330 = arith.constant 32 : index
      %parallel_loop3A_331 = tpu.vector_load %arg10[%parallel_loop3A_329, %parallel_loop3A_330] {strides = array<i32>} : memref<128x128xi32, #tpu.memory_space<vmem>>, vector<16xi32>,
      %parallel_loop3A_332 = arith.index_cast %parallel_loop3A_301 : i32 to index
      %parallel_loop3A_333 = arith.constant 32 : index
      %parallel_loop3A_334 = tpu.vector_load %arg13[%parallel_loop3A_332, %parallel_loop3A_333] {strides = array<i32>} : memref<128x128xi32, #tpu.memory_space<vmem>>, vector<16xi32>,
      %parallel_loop3A_335 = vector.bitcast %parallel_loop3A_331 : vector<16xi32> to vector<32xbf16>
      %parallel_loop3A_336 = vector.bitcast %parallel_loop3A_334 : vector<16xi32> to vector<32xbf16>
      %parallel_loop3A_337 = arith.mulf %parallel_loop3A_335, %parallel_loop3A_336 : vector<32xbf16>
      %parallel_loop3A_338 = tpu.unpack_subelements %parallel_loop3A_337, 0 {pack_format = #tpu.pack_format<interleaved>} : vector<32xbf16> -> vector<16xf32>
      %parallel_loop3A_339 = tpu.unpack_subelements %parallel_loop3A_337, 1 {pack_format = #tpu.pack_format<interleaved>} : vector<32xbf16> -> vector<16xf32>
      %parallel_loop3A_340 = arith.addf %parallel_loop3A_338, %parallel_loop3A_339 : vector<16xf32>
      %parallel_loop3A_341 = arith.index_cast %parallel_loop3A_301 : i32 to index
      %parallel_loop3A_342 = arith.constant 48 : index
      %parallel_loop3A_343 = tpu.vector_load %arg10[%parallel_loop3A_341, %parallel_loop3A_342] {strides = array<i32>} : memref<128x128xi32, #tpu.memory_space<vmem>>, vector<16xi32>,
      %parallel_loop3A_344 = arith.index_cast %parallel_loop3A_301 : i32 to index
      %parallel_loop3A_345 = arith.constant 48 : index
      %parallel_loop3A_346 = tpu.vector_load %arg13[%parallel_loop3A_344, %parallel_loop3A_345] {strides = array<i32>} : memref<128x128xi32, #tpu.memory_space<vmem>>, vector<16xi32>,
      %parallel_loop3A_347 = vector.bitcast %parallel_loop3A_343 : vector<16xi32> to vector<32xbf16>
      %parallel_loop3A_348 = vector.bitcast %parallel_loop3A_346 : vector<16xi32> to vector<32xbf16>
      %parallel_loop3A_349 = arith.mulf %parallel_loop3A_347, %parallel_loop3A_348 : vector<32xbf16>
      %parallel_loop3A_350 = tpu.unpack_subelements %parallel_loop3A_349, 0 {pack_format = #tpu.pack_format<interleaved>} : vector<32xbf16> -> vector<16xf32>
      %parallel_loop3A_351 = tpu.unpack_subelements %parallel_loop3A_349, 1 {pack_format = #tpu.pack_format<interleaved>} : vector<32xbf16> -> vector<16xf32>
      %parallel_loop3A_352 = arith.addf %parallel_loop3A_350, %parallel_loop3A_351 : vector<16xf32>
      %parallel_loop3A_353 = arith.index_cast %parallel_loop3A_301 : i32 to index
      %parallel_loop3A_354 = arith.constant 64 : index
      %parallel_loop3A_355 = tpu.vector_load %arg10[%parallel_loop3A_353, %parallel_loop3A_354] {strides = array<i32>} : memref<128x128xi32, #tpu.memory_space<vmem>>, vector<16xi32>,
      %parallel_loop3A_356 = arith.index_cast %parallel_loop3A_301 : i32 to index
      %parallel_loop3A_357 = arith.constant 64 : index
      %parallel_loop3A_358 = tpu.vector_load %arg13[%parallel_loop3A_356, %parallel_loop3A_357] {strides = array<i32>} : memref<128x128xi32, #tpu.memory_space<vmem>>, vector<16xi32>,
      %parallel_loop3A_359 = vector.bitcast %parallel_loop3A_355 : vector<16xi32> to vector<32xbf16>
      %parallel_loop3A_360 = vector.bitcast %parallel_loop3A_358 : vector<16xi32> to vector<32xbf16>
      %parallel_loop3A_361 = arith.mulf %parallel_loop3A_359, %parallel_loop3A_360 : vector<32xbf16>
      %parallel_loop3A_362 = tpu.unpack_subelements %parallel_loop3A_361, 0 {pack_format = #tpu.pack_format<interleaved>} : vector<32xbf16> -> vector<16xf32>
      %parallel_loop3A_363 = tpu.unpack_subelements %parallel_loop3A_361, 1 {pack_format = #tpu.pack_format<interleaved>} : vector<32xbf16> -> vector<16xf32>
      %parallel_loop3A_364 = arith.addf %parallel_loop3A_362, %parallel_loop3A_363 : vector<16xf32>
      %parallel_loop3A_365 = arith.addf %parallel_loop3A_316, %parallel_loop3A_364 : vector<16xf32>
      %parallel_loop3A_366 = arith.index_cast %parallel_loop3A_301 : i32 to index
      %parallel_loop3A_367 = arith.constant 80 : index
      %parallel_loop3A_368 = tpu.vector_load %arg10[%parallel_loop3A_366, %parallel_loop3A_367] {strides = array<i32>} : memref<128x128xi32, #tpu.memory_space<vmem>>, vector<16xi32>,
      %parallel_loop3A_369 = arith.index_cast %parallel_loop3A_301 : i32 to index
      %parallel_loop3A_370 = arith.constant 80 : index
      %parallel_loop3A_371 = tpu.vector_load %arg13[%parallel_loop3A_369, %parallel_loop3A_370] {strides = array<i32>} : memref<128x128xi32, #tpu.memory_space<vmem>>, vector<16xi32>,
      %parallel_loop3A_372 = vector.bitcast %parallel_loop3A_368 : vector<16xi32> to vector<32xbf16>
      %parallel_loop3A_373 = vector.bitcast %parallel_loop3A_371 : vector<16xi32> to vector<32xbf16>
      %parallel_loop3A_374 = arith.mulf %parallel_loop3A_372, %parallel_loop3A_373 : vector<32xbf16>
      %parallel_loop3A_375 = tpu.unpack_subelements %parallel_loop3A_374, 0 {pack_format = #tpu.pack_format<interleaved>} : vector<32xbf16> -> vector<16xf32>
      %parallel_loop3A_376 = tpu.unpack_subelements %parallel_loop3A_374, 1 {pack_format = #tpu.pack_format<interleaved>} : vector<32xbf16> -> vector<16xf32>
      %parallel_loop3A_377 = arith.addf %parallel_loop3A_375, %parallel_loop3A_376 : vector<16xf32>
      %parallel_loop3A_378 = arith.addf %parallel_loop3A_328, %parallel_loop3A_377 : vector<16xf32>
      %parallel_loop3A_379 = arith.index_cast %parallel_loop3A_301 : i32 to index
      %parallel_loop3A_380 = arith.constant 96 : index
      %parallel_loop3A_381 = tpu.vector_load %arg10[%parallel_loop3A_379, %parallel_loop3A_380] {strides = array<i32>} : memref<128x128xi32, #tpu.memory_space<vmem>>, vector<16xi32>,
      %parallel_loop3A_382 = arith.index_cast %parallel_loop3A_301 : i32 to index
      %parallel_loop3A_383 = arith.constant 96 : index
      %parallel_loop3A_384 = tpu.vector_load %arg13[%parallel_loop3A_382, %parallel_loop3A_383] {strides = array<i32>} : memref<128x128xi32, #tpu.memory_space<vmem>>, vector<16xi32>,
      %parallel_loop3A_385 = vector.bitcast %parallel_loop3A_381 : vector<16xi32> to vector<32xbf16>
      %parallel_loop3A_386 = vector.bitcast %parallel_loop3A_384 : vector<16xi32> to vector<32xbf16>
      %parallel_loop3A_387 = arith.mulf %parallel_loop3A_385, %parallel_loop3A_386 : vector<32xbf16>
      %parallel_loop3A_388 = tpu.unpack_subelements %parallel_loop3A_387, 0 {pack_format = #tpu.pack_format<interleaved>} : vector<32xbf16> -> vector<16xf32>
      %parallel_loop3A_389 = tpu.unpack_subelements %parallel_loop3A_387, 1 {pack_format = #tpu.pack_format<interleaved>} : vector<32xbf16> -> vector<16xf32>
      %parallel_loop3A_390 = arith.addf %parallel_loop3A_388, %parallel_loop3A_389 : vector<16xf32>
      %parallel_loop3A_391 = arith.addf %parallel_loop3A_340, %parallel_loop3A_390 : vector<16xf32>
      %parallel_loop3A_392 = arith.index_cast %parallel_loop3A_301 : i32 to index
      %parallel_loop3A_393 = arith.constant 112 : index
      %parallel_loop3A_394 = tpu.vector_load %arg10[%parallel_loop3A_392, %parallel_loop3A_393] {strides = array<i32>} : memref<128x128xi32, #tpu.memory_space<vmem>>, vector<16xi32>,
      %parallel_loop3A_395 = arith.index_cast %parallel_loop3A_301 : i32 to index
      %parallel_loop3A_396 = arith.constant 112 : index
      %parallel_loop3A_397 = tpu.vector_load %arg13[%parallel_loop3A_395, %parallel_loop3A_396] {strides = array<i32>} : memref<128x128xi32, #tpu.memory_space<vmem>>, vector<16xi32>,
      %parallel_loop3A_398 = vector.bitcast %parallel_loop3A_394 : vector<16xi32> to vector<32xbf16>
      %parallel_loop3A_399 = vector.bitcast %parallel_loop3A_397 : vector<16xi32> to vector<32xbf16>
      %parallel_loop3A_400 = arith.mulf %parallel_loop3A_398, %parallel_loop3A_399 : vector<32xbf16>
      %parallel_loop3A_401 = tpu.unpack_subelements %parallel_loop3A_400, 0 {pack_format = #tpu.pack_format<interleaved>} : vector<32xbf16> -> vector<16xf32>
      %parallel_loop3A_402 = tpu.unpack_subelements %parallel_loop3A_400, 1 {pack_format = #tpu.pack_format<interleaved>} : vector<32xbf16> -> vector<16xf32>
      %parallel_loop3A_403 = arith.addf %parallel_loop3A_401, %parallel_loop3A_402 : vector<16xf32>
      %parallel_loop3A_404 = arith.addf %parallel_loop3A_352, %parallel_loop3A_403 : vector<16xf32>
      %parallel_loop3A_405 = arith.addf %parallel_loop3A_365, %parallel_loop3A_378 : vector<16xf32>
      %parallel_loop3A_406 = arith.addf %parallel_loop3A_391, %parallel_loop3A_404 : vector<16xf32>
      %parallel_loop3A_407 = arith.addf %parallel_loop3A_405, %parallel_loop3A_406 : vector<16xf32>
      %parallel_loop3A_408 = arith.constant true
      %parallel_loop3A_409 = vector.broadcast %parallel_loop3A_408 : i1 to vector<16xi1>
      %parallel_loop3A_410 = tpu.scan <sum>, %parallel_loop3A_407 masked %parallel_loop3A_409 : vector<16xf32>, vector<16xi1> -> vector<16xf32>
      %parallel_loop3A_411 = vector.broadcast %parallel_loop3A_301 : i32 to vector<16xi32>
      tpu.vector_store_idx %arg16[%parallel_loop3A_411], %parallel_loop3A_410 masked %eq3A_2 : memref<128xf32, #tpu.memory_space<vmem>>[vector<16xi32>], vector<16xf32>, vector<16xi1>
    } {sc.loop_unroll_factor = 2 : i64, sc.parallel_access}
    %add3A_126 = arith.constant 2400 : i32
    %add3A_127 = arith.addi %add3A, %add3A_126 : i32
    %min3A_128 = arith.constant 2499 : i32
    %min3A_129 = arith.minsi %add3A_127, %min3A_128 : i32
    %mul3A_130 = arith.constant 128 : i32
    %mul3A_131 = arith.muli %min3A_129, %mul3A_130 : i32
    %dma_start3A_132 = tpu.memref_slice %arg6[%mul3A_131] : memref<320000xf32, #tpu.memory_space<hbm>> -> memref<128xf32, #tpu.memory_space<hbm>>
    %dma_start3A_133 = tpu.memref_slice %arg6[%mul3A_131] : memref<320000xf32, #tpu.memory_space<hbm>> -> memref<128xf32, #tpu.memory_space<hbm>>
    tpu.enqueue_dma source(%arg16 : memref<128xf32, #tpu.memory_space<vmem>>) target(%dma_start3A_133 : memref<128xf32, #tpu.memory_space<hbm>>) target_semaphore(%arg26 : memref<!tpu.dma_semaphore, #tpu.memory_space<semaphore_mem>>)
    %add3A_134 = arith.constant 2496 : i32
    %add3A_135 = arith.addi %add3A, %add3A_134 : i32
    %min3A_136 = arith.constant 2499 : i32
    %min3A_137 = arith.minsi %add3A_135, %min3A_136 : i32
    %mul3A_138 = arith.constant 128 : i32
    %mul3A_139 = arith.muli %min3A_137, %mul3A_138 : i32
    %dma_wait3A_140 = arith.constant 0 : i32
    %dma_wait3A_141 = tpu.memref_slice %arg4[%dma_wait3A_140, %mul3A_139] : memref<2x320000xi32, #tpu.memory_space<hbm>> -> memref<2x128xi32, #tpu.memory_space<hbm>>
    %dma_wait3A_142 = arith.constant 0 : i32
    %dma_wait3A_143 = tpu.memref_slice %arg4[%dma_wait3A_142, %mul3A_139] : memref<2x320000xi32, #tpu.memory_space<hbm>> -> memref<2x128xi32, #tpu.memory_space<hbm>>
    tpu.wait_dma2 semaphore(%arg20 : memref<!tpu.dma_semaphore, #tpu.memory_space<semaphore_mem>>) src(%dma_wait3A_143 : memref<2x128xi32, #tpu.memory_space<hbm>>) dst(%arg7 : memref<2x128xi32, #tpu.memory_space<vmem>>)
    %dma_start3A_144 = arith.constant 0 : i32
    %dma_start3A_145 = arith.constant 0 : i32
    %dma_start3A_146 = tpu.memref_slice %arg7[%dma_start3A_144, %dma_start3A_145] : memref<2x128xi32, #tpu.memory_space<vmem>> -> memref<1x128xi32, #tpu.memory_space<vmem>>
    %dma_start3A_147 = tpu.memref_squeeze %dma_start3A_146 : memref<1x128xi32, #tpu.memory_space<vmem>> -> memref<128xi32, #tpu.memory_space<vmem>>
    %dma_start3A_148 = arith.constant 0 : i32
    %dma_start3A_149 = arith.constant 0 : i32
    %dma_start3A_150 = tpu.memref_slice %arg2[%dma_start3A_148, %dma_start3A_149] : memref<10000x128xi32, #tpu.memory_space<hbm>> -> memref<10000x128xi32, #tpu.memory_space<hbm>>
    tpu.enqueue_indirect_dma source(%dma_start3A_150 : memref<10000x128xi32, #tpu.memory_space<hbm>>) target(%arg10 : memref<128x128xi32, #tpu.memory_space<vmem>>) offsets(%dma_start3A_147 : memref<128xi32, #tpu.memory_space<vmem>>) semaphore(%arg23 : memref<!tpu.dma_semaphore, #tpu.memory_space<semaphore_mem>>)
    %dma_start3A_151 = arith.constant 1 : i32
    %dma_start3A_152 = arith.constant 0 : i32
    %dma_start3A_153 = tpu.memref_slice %arg7[%dma_start3A_151, %dma_start3A_152] : memref<2x128xi32, #tpu.memory_space<vmem>> -> memref<1x128xi32, #tpu.memory_space<vmem>>
    %dma_start3A_154 = tpu.memref_squeeze %dma_start3A_153 : memref<1x128xi32, #tpu.memory_space<vmem>> -> memref<128xi32, #tpu.memory_space<vmem>>
    %dma_start3A_155 = arith.constant 0 : i32
    %dma_start3A_156 = arith.constant 0 : i32
    %dma_start3A_157 = tpu.memref_slice %arg3[%dma_start3A_155, %dma_start3A_156] : memref<10000x128xi32, #tpu.memory_space<hbm>> -> memref<10000x128xi32, #tpu.memory_space<hbm>>
    tpu.enqueue_indirect_dma source(%dma_start3A_157 : memref<10000x128xi32, #tpu.memory_space<hbm>>) target(%arg13 : memref<128x128xi32, #tpu.memory_space<vmem>>) offsets(%dma_start3A_154 : memref<128xi32, #tpu.memory_space<vmem>>) semaphore(%arg23 : memref<!tpu.dma_semaphore, #tpu.memory_space<semaphore_mem>>)
    %dma_wait3A_158 = arith.constant 0 : i32
    %dma_wait3A_159 = arith.constant 0 : i32
    %dma_wait3A_160 = tpu.memref_slice %arg8[%dma_wait3A_158, %dma_wait3A_159] : memref<2x128xi32, #tpu.memory_space<vmem>> -> memref<1x128xi32, #tpu.memory_space<vmem>>
    %dma_wait3A_161 = tpu.memref_squeeze %dma_wait3A_160 : memref<1x128xi32, #tpu.memory_space<vmem>> -> memref<128xi32, #tpu.memory_space<vmem>>
    %dma_wait3A_162 = arith.constant 0 : i32
    %dma_wait3A_163 = arith.constant 0 : i32
    %dma_wait3A_164 = tpu.memref_slice %arg2[%dma_wait3A_162, %dma_wait3A_163] : memref<10000x128xi32, #tpu.memory_space<hbm>> -> memref<10000x128xi32, #tpu.memory_space<hbm>>
    tpu.wait_indirect_dma semaphore(%arg24 : memref<!tpu.dma_semaphore, #tpu.memory_space<semaphore_mem>>) src(%dma_wait3A_164 : memref<10000x128xi32, #tpu.memory_space<hbm>>) dst(%arg11 : memref<128x128xi32, #tpu.memory_space<vmem>>)
    %dma_wait3A_165 = arith.constant 1 : i32
    %dma_wait3A_166 = arith.constant 0 : i32
    %dma_wait3A_167 = tpu.memref_slice %arg8[%dma_wait3A_165, %dma_wait3A_166] : memref<2x128xi32, #tpu.memory_space<vmem>> -> memref<1x128xi32, #tpu.memory_space<vmem>>
    %dma_wait3A_168 = tpu.memref_squeeze %dma_wait3A_167 : memref<1x128xi32, #tpu.memory_space<vmem>> -> memref<128xi32, #tpu.memory_space<vmem>>
    %dma_wait3A_169 = arith.constant 0 : i32
    %dma_wait3A_170 = arith.constant 0 : i32
    %dma_wait3A_171 = tpu.memref_slice %arg3[%dma_wait3A_169, %dma_wait3A_170] : memref<10000x128xi32, #tpu.memory_space<hbm>> -> memref<10000x128xi32, #tpu.memory_space<hbm>>
    tpu.wait_indirect_dma semaphore(%arg24 : memref<!tpu.dma_semaphore, #tpu.memory_space<semaphore_mem>>) src(%dma_wait3A_171 : memref<10000x128xi32, #tpu.memory_space<hbm>>) dst(%arg14 : memref<128x128xi32, #tpu.memory_space<vmem>>)
    %add3A_172 = arith.constant 2528 : i32
    %add3A_173 = arith.addi %add3A, %add3A_172 : i32
    %min3A_174 = arith.constant 2499 : i32
    %min3A_175 = arith.minsi %add3A_173, %min3A_174 : i32
    %mul3A_176 = arith.constant 128 : i32
    %mul3A_177 = arith.muli %min3A_175, %mul3A_176 : i32
    %dma_start3A_178 = arith.constant 0 : i32
    %dma_start3A_179 = tpu.memref_slice %arg4[%dma_start3A_178, %mul3A_177] : memref<2x320000xi32, #tpu.memory_space<hbm>> -> memref<2x128xi32, #tpu.memory_space<hbm>>
    %dma_start3A_180 = arith.constant 0 : i32
    %dma_start3A_181 = tpu.memref_slice %arg4[%dma_start3A_180, %mul3A_177] : memref<2x320000xi32, #tpu.memory_space<hbm>> -> memref<2x128xi32, #tpu.memory_space<hbm>>
    tpu.enqueue_dma source(%dma_start3A_181 : memref<2x128xi32, #tpu.memory_space<hbm>>) target(%arg8 : memref<2x128xi32, #tpu.memory_space<vmem>>) target_semaphore(%arg21 : memref<!tpu.dma_semaphore, #tpu.memory_space<semaphore_mem>>)
    %add3A_182 = arith.constant 2336 : i32
    %add3A_183 = arith.addi %add3A, %add3A_182 : i32
    %min3A_184 = arith.constant 2499 : i32
    %min3A_185 = arith.minsi %add3A_183, %min3A_184 : i32
    %mul3A_186 = arith.constant 128 : i32
    %mul3A_187 = arith.muli %min3A_185, %mul3A_186 : i32
    %dma_wait3A_188 = tpu.memref_slice %arg6[%mul3A_187] : memref<320000xf32, #tpu.memory_space<hbm>> -> memref<128xf32, #tpu.memory_space<hbm>>
    %dma_wait3A_189 = tpu.memref_slice %arg6[%mul3A_187] : memref<320000xf32, #tpu.memory_space<hbm>> -> memref<128xf32, #tpu.memory_space<hbm>>
    tpu.wait_dma2 semaphore(%arg27 : memref<!tpu.dma_semaphore, #tpu.memory_space<semaphore_mem>>) src(%arg17 : memref<128xf32, #tpu.memory_space<vmem>>) dst(%dma_wait3A_189 : memref<128xf32, #tpu.memory_space<hbm>>)
    %parallel_loop3A_190 = arith.constant 0 : i32
    %parallel_loop3A_191 = arith.constant 128 : i32
    %parallel_loop3A_192 = arith.constant 1 : i32
    scf.for %parallel_loop3A_301 = %parallel_loop3A_190 to %parallel_loop3A_191 step %parallel_loop3A_192  : i32 {
      %parallel_loop3A_302 = arith.constant 0 : index
      %parallel_loop3A_303 = tpu.vector_load %arg19[%parallel_loop3A_302] {strides = array<i32>} : memref<16xf32, #tpu.memory_space<vmem>>, vector<16xf32>,
      %parallel_loop3A_304 = arith.index_cast %parallel_loop3A_301 : i32 to index
      %parallel_loop3A_305 = arith.constant 0 : index
      %parallel_loop3A_306 = tpu.vector_load %arg11[%parallel_loop3A_304, %parallel_loop3A_305] {strides = array<i32>} : memref<128x128xi32, #tpu.memory_space<vmem>>, vector<16xi32>,
      %parallel_loop3A_307 = arith.index_cast %parallel_loop3A_301 : i32 to index
      %parallel_loop3A_308 = arith.constant 0 : index
      %parallel_loop3A_309 = tpu.vector_load %arg14[%parallel_loop3A_307, %parallel_loop3A_308] {strides = array<i32>} : memref<128x128xi32, #tpu.memory_space<vmem>>, vector<16xi32>,
      %parallel_loop3A_310 = vector.bitcast %parallel_loop3A_306 : vector<16xi32> to vector<32xbf16>
      %parallel_loop3A_311 = vector.bitcast %parallel_loop3A_309 : vector<16xi32> to vector<32xbf16>
      %parallel_loop3A_312 = arith.mulf %parallel_loop3A_310, %parallel_loop3A_311 : vector<32xbf16>
      %parallel_loop3A_313 = tpu.unpack_subelements %parallel_loop3A_312, 0 {pack_format = #tpu.pack_format<interleaved>} : vector<32xbf16> -> vector<16xf32>
      %parallel_loop3A_314 = tpu.unpack_subelements %parallel_loop3A_312, 1 {pack_format = #tpu.pack_format<interleaved>} : vector<32xbf16> -> vector<16xf32>
      %parallel_loop3A_315 = arith.addf %parallel_loop3A_313, %parallel_loop3A_314 : vector<16xf32>
      %parallel_loop3A_316 = arith.addf %parallel_loop3A_303, %parallel_loop3A_315 : vector<16xf32>
      %parallel_loop3A_317 = arith.index_cast %parallel_loop3A_301 : i32 to index
      %parallel_loop3A_318 = arith.constant 16 : index
      %parallel_loop3A_319 = tpu.vector_load %arg11[%parallel_loop3A_317, %parallel_loop3A_318] {strides = array<i32>} : memref<128x128xi32, #tpu.memory_space<vmem>>, vector<16xi32>,
      %parallel_loop3A_320 = arith.index_cast %parallel_loop3A_301 : i32 to index
      %parallel_loop3A_321 = arith.constant 16 : index
      %parallel_loop3A_322 = tpu.vector_load %arg14[%parallel_loop3A_320, %parallel_loop3A_321] {strides = array<i32>} : memref<128x128xi32, #tpu.memory_space<vmem>>, vector<16xi32>,
      %parallel_loop3A_323 = vector.bitcast %parallel_loop3A_319 : vector<16xi32> to vector<32xbf16>
      %parallel_loop3A_324 = vector.bitcast %parallel_loop3A_322 : vector<16xi32> to vector<32xbf16>
      %parallel_loop3A_325 = arith.mulf %parallel_loop3A_323, %parallel_loop3A_324 : vector<32xbf16>
      %parallel_loop3A_326 = tpu.unpack_subelements %parallel_loop3A_325, 0 {pack_format = #tpu.pack_format<interleaved>} : vector<32xbf16> -> vector<16xf32>
      %parallel_loop3A_327 = tpu.unpack_subelements %parallel_loop3A_325, 1 {pack_format = #tpu.pack_format<interleaved>} : vector<32xbf16> -> vector<16xf32>
      %parallel_loop3A_328 = arith.addf %parallel_loop3A_326, %parallel_loop3A_327 : vector<16xf32>
      %parallel_loop3A_329 = arith.index_cast %parallel_loop3A_301 : i32 to index
      %parallel_loop3A_330 = arith.constant 32 : index
      %parallel_loop3A_331 = tpu.vector_load %arg11[%parallel_loop3A_329, %parallel_loop3A_330] {strides = array<i32>} : memref<128x128xi32, #tpu.memory_space<vmem>>, vector<16xi32>,
      %parallel_loop3A_332 = arith.index_cast %parallel_loop3A_301 : i32 to index
      %parallel_loop3A_333 = arith.constant 32 : index
      %parallel_loop3A_334 = tpu.vector_load %arg14[%parallel_loop3A_332, %parallel_loop3A_333] {strides = array<i32>} : memref<128x128xi32, #tpu.memory_space<vmem>>, vector<16xi32>,
      %parallel_loop3A_335 = vector.bitcast %parallel_loop3A_331 : vector<16xi32> to vector<32xbf16>
      %parallel_loop3A_336 = vector.bitcast %parallel_loop3A_334 : vector<16xi32> to vector<32xbf16>
      %parallel_loop3A_337 = arith.mulf %parallel_loop3A_335, %parallel_loop3A_336 : vector<32xbf16>
      %parallel_loop3A_338 = tpu.unpack_subelements %parallel_loop3A_337, 0 {pack_format = #tpu.pack_format<interleaved>} : vector<32xbf16> -> vector<16xf32>
      %parallel_loop3A_339 = tpu.unpack_subelements %parallel_loop3A_337, 1 {pack_format = #tpu.pack_format<interleaved>} : vector<32xbf16> -> vector<16xf32>
      %parallel_loop3A_340 = arith.addf %parallel_loop3A_338, %parallel_loop3A_339 : vector<16xf32>
      %parallel_loop3A_341 = arith.index_cast %parallel_loop3A_301 : i32 to index
      %parallel_loop3A_342 = arith.constant 48 : index
      %parallel_loop3A_343 = tpu.vector_load %arg11[%parallel_loop3A_341, %parallel_loop3A_342] {strides = array<i32>} : memref<128x128xi32, #tpu.memory_space<vmem>>, vector<16xi32>,
      %parallel_loop3A_344 = arith.index_cast %parallel_loop3A_301 : i32 to index
      %parallel_loop3A_345 = arith.constant 48 : index
      %parallel_loop3A_346 = tpu.vector_load %arg14[%parallel_loop3A_344, %parallel_loop3A_345] {strides = array<i32>} : memref<128x128xi32, #tpu.memory_space<vmem>>, vector<16xi32>,
      %parallel_loop3A_347 = vector.bitcast %parallel_loop3A_343 : vector<16xi32> to vector<32xbf16>
      %parallel_loop3A_348 = vector.bitcast %parallel_loop3A_346 : vector<16xi32> to vector<32xbf16>
      %parallel_loop3A_349 = arith.mulf %parallel_loop3A_347, %parallel_loop3A_348 : vector<32xbf16>
      %parallel_loop3A_350 = tpu.unpack_subelements %parallel_loop3A_349, 0 {pack_format = #tpu.pack_format<interleaved>} : vector<32xbf16> -> vector<16xf32>
      %parallel_loop3A_351 = tpu.unpack_subelements %parallel_loop3A_349, 1 {pack_format = #tpu.pack_format<interleaved>} : vector<32xbf16> -> vector<16xf32>
      %parallel_loop3A_352 = arith.addf %parallel_loop3A_350, %parallel_loop3A_351 : vector<16xf32>
      %parallel_loop3A_353 = arith.index_cast %parallel_loop3A_301 : i32 to index
      %parallel_loop3A_354 = arith.constant 64 : index
      %parallel_loop3A_355 = tpu.vector_load %arg11[%parallel_loop3A_353, %parallel_loop3A_354] {strides = array<i32>} : memref<128x128xi32, #tpu.memory_space<vmem>>, vector<16xi32>,
      %parallel_loop3A_356 = arith.index_cast %parallel_loop3A_301 : i32 to index
      %parallel_loop3A_357 = arith.constant 64 : index
      %parallel_loop3A_358 = tpu.vector_load %arg14[%parallel_loop3A_356, %parallel_loop3A_357] {strides = array<i32>} : memref<128x128xi32, #tpu.memory_space<vmem>>, vector<16xi32>,
      %parallel_loop3A_359 = vector.bitcast %parallel_loop3A_355 : vector<16xi32> to vector<32xbf16>
      %parallel_loop3A_360 = vector.bitcast %parallel_loop3A_358 : vector<16xi32> to vector<32xbf16>
      %parallel_loop3A_361 = arith.mulf %parallel_loop3A_359, %parallel_loop3A_360 : vector<32xbf16>
      %parallel_loop3A_362 = tpu.unpack_subelements %parallel_loop3A_361, 0 {pack_format = #tpu.pack_format<interleaved>} : vector<32xbf16> -> vector<16xf32>
      %parallel_loop3A_363 = tpu.unpack_subelements %parallel_loop3A_361, 1 {pack_format = #tpu.pack_format<interleaved>} : vector<32xbf16> -> vector<16xf32>
      %parallel_loop3A_364 = arith.addf %parallel_loop3A_362, %parallel_loop3A_363 : vector<16xf32>
      %parallel_loop3A_365 = arith.addf %parallel_loop3A_316, %parallel_loop3A_364 : vector<16xf32>
      %parallel_loop3A_366 = arith.index_cast %parallel_loop3A_301 : i32 to index
      %parallel_loop3A_367 = arith.constant 80 : index
      %parallel_loop3A_368 = tpu.vector_load %arg11[%parallel_loop3A_366, %parallel_loop3A_367] {strides = array<i32>} : memref<128x128xi32, #tpu.memory_space<vmem>>, vector<16xi32>,
      %parallel_loop3A_369 = arith.index_cast %parallel_loop3A_301 : i32 to index
      %parallel_loop3A_370 = arith.constant 80 : index
      %parallel_loop3A_371 = tpu.vector_load %arg14[%parallel_loop3A_369, %parallel_loop3A_370] {strides = array<i32>} : memref<128x128xi32, #tpu.memory_space<vmem>>, vector<16xi32>,
      %parallel_loop3A_372 = vector.bitcast %parallel_loop3A_368 : vector<16xi32> to vector<32xbf16>
      %parallel_loop3A_373 = vector.bitcast %parallel_loop3A_371 : vector<16xi32> to vector<32xbf16>
      %parallel_loop3A_374 = arith.mulf %parallel_loop3A_372, %parallel_loop3A_373 : vector<32xbf16>
      %parallel_loop3A_375 = tpu.unpack_subelements %parallel_loop3A_374, 0 {pack_format = #tpu.pack_format<interleaved>} : vector<32xbf16> -> vector<16xf32>
      %parallel_loop3A_376 = tpu.unpack_subelements %parallel_loop3A_374, 1 {pack_format = #tpu.pack_format<interleaved>} : vector<32xbf16> -> vector<16xf32>
      %parallel_loop3A_377 = arith.addf %parallel_loop3A_375, %parallel_loop3A_376 : vector<16xf32>
      %parallel_loop3A_378 = arith.addf %parallel_loop3A_328, %parallel_loop3A_377 : vector<16xf32>
      %parallel_loop3A_379 = arith.index_cast %parallel_loop3A_301 : i32 to index
      %parallel_loop3A_380 = arith.constant 96 : index
      %parallel_loop3A_381 = tpu.vector_load %arg11[%parallel_loop3A_379, %parallel_loop3A_380] {strides = array<i32>} : memref<128x128xi32, #tpu.memory_space<vmem>>, vector<16xi32>,
      %parallel_loop3A_382 = arith.index_cast %parallel_loop3A_301 : i32 to index
      %parallel_loop3A_383 = arith.constant 96 : index
      %parallel_loop3A_384 = tpu.vector_load %arg14[%parallel_loop3A_382, %parallel_loop3A_383] {strides = array<i32>} : memref<128x128xi32, #tpu.memory_space<vmem>>, vector<16xi32>,
      %parallel_loop3A_385 = vector.bitcast %parallel_loop3A_381 : vector<16xi32> to vector<32xbf16>
      %parallel_loop3A_386 = vector.bitcast %parallel_loop3A_384 : vector<16xi32> to vector<32xbf16>
      %parallel_loop3A_387 = arith.mulf %parallel_loop3A_385, %parallel_loop3A_386 : vector<32xbf16>
      %parallel_loop3A_388 = tpu.unpack_subelements %parallel_loop3A_387, 0 {pack_format = #tpu.pack_format<interleaved>} : vector<32xbf16> -> vector<16xf32>
      %parallel_loop3A_389 = tpu.unpack_subelements %parallel_loop3A_387, 1 {pack_format = #tpu.pack_format<interleaved>} : vector<32xbf16> -> vector<16xf32>
      %parallel_loop3A_390 = arith.addf %parallel_loop3A_388, %parallel_loop3A_389 : vector<16xf32>
      %parallel_loop3A_391 = arith.addf %parallel_loop3A_340, %parallel_loop3A_390 : vector<16xf32>
      %parallel_loop3A_392 = arith.index_cast %parallel_loop3A_301 : i32 to index
      %parallel_loop3A_393 = arith.constant 112 : index
      %parallel_loop3A_394 = tpu.vector_load %arg11[%parallel_loop3A_392, %parallel_loop3A_393] {strides = array<i32>} : memref<128x128xi32, #tpu.memory_space<vmem>>, vector<16xi32>,
      %parallel_loop3A_395 = arith.index_cast %parallel_loop3A_301 : i32 to index
      %parallel_loop3A_396 = arith.constant 112 : index
      %parallel_loop3A_397 = tpu.vector_load %arg14[%parallel_loop3A_395, %parallel_loop3A_396] {strides = array<i32>} : memref<128x128xi32, #tpu.memory_space<vmem>>, vector<16xi32>,
      %parallel_loop3A_398 = vector.bitcast %parallel_loop3A_394 : vector<16xi32> to vector<32xbf16>
      %parallel_loop3A_399 = vector.bitcast %parallel_loop3A_397 : vector<16xi32> to vector<32xbf16>
      %parallel_loop3A_400 = arith.mulf %parallel_loop3A_398, %parallel_loop3A_399 : vector<32xbf16>
      %parallel_loop3A_401 = tpu.unpack_subelements %parallel_loop3A_400, 0 {pack_format = #tpu.pack_format<interleaved>} : vector<32xbf16> -> vector<16xf32>
      %parallel_loop3A_402 = tpu.unpack_subelements %parallel_loop3A_400, 1 {pack_format = #tpu.pack_format<interleaved>} : vector<32xbf16> -> vector<16xf32>
      %parallel_loop3A_403 = arith.addf %parallel_loop3A_401, %parallel_loop3A_402 : vector<16xf32>
      %parallel_loop3A_404 = arith.addf %parallel_loop3A_352, %parallel_loop3A_403 : vector<16xf32>
      %parallel_loop3A_405 = arith.addf %parallel_loop3A_365, %parallel_loop3A_378 : vector<16xf32>
      %parallel_loop3A_406 = arith.addf %parallel_loop3A_391, %parallel_loop3A_404 : vector<16xf32>
      %parallel_loop3A_407 = arith.addf %parallel_loop3A_405, %parallel_loop3A_406 : vector<16xf32>
      %parallel_loop3A_408 = arith.constant true
      %parallel_loop3A_409 = vector.broadcast %parallel_loop3A_408 : i1 to vector<16xi1>
      %parallel_loop3A_410 = tpu.scan <sum>, %parallel_loop3A_407 masked %parallel_loop3A_409 : vector<16xf32>, vector<16xi1> -> vector<16xf32>
      %parallel_loop3A_411 = vector.broadcast %parallel_loop3A_301 : i32 to vector<16xi32>
      tpu.vector_store_idx %arg17[%parallel_loop3A_411], %parallel_loop3A_410 masked %eq3A_2 : memref<128xf32, #tpu.memory_space<vmem>>[vector<16xi32>], vector<16xf32>, vector<16xi1>
    } {sc.loop_unroll_factor = 2 : i64, sc.parallel_access}
    %add3A_193 = arith.constant 2432 : i32
    %add3A_194 = arith.addi %add3A, %add3A_193 : i32
    %min3A_195 = arith.constant 2499 : i32
    %min3A_196 = arith.minsi %add3A_194, %min3A_195 : i32
    %mul3A_197 = arith.constant 128 : i32
    %mul3A_198 = arith.muli %min3A_196, %mul3A_197 : i32
    %dma_start3A_199 = tpu.memref_slice %arg6[%mul3A_198] : memref<320000xf32, #tpu.memory_space<hbm>> -> memref<128xf32, #tpu.memory_space<hbm>>
    %dma_start3A_200 = tpu.memref_slice %arg6[%mul3A_198] : memref<320000xf32, #tpu.memory_space<hbm>> -> memref<128xf32, #tpu.memory_space<hbm>>
    tpu.enqueue_dma source(%arg17 : memref<128xf32, #tpu.memory_space<vmem>>) target(%dma_start3A_200 : memref<128xf32, #tpu.memory_space<hbm>>) target_semaphore(%arg27 : memref<!tpu.dma_semaphore, #tpu.memory_space<semaphore_mem>>)
    %dma_wait3A_201 = arith.constant 0 : i32
    %dma_wait3A_202 = arith.constant 0 : i32
    %dma_wait3A_203 = tpu.memref_slice %arg9[%dma_wait3A_201, %dma_wait3A_202] : memref<2x128xi32, #tpu.memory_space<vmem>> -> memref<1x128xi32, #tpu.memory_space<vmem>>
    %dma_wait3A_204 = tpu.memref_squeeze %dma_wait3A_203 : memref<1x128xi32, #tpu.memory_space<vmem>> -> memref<128xi32, #tpu.memory_space<vmem>>
    %dma_wait3A_205 = arith.constant 0 : i32
    %dma_wait3A_206 = arith.constant 0 : i32
    %dma_wait3A_207 = tpu.memref_slice %arg2[%dma_wait3A_205, %dma_wait3A_206] : memref<10000x128xi32, #tpu.memory_space<hbm>> -> memref<10000x128xi32, #tpu.memory_space<hbm>>
    tpu.wait_indirect_dma semaphore(%arg25 : memref<!tpu.dma_semaphore, #tpu.memory_space<semaphore_mem>>) src(%dma_wait3A_207 : memref<10000x128xi32, #tpu.memory_space<hbm>>) dst(%arg12 : memref<128x128xi32, #tpu.memory_space<vmem>>)
    %dma_wait3A_208 = arith.constant 1 : i32
    %dma_wait3A_209 = arith.constant 0 : i32
    %dma_wait3A_210 = tpu.memref_slice %arg9[%dma_wait3A_208, %dma_wait3A_209] : memref<2x128xi32, #tpu.memory_space<vmem>> -> memref<1x128xi32, #tpu.memory_space<vmem>>
    %dma_wait3A_211 = tpu.memref_squeeze %dma_wait3A_210 : memref<1x128xi32, #tpu.memory_space<vmem>> -> memref<128xi32, #tpu.memory_space<vmem>>
    %dma_wait3A_212 = arith.constant 0 : i32
    %dma_wait3A_213 = arith.constant 0 : i32
    %dma_wait3A_214 = tpu.memref_slice %arg3[%dma_wait3A_212, %dma_wait3A_213] : memref<10000x128xi32, #tpu.memory_space<hbm>> -> memref<10000x128xi32, #tpu.memory_space<hbm>>
    tpu.wait_indirect_dma semaphore(%arg25 : memref<!tpu.dma_semaphore, #tpu.memory_space<semaphore_mem>>) src(%dma_wait3A_214 : memref<10000x128xi32, #tpu.memory_space<hbm>>) dst(%arg15 : memref<128x128xi32, #tpu.memory_space<vmem>>)
    %add3A_215 = arith.constant 2368 : i32
    %add3A_216 = arith.addi %add3A, %add3A_215 : i32
    %min3A_217 = arith.constant 2499 : i32
    %min3A_218 = arith.minsi %add3A_216, %min3A_217 : i32
    %mul3A_219 = arith.constant 128 : i32
    %mul3A_220 = arith.muli %min3A_218, %mul3A_219 : i32
    %dma_wait3A_221 = tpu.memref_slice %arg6[%mul3A_220] : memref<320000xf32, #tpu.memory_space<hbm>> -> memref<128xf32, #tpu.memory_space<hbm>>
    %dma_wait3A_222 = tpu.memref_slice %arg6[%mul3A_220] : memref<320000xf32, #tpu.memory_space<hbm>> -> memref<128xf32, #tpu.memory_space<hbm>>
    tpu.wait_dma2 semaphore(%arg28 : memref<!tpu.dma_semaphore, #tpu.memory_space<semaphore_mem>>) src(%arg18 : memref<128xf32, #tpu.memory_space<vmem>>) dst(%dma_wait3A_222 : memref<128xf32, #tpu.memory_space<hbm>>)
    %parallel_loop3A_223 = arith.constant 0 : i32
    %parallel_loop3A_224 = arith.constant 128 : i32
    %parallel_loop3A_225 = arith.constant 1 : i32
    scf.for %parallel_loop3A_301 = %parallel_loop3A_223 to %parallel_loop3A_224 step %parallel_loop3A_225  : i32 {
      %parallel_loop3A_302 = arith.constant 0 : index
      %parallel_loop3A_303 = tpu.vector_load %arg19[%parallel_loop3A_302] {strides = array<i32>} : memref<16xf32, #tpu.memory_space<vmem>>, vector<16xf32>,
      %parallel_loop3A_304 = arith.index_cast %parallel_loop3A_301 : i32 to index
      %parallel_loop3A_305 = arith.constant 0 : index
      %parallel_loop3A_306 = tpu.vector_load %arg12[%parallel_loop3A_304, %parallel_loop3A_305] {strides = array<i32>} : memref<128x128xi32, #tpu.memory_space<vmem>>, vector<16xi32>,
      %parallel_loop3A_307 = arith.index_cast %parallel_loop3A_301 : i32 to index
      %parallel_loop3A_308 = arith.constant 0 : index
      %parallel_loop3A_309 = tpu.vector_load %arg15[%parallel_loop3A_307, %parallel_loop3A_308] {strides = array<i32>} : memref<128x128xi32, #tpu.memory_space<vmem>>, vector<16xi32>,
      %parallel_loop3A_310 = vector.bitcast %parallel_loop3A_306 : vector<16xi32> to vector<32xbf16>
      %parallel_loop3A_311 = vector.bitcast %parallel_loop3A_309 : vector<16xi32> to vector<32xbf16>
      %parallel_loop3A_312 = arith.mulf %parallel_loop3A_310, %parallel_loop3A_311 : vector<32xbf16>
      %parallel_loop3A_313 = tpu.unpack_subelements %parallel_loop3A_312, 0 {pack_format = #tpu.pack_format<interleaved>} : vector<32xbf16> -> vector<16xf32>
      %parallel_loop3A_314 = tpu.unpack_subelements %parallel_loop3A_312, 1 {pack_format = #tpu.pack_format<interleaved>} : vector<32xbf16> -> vector<16xf32>
      %parallel_loop3A_315 = arith.addf %parallel_loop3A_313, %parallel_loop3A_314 : vector<16xf32>
      %parallel_loop3A_316 = arith.addf %parallel_loop3A_303, %parallel_loop3A_315 : vector<16xf32>
      %parallel_loop3A_317 = arith.index_cast %parallel_loop3A_301 : i32 to index
      %parallel_loop3A_318 = arith.constant 16 : index
      %parallel_loop3A_319 = tpu.vector_load %arg12[%parallel_loop3A_317, %parallel_loop3A_318] {strides = array<i32>} : memref<128x128xi32, #tpu.memory_space<vmem>>, vector<16xi32>,
      %parallel_loop3A_320 = arith.index_cast %parallel_loop3A_301 : i32 to index
      %parallel_loop3A_321 = arith.constant 16 : index
      %parallel_loop3A_322 = tpu.vector_load %arg15[%parallel_loop3A_320, %parallel_loop3A_321] {strides = array<i32>} : memref<128x128xi32, #tpu.memory_space<vmem>>, vector<16xi32>,
      %parallel_loop3A_323 = vector.bitcast %parallel_loop3A_319 : vector<16xi32> to vector<32xbf16>
      %parallel_loop3A_324 = vector.bitcast %parallel_loop3A_322 : vector<16xi32> to vector<32xbf16>
      %parallel_loop3A_325 = arith.mulf %parallel_loop3A_323, %parallel_loop3A_324 : vector<32xbf16>
      %parallel_loop3A_326 = tpu.unpack_subelements %parallel_loop3A_325, 0 {pack_format = #tpu.pack_format<interleaved>} : vector<32xbf16> -> vector<16xf32>
      %parallel_loop3A_327 = tpu.unpack_subelements %parallel_loop3A_325, 1 {pack_format = #tpu.pack_format<interleaved>} : vector<32xbf16> -> vector<16xf32>
      %parallel_loop3A_328 = arith.addf %parallel_loop3A_326, %parallel_loop3A_327 : vector<16xf32>
      %parallel_loop3A_329 = arith.index_cast %parallel_loop3A_301 : i32 to index
      %parallel_loop3A_330 = arith.constant 32 : index
      %parallel_loop3A_331 = tpu.vector_load %arg12[%parallel_loop3A_329, %parallel_loop3A_330] {strides = array<i32>} : memref<128x128xi32, #tpu.memory_space<vmem>>, vector<16xi32>,
      %parallel_loop3A_332 = arith.index_cast %parallel_loop3A_301 : i32 to index
      %parallel_loop3A_333 = arith.constant 32 : index
      %parallel_loop3A_334 = tpu.vector_load %arg15[%parallel_loop3A_332, %parallel_loop3A_333] {strides = array<i32>} : memref<128x128xi32, #tpu.memory_space<vmem>>, vector<16xi32>,
      %parallel_loop3A_335 = vector.bitcast %parallel_loop3A_331 : vector<16xi32> to vector<32xbf16>
      %parallel_loop3A_336 = vector.bitcast %parallel_loop3A_334 : vector<16xi32> to vector<32xbf16>
      %parallel_loop3A_337 = arith.mulf %parallel_loop3A_335, %parallel_loop3A_336 : vector<32xbf16>
      %parallel_loop3A_338 = tpu.unpack_subelements %parallel_loop3A_337, 0 {pack_format = #tpu.pack_format<interleaved>} : vector<32xbf16> -> vector<16xf32>
      %parallel_loop3A_339 = tpu.unpack_subelements %parallel_loop3A_337, 1 {pack_format = #tpu.pack_format<interleaved>} : vector<32xbf16> -> vector<16xf32>
      %parallel_loop3A_340 = arith.addf %parallel_loop3A_338, %parallel_loop3A_339 : vector<16xf32>
      %parallel_loop3A_341 = arith.index_cast %parallel_loop3A_301 : i32 to index
      %parallel_loop3A_342 = arith.constant 48 : index
      %parallel_loop3A_343 = tpu.vector_load %arg12[%parallel_loop3A_341, %parallel_loop3A_342] {strides = array<i32>} : memref<128x128xi32, #tpu.memory_space<vmem>>, vector<16xi32>,
      %parallel_loop3A_344 = arith.index_cast %parallel_loop3A_301 : i32 to index
      %parallel_loop3A_345 = arith.constant 48 : index
      %parallel_loop3A_346 = tpu.vector_load %arg15[%parallel_loop3A_344, %parallel_loop3A_345] {strides = array<i32>} : memref<128x128xi32, #tpu.memory_space<vmem>>, vector<16xi32>,
      %parallel_loop3A_347 = vector.bitcast %parallel_loop3A_343 : vector<16xi32> to vector<32xbf16>
      %parallel_loop3A_348 = vector.bitcast %parallel_loop3A_346 : vector<16xi32> to vector<32xbf16>
      %parallel_loop3A_349 = arith.mulf %parallel_loop3A_347, %parallel_loop3A_348 : vector<32xbf16>
      %parallel_loop3A_350 = tpu.unpack_subelements %parallel_loop3A_349, 0 {pack_format = #tpu.pack_format<interleaved>} : vector<32xbf16> -> vector<16xf32>
      %parallel_loop3A_351 = tpu.unpack_subelements %parallel_loop3A_349, 1 {pack_format = #tpu.pack_format<interleaved>} : vector<32xbf16> -> vector<16xf32>
      %parallel_loop3A_352 = arith.addf %parallel_loop3A_350, %parallel_loop3A_351 : vector<16xf32>
      %parallel_loop3A_353 = arith.index_cast %parallel_loop3A_301 : i32 to index
      %parallel_loop3A_354 = arith.constant 64 : index
      %parallel_loop3A_355 = tpu.vector_load %arg12[%parallel_loop3A_353, %parallel_loop3A_354] {strides = array<i32>} : memref<128x128xi32, #tpu.memory_space<vmem>>, vector<16xi32>,
      %parallel_loop3A_356 = arith.index_cast %parallel_loop3A_301 : i32 to index
      %parallel_loop3A_357 = arith.constant 64 : index
      %parallel_loop3A_358 = tpu.vector_load %arg15[%parallel_loop3A_356, %parallel_loop3A_357] {strides = array<i32>} : memref<128x128xi32, #tpu.memory_space<vmem>>, vector<16xi32>,
      %parallel_loop3A_359 = vector.bitcast %parallel_loop3A_355 : vector<16xi32> to vector<32xbf16>
      %parallel_loop3A_360 = vector.bitcast %parallel_loop3A_358 : vector<16xi32> to vector<32xbf16>
      %parallel_loop3A_361 = arith.mulf %parallel_loop3A_359, %parallel_loop3A_360 : vector<32xbf16>
      %parallel_loop3A_362 = tpu.unpack_subelements %parallel_loop3A_361, 0 {pack_format = #tpu.pack_format<interleaved>} : vector<32xbf16> -> vector<16xf32>
      %parallel_loop3A_363 = tpu.unpack_subelements %parallel_loop3A_361, 1 {pack_format = #tpu.pack_format<interleaved>} : vector<32xbf16> -> vector<16xf32>
      %parallel_loop3A_364 = arith.addf %parallel_loop3A_362, %parallel_loop3A_363 : vector<16xf32>
      %parallel_loop3A_365 = arith.addf %parallel_loop3A_316, %parallel_loop3A_364 : vector<16xf32>
      %parallel_loop3A_366 = arith.index_cast %parallel_loop3A_301 : i32 to index
      %parallel_loop3A_367 = arith.constant 80 : index
      %parallel_loop3A_368 = tpu.vector_load %arg12[%parallel_loop3A_366, %parallel_loop3A_367] {strides = array<i32>} : memref<128x128xi32, #tpu.memory_space<vmem>>, vector<16xi32>,
      %parallel_loop3A_369 = arith.index_cast %parallel_loop3A_301 : i32 to index
      %parallel_loop3A_370 = arith.constant 80 : index
      %parallel_loop3A_371 = tpu.vector_load %arg15[%parallel_loop3A_369, %parallel_loop3A_370] {strides = array<i32>} : memref<128x128xi32, #tpu.memory_space<vmem>>, vector<16xi32>,
      %parallel_loop3A_372 = vector.bitcast %parallel_loop3A_368 : vector<16xi32> to vector<32xbf16>
      %parallel_loop3A_373 = vector.bitcast %parallel_loop3A_371 : vector<16xi32> to vector<32xbf16>
      %parallel_loop3A_374 = arith.mulf %parallel_loop3A_372, %parallel_loop3A_373 : vector<32xbf16>
      %parallel_loop3A_375 = tpu.unpack_subelements %parallel_loop3A_374, 0 {pack_format = #tpu.pack_format<interleaved>} : vector<32xbf16> -> vector<16xf32>
      %parallel_loop3A_376 = tpu.unpack_subelements %parallel_loop3A_374, 1 {pack_format = #tpu.pack_format<interleaved>} : vector<32xbf16> -> vector<16xf32>
      %parallel_loop3A_377 = arith.addf %parallel_loop3A_375, %parallel_loop3A_376 : vector<16xf32>
      %parallel_loop3A_378 = arith.addf %parallel_loop3A_328, %parallel_loop3A_377 : vector<16xf32>
      %parallel_loop3A_379 = arith.index_cast %parallel_loop3A_301 : i32 to index
      %parallel_loop3A_380 = arith.constant 96 : index
      %parallel_loop3A_381 = tpu.vector_load %arg12[%parallel_loop3A_379, %parallel_loop3A_380] {strides = array<i32>} : memref<128x128xi32, #tpu.memory_space<vmem>>, vector<16xi32>,
      %parallel_loop3A_382 = arith.index_cast %parallel_loop3A_301 : i32 to index
      %parallel_loop3A_383 = arith.constant 96 : index
      %parallel_loop3A_384 = tpu.vector_load %arg15[%parallel_loop3A_382, %parallel_loop3A_383] {strides = array<i32>} : memref<128x128xi32, #tpu.memory_space<vmem>>, vector<16xi32>,
      %parallel_loop3A_385 = vector.bitcast %parallel_loop3A_381 : vector<16xi32> to vector<32xbf16>
      %parallel_loop3A_386 = vector.bitcast %parallel_loop3A_384 : vector<16xi32> to vector<32xbf16>
      %parallel_loop3A_387 = arith.mulf %parallel_loop3A_385, %parallel_loop3A_386 : vector<32xbf16>
      %parallel_loop3A_388 = tpu.unpack_subelements %parallel_loop3A_387, 0 {pack_format = #tpu.pack_format<interleaved>} : vector<32xbf16> -> vector<16xf32>
      %parallel_loop3A_389 = tpu.unpack_subelements %parallel_loop3A_387, 1 {pack_format = #tpu.pack_format<interleaved>} : vector<32xbf16> -> vector<16xf32>
      %parallel_loop3A_390 = arith.addf %parallel_loop3A_388, %parallel_loop3A_389 : vector<16xf32>
      %parallel_loop3A_391 = arith.addf %parallel_loop3A_340, %parallel_loop3A_390 : vector<16xf32>
      %parallel_loop3A_392 = arith.index_cast %parallel_loop3A_301 : i32 to index
      %parallel_loop3A_393 = arith.constant 112 : index
      %parallel_loop3A_394 = tpu.vector_load %arg12[%parallel_loop3A_392, %parallel_loop3A_393] {strides = array<i32>} : memref<128x128xi32, #tpu.memory_space<vmem>>, vector<16xi32>,
      %parallel_loop3A_395 = arith.index_cast %parallel_loop3A_301 : i32 to index
      %parallel_loop3A_396 = arith.constant 112 : index
      %parallel_loop3A_397 = tpu.vector_load %arg15[%parallel_loop3A_395, %parallel_loop3A_396] {strides = array<i32>} : memref<128x128xi32, #tpu.memory_space<vmem>>, vector<16xi32>,
      %parallel_loop3A_398 = vector.bitcast %parallel_loop3A_394 : vector<16xi32> to vector<32xbf16>
      %parallel_loop3A_399 = vector.bitcast %parallel_loop3A_397 : vector<16xi32> to vector<32xbf16>
      %parallel_loop3A_400 = arith.mulf %parallel_loop3A_398, %parallel_loop3A_399 : vector<32xbf16>
      %parallel_loop3A_401 = tpu.unpack_subelements %parallel_loop3A_400, 0 {pack_format = #tpu.pack_format<interleaved>} : vector<32xbf16> -> vector<16xf32>
      %parallel_loop3A_402 = tpu.unpack_subelements %parallel_loop3A_400, 1 {pack_format = #tpu.pack_format<interleaved>} : vector<32xbf16> -> vector<16xf32>
      %parallel_loop3A_403 = arith.addf %parallel_loop3A_401, %parallel_loop3A_402 : vector<16xf32>
      %parallel_loop3A_404 = arith.addf %parallel_loop3A_352, %parallel_loop3A_403 : vector<16xf32>
      %parallel_loop3A_405 = arith.addf %parallel_loop3A_365, %parallel_loop3A_378 : vector<16xf32>
      %parallel_loop3A_406 = arith.addf %parallel_loop3A_391, %parallel_loop3A_404 : vector<16xf32>
      %parallel_loop3A_407 = arith.addf %parallel_loop3A_405, %parallel_loop3A_406 : vector<16xf32>
      %parallel_loop3A_408 = arith.constant true
      %parallel_loop3A_409 = vector.broadcast %parallel_loop3A_408 : i1 to vector<16xi1>
      %parallel_loop3A_410 = tpu.scan <sum>, %parallel_loop3A_407 masked %parallel_loop3A_409 : vector<16xf32>, vector<16xi1> -> vector<16xf32>
      %parallel_loop3A_411 = vector.broadcast %parallel_loop3A_301 : i32 to vector<16xi32>
      tpu.vector_store_idx %arg18[%parallel_loop3A_411], %parallel_loop3A_410 masked %eq3A_2 : memref<128xf32, #tpu.memory_space<vmem>>[vector<16xi32>], vector<16xf32>, vector<16xi1>
    } {sc.loop_unroll_factor = 2 : i64, sc.parallel_access}
    %add3A_226 = arith.constant 2464 : i32
    %add3A_227 = arith.addi %add3A, %add3A_226 : i32
    %min3A_228 = arith.constant 2499 : i32
    %min3A_229 = arith.minsi %add3A_227, %min3A_228 : i32
    %mul3A_230 = arith.constant 128 : i32
    %mul3A_231 = arith.muli %min3A_229, %mul3A_230 : i32
    %dma_start3A_232 = tpu.memref_slice %arg6[%mul3A_231] : memref<320000xf32, #tpu.memory_space<hbm>> -> memref<128xf32, #tpu.memory_space<hbm>>
    %dma_start3A_233 = tpu.memref_slice %arg6[%mul3A_231] : memref<320000xf32, #tpu.memory_space<hbm>> -> memref<128xf32, #tpu.memory_space<hbm>>
    tpu.enqueue_dma source(%arg18 : memref<128xf32, #tpu.memory_space<vmem>>) target(%dma_start3A_233 : memref<128xf32, #tpu.memory_space<hbm>>) target_semaphore(%arg28 : memref<!tpu.dma_semaphore, #tpu.memory_space<semaphore_mem>>)
    %dma_wait3A_234 = arith.constant 0 : i32
    %dma_wait3A_235 = arith.constant 0 : i32
    %dma_wait3A_236 = tpu.memref_slice %arg7[%dma_wait3A_234, %dma_wait3A_235] : memref<2x128xi32, #tpu.memory_space<vmem>> -> memref<1x128xi32, #tpu.memory_space<vmem>>
    %dma_wait3A_237 = tpu.memref_squeeze %dma_wait3A_236 : memref<1x128xi32, #tpu.memory_space<vmem>> -> memref<128xi32, #tpu.memory_space<vmem>>
    %dma_wait3A_238 = arith.constant 0 : i32
    %dma_wait3A_239 = arith.constant 0 : i32
    %dma_wait3A_240 = tpu.memref_slice %arg2[%dma_wait3A_238, %dma_wait3A_239] : memref<10000x128xi32, #tpu.memory_space<hbm>> -> memref<10000x128xi32, #tpu.memory_space<hbm>>
    tpu.wait_indirect_dma semaphore(%arg23 : memref<!tpu.dma_semaphore, #tpu.memory_space<semaphore_mem>>) src(%dma_wait3A_240 : memref<10000x128xi32, #tpu.memory_space<hbm>>) dst(%arg10 : memref<128x128xi32, #tpu.memory_space<vmem>>)
    %dma_wait3A_241 = arith.constant 1 : i32
    %dma_wait3A_242 = arith.constant 0 : i32
    %dma_wait3A_243 = tpu.memref_slice %arg7[%dma_wait3A_241, %dma_wait3A_242] : memref<2x128xi32, #tpu.memory_space<vmem>> -> memref<1x128xi32, #tpu.memory_space<vmem>>
    %dma_wait3A_244 = tpu.memref_squeeze %dma_wait3A_243 : memref<1x128xi32, #tpu.memory_space<vmem>> -> memref<128xi32, #tpu.memory_space<vmem>>
    %dma_wait3A_245 = arith.constant 0 : i32
    %dma_wait3A_246 = arith.constant 0 : i32
    %dma_wait3A_247 = tpu.memref_slice %arg3[%dma_wait3A_245, %dma_wait3A_246] : memref<10000x128xi32, #tpu.memory_space<hbm>> -> memref<10000x128xi32, #tpu.memory_space<hbm>>
    tpu.wait_indirect_dma semaphore(%arg23 : memref<!tpu.dma_semaphore, #tpu.memory_space<semaphore_mem>>) src(%dma_wait3A_247 : memref<10000x128xi32, #tpu.memory_space<hbm>>) dst(%arg13 : memref<128x128xi32, #tpu.memory_space<vmem>>)
    %add3A_248 = arith.constant 2400 : i32
    %add3A_249 = arith.addi %add3A, %add3A_248 : i32
    %min3A_250 = arith.constant 2499 : i32
    %min3A_251 = arith.minsi %add3A_249, %min3A_250 : i32
    %mul3A_252 = arith.constant 128 : i32
    %mul3A_253 = arith.muli %min3A_251, %mul3A_252 : i32
    %dma_wait3A_254 = tpu.memref_slice %arg6[%mul3A_253] : memref<320000xf32, #tpu.memory_space<hbm>> -> memref<128xf32, #tpu.memory_space<hbm>>
    %dma_wait3A_255 = tpu.memref_slice %arg6[%mul3A_253] : memref<320000xf32, #tpu.memory_space<hbm>> -> memref<128xf32, #tpu.memory_space<hbm>>
    tpu.wait_dma2 semaphore(%arg26 : memref<!tpu.dma_semaphore, #tpu.memory_space<semaphore_mem>>) src(%arg16 : memref<128xf32, #tpu.memory_space<vmem>>) dst(%dma_wait3A_255 : memref<128xf32, #tpu.memory_space<hbm>>)
    %parallel_loop3A_256 = arith.constant 0 : i32
    %parallel_loop3A_257 = arith.constant 128 : i32
    %parallel_loop3A_258 = arith.constant 1 : i32
    scf.for %parallel_loop3A_301 = %parallel_loop3A_256 to %parallel_loop3A_257 step %parallel_loop3A_258  : i32 {
      %parallel_loop3A_302 = arith.constant 0 : index
      %parallel_loop3A_303 = tpu.vector_load %arg19[%parallel_loop3A_302] {strides = array<i32>} : memref<16xf32, #tpu.memory_space<vmem>>, vector<16xf32>,
      %parallel_loop3A_304 = arith.index_cast %parallel_loop3A_301 : i32 to index
      %parallel_loop3A_305 = arith.constant 0 : index
      %parallel_loop3A_306 = tpu.vector_load %arg10[%parallel_loop3A_304, %parallel_loop3A_305] {strides = array<i32>} : memref<128x128xi32, #tpu.memory_space<vmem>>, vector<16xi32>,
      %parallel_loop3A_307 = arith.index_cast %parallel_loop3A_301 : i32 to index
      %parallel_loop3A_308 = arith.constant 0 : index
      %parallel_loop3A_309 = tpu.vector_load %arg13[%parallel_loop3A_307, %parallel_loop3A_308] {strides = array<i32>} : memref<128x128xi32, #tpu.memory_space<vmem>>, vector<16xi32>,
      %parallel_loop3A_310 = vector.bitcast %parallel_loop3A_306 : vector<16xi32> to vector<32xbf16>
      %parallel_loop3A_311 = vector.bitcast %parallel_loop3A_309 : vector<16xi32> to vector<32xbf16>
      %parallel_loop3A_312 = arith.mulf %parallel_loop3A_310, %parallel_loop3A_311 : vector<32xbf16>
      %parallel_loop3A_313 = tpu.unpack_subelements %parallel_loop3A_312, 0 {pack_format = #tpu.pack_format<interleaved>} : vector<32xbf16> -> vector<16xf32>
      %parallel_loop3A_314 = tpu.unpack_subelements %parallel_loop3A_312, 1 {pack_format = #tpu.pack_format<interleaved>} : vector<32xbf16> -> vector<16xf32>
      %parallel_loop3A_315 = arith.addf %parallel_loop3A_313, %parallel_loop3A_314 : vector<16xf32>
      %parallel_loop3A_316 = arith.addf %parallel_loop3A_303, %parallel_loop3A_315 : vector<16xf32>
      %parallel_loop3A_317 = arith.index_cast %parallel_loop3A_301 : i32 to index
      %parallel_loop3A_318 = arith.constant 16 : index
      %parallel_loop3A_319 = tpu.vector_load %arg10[%parallel_loop3A_317, %parallel_loop3A_318] {strides = array<i32>} : memref<128x128xi32, #tpu.memory_space<vmem>>, vector<16xi32>,
      %parallel_loop3A_320 = arith.index_cast %parallel_loop3A_301 : i32 to index
      %parallel_loop3A_321 = arith.constant 16 : index
      %parallel_loop3A_322 = tpu.vector_load %arg13[%parallel_loop3A_320, %parallel_loop3A_321] {strides = array<i32>} : memref<128x128xi32, #tpu.memory_space<vmem>>, vector<16xi32>,
      %parallel_loop3A_323 = vector.bitcast %parallel_loop3A_319 : vector<16xi32> to vector<32xbf16>
      %parallel_loop3A_324 = vector.bitcast %parallel_loop3A_322 : vector<16xi32> to vector<32xbf16>
      %parallel_loop3A_325 = arith.mulf %parallel_loop3A_323, %parallel_loop3A_324 : vector<32xbf16>
      %parallel_loop3A_326 = tpu.unpack_subelements %parallel_loop3A_325, 0 {pack_format = #tpu.pack_format<interleaved>} : vector<32xbf16> -> vector<16xf32>
      %parallel_loop3A_327 = tpu.unpack_subelements %parallel_loop3A_325, 1 {pack_format = #tpu.pack_format<interleaved>} : vector<32xbf16> -> vector<16xf32>
      %parallel_loop3A_328 = arith.addf %parallel_loop3A_326, %parallel_loop3A_327 : vector<16xf32>
      %parallel_loop3A_329 = arith.index_cast %parallel_loop3A_301 : i32 to index
      %parallel_loop3A_330 = arith.constant 32 : index
      %parallel_loop3A_331 = tpu.vector_load %arg10[%parallel_loop3A_329, %parallel_loop3A_330] {strides = array<i32>} : memref<128x128xi32, #tpu.memory_space<vmem>>, vector<16xi32>,
      %parallel_loop3A_332 = arith.index_cast %parallel_loop3A_301 : i32 to index
      %parallel_loop3A_333 = arith.constant 32 : index
      %parallel_loop3A_334 = tpu.vector_load %arg13[%parallel_loop3A_332, %parallel_loop3A_333] {strides = array<i32>} : memref<128x128xi32, #tpu.memory_space<vmem>>, vector<16xi32>,
      %parallel_loop3A_335 = vector.bitcast %parallel_loop3A_331 : vector<16xi32> to vector<32xbf16>
      %parallel_loop3A_336 = vector.bitcast %parallel_loop3A_334 : vector<16xi32> to vector<32xbf16>
      %parallel_loop3A_337 = arith.mulf %parallel_loop3A_335, %parallel_loop3A_336 : vector<32xbf16>
      %parallel_loop3A_338 = tpu.unpack_subelements %parallel_loop3A_337, 0 {pack_format = #tpu.pack_format<interleaved>} : vector<32xbf16> -> vector<16xf32>
      %parallel_loop3A_339 = tpu.unpack_subelements %parallel_loop3A_337, 1 {pack_format = #tpu.pack_format<interleaved>} : vector<32xbf16> -> vector<16xf32>
      %parallel_loop3A_340 = arith.addf %parallel_loop3A_338, %parallel_loop3A_339 : vector<16xf32>
      %parallel_loop3A_341 = arith.index_cast %parallel_loop3A_301 : i32 to index
      %parallel_loop3A_342 = arith.constant 48 : index
      %parallel_loop3A_343 = tpu.vector_load %arg10[%parallel_loop3A_341, %parallel_loop3A_342] {strides = array<i32>} : memref<128x128xi32, #tpu.memory_space<vmem>>, vector<16xi32>,
      %parallel_loop3A_344 = arith.index_cast %parallel_loop3A_301 : i32 to index
      %parallel_loop3A_345 = arith.constant 48 : index
      %parallel_loop3A_346 = tpu.vector_load %arg13[%parallel_loop3A_344, %parallel_loop3A_345] {strides = array<i32>} : memref<128x128xi32, #tpu.memory_space<vmem>>, vector<16xi32>,
      %parallel_loop3A_347 = vector.bitcast %parallel_loop3A_343 : vector<16xi32> to vector<32xbf16>
      %parallel_loop3A_348 = vector.bitcast %parallel_loop3A_346 : vector<16xi32> to vector<32xbf16>
      %parallel_loop3A_349 = arith.mulf %parallel_loop3A_347, %parallel_loop3A_348 : vector<32xbf16>
      %parallel_loop3A_350 = tpu.unpack_subelements %parallel_loop3A_349, 0 {pack_format = #tpu.pack_format<interleaved>} : vector<32xbf16> -> vector<16xf32>
      %parallel_loop3A_351 = tpu.unpack_subelements %parallel_loop3A_349, 1 {pack_format = #tpu.pack_format<interleaved>} : vector<32xbf16> -> vector<16xf32>
      %parallel_loop3A_352 = arith.addf %parallel_loop3A_350, %parallel_loop3A_351 : vector<16xf32>
      %parallel_loop3A_353 = arith.index_cast %parallel_loop3A_301 : i32 to index
      %parallel_loop3A_354 = arith.constant 64 : index
      %parallel_loop3A_355 = tpu.vector_load %arg10[%parallel_loop3A_353, %parallel_loop3A_354] {strides = array<i32>} : memref<128x128xi32, #tpu.memory_space<vmem>>, vector<16xi32>,
      %parallel_loop3A_356 = arith.index_cast %parallel_loop3A_301 : i32 to index
      %parallel_loop3A_357 = arith.constant 64 : index
      %parallel_loop3A_358 = tpu.vector_load %arg13[%parallel_loop3A_356, %parallel_loop3A_357] {strides = array<i32>} : memref<128x128xi32, #tpu.memory_space<vmem>>, vector<16xi32>,
      %parallel_loop3A_359 = vector.bitcast %parallel_loop3A_355 : vector<16xi32> to vector<32xbf16>
      %parallel_loop3A_360 = vector.bitcast %parallel_loop3A_358 : vector<16xi32> to vector<32xbf16>
      %parallel_loop3A_361 = arith.mulf %parallel_loop3A_359, %parallel_loop3A_360 : vector<32xbf16>
      %parallel_loop3A_362 = tpu.unpack_subelements %parallel_loop3A_361, 0 {pack_format = #tpu.pack_format<interleaved>} : vector<32xbf16> -> vector<16xf32>
      %parallel_loop3A_363 = tpu.unpack_subelements %parallel_loop3A_361, 1 {pack_format = #tpu.pack_format<interleaved>} : vector<32xbf16> -> vector<16xf32>
      %parallel_loop3A_364 = arith.addf %parallel_loop3A_362, %parallel_loop3A_363 : vector<16xf32>
      %parallel_loop3A_365 = arith.addf %parallel_loop3A_316, %parallel_loop3A_364 : vector<16xf32>
      %parallel_loop3A_366 = arith.index_cast %parallel_loop3A_301 : i32 to index
      %parallel_loop3A_367 = arith.constant 80 : index
      %parallel_loop3A_368 = tpu.vector_load %arg10[%parallel_loop3A_366, %parallel_loop3A_367] {strides = array<i32>} : memref<128x128xi32, #tpu.memory_space<vmem>>, vector<16xi32>,
      %parallel_loop3A_369 = arith.index_cast %parallel_loop3A_301 : i32 to index
      %parallel_loop3A_370 = arith.constant 80 : index
      %parallel_loop3A_371 = tpu.vector_load %arg13[%parallel_loop3A_369, %parallel_loop3A_370] {strides = array<i32>} : memref<128x128xi32, #tpu.memory_space<vmem>>, vector<16xi32>,
      %parallel_loop3A_372 = vector.bitcast %parallel_loop3A_368 : vector<16xi32> to vector<32xbf16>
      %parallel_loop3A_373 = vector.bitcast %parallel_loop3A_371 : vector<16xi32> to vector<32xbf16>
      %parallel_loop3A_374 = arith.mulf %parallel_loop3A_372, %parallel_loop3A_373 : vector<32xbf16>
      %parallel_loop3A_375 = tpu.unpack_subelements %parallel_loop3A_374, 0 {pack_format = #tpu.pack_format<interleaved>} : vector<32xbf16> -> vector<16xf32>
      %parallel_loop3A_376 = tpu.unpack_subelements %parallel_loop3A_374, 1 {pack_format = #tpu.pack_format<interleaved>} : vector<32xbf16> -> vector<16xf32>
      %parallel_loop3A_377 = arith.addf %parallel_loop3A_375, %parallel_loop3A_376 : vector<16xf32>
      %parallel_loop3A_378 = arith.addf %parallel_loop3A_328, %parallel_loop3A_377 : vector<16xf32>
      %parallel_loop3A_379 = arith.index_cast %parallel_loop3A_301 : i32 to index
      %parallel_loop3A_380 = arith.constant 96 : index
      %parallel_loop3A_381 = tpu.vector_load %arg10[%parallel_loop3A_379, %parallel_loop3A_380] {strides = array<i32>} : memref<128x128xi32, #tpu.memory_space<vmem>>, vector<16xi32>,
      %parallel_loop3A_382 = arith.index_cast %parallel_loop3A_301 : i32 to index
      %parallel_loop3A_383 = arith.constant 96 : index
      %parallel_loop3A_384 = tpu.vector_load %arg13[%parallel_loop3A_382, %parallel_loop3A_383] {strides = array<i32>} : memref<128x128xi32, #tpu.memory_space<vmem>>, vector<16xi32>,
      %parallel_loop3A_385 = vector.bitcast %parallel_loop3A_381 : vector<16xi32> to vector<32xbf16>
      %parallel_loop3A_386 = vector.bitcast %parallel_loop3A_384 : vector<16xi32> to vector<32xbf16>
      %parallel_loop3A_387 = arith.mulf %parallel_loop3A_385, %parallel_loop3A_386 : vector<32xbf16>
      %parallel_loop3A_388 = tpu.unpack_subelements %parallel_loop3A_387, 0 {pack_format = #tpu.pack_format<interleaved>} : vector<32xbf16> -> vector<16xf32>
      %parallel_loop3A_389 = tpu.unpack_subelements %parallel_loop3A_387, 1 {pack_format = #tpu.pack_format<interleaved>} : vector<32xbf16> -> vector<16xf32>
      %parallel_loop3A_390 = arith.addf %parallel_loop3A_388, %parallel_loop3A_389 : vector<16xf32>
      %parallel_loop3A_391 = arith.addf %parallel_loop3A_340, %parallel_loop3A_390 : vector<16xf32>
      %parallel_loop3A_392 = arith.index_cast %parallel_loop3A_301 : i32 to index
      %parallel_loop3A_393 = arith.constant 112 : index
      %parallel_loop3A_394 = tpu.vector_load %arg10[%parallel_loop3A_392, %parallel_loop3A_393] {strides = array<i32>} : memref<128x128xi32, #tpu.memory_space<vmem>>, vector<16xi32>,
      %parallel_loop3A_395 = arith.index_cast %parallel_loop3A_301 : i32 to index
      %parallel_loop3A_396 = arith.constant 112 : index
      %parallel_loop3A_397 = tpu.vector_load %arg13[%parallel_loop3A_395, %parallel_loop3A_396] {strides = array<i32>} : memref<128x128xi32, #tpu.memory_space<vmem>>, vector<16xi32>,
      %parallel_loop3A_398 = vector.bitcast %parallel_loop3A_394 : vector<16xi32> to vector<32xbf16>
      %parallel_loop3A_399 = vector.bitcast %parallel_loop3A_397 : vector<16xi32> to vector<32xbf16>
      %parallel_loop3A_400 = arith.mulf %parallel_loop3A_398, %parallel_loop3A_399 : vector<32xbf16>
      %parallel_loop3A_401 = tpu.unpack_subelements %parallel_loop3A_400, 0 {pack_format = #tpu.pack_format<interleaved>} : vector<32xbf16> -> vector<16xf32>
      %parallel_loop3A_402 = tpu.unpack_subelements %parallel_loop3A_400, 1 {pack_format = #tpu.pack_format<interleaved>} : vector<32xbf16> -> vector<16xf32>
      %parallel_loop3A_403 = arith.addf %parallel_loop3A_401, %parallel_loop3A_402 : vector<16xf32>
      %parallel_loop3A_404 = arith.addf %parallel_loop3A_352, %parallel_loop3A_403 : vector<16xf32>
      %parallel_loop3A_405 = arith.addf %parallel_loop3A_365, %parallel_loop3A_378 : vector<16xf32>
      %parallel_loop3A_406 = arith.addf %parallel_loop3A_391, %parallel_loop3A_404 : vector<16xf32>
      %parallel_loop3A_407 = arith.addf %parallel_loop3A_405, %parallel_loop3A_406 : vector<16xf32>
      %parallel_loop3A_408 = arith.constant true
      %parallel_loop3A_409 = vector.broadcast %parallel_loop3A_408 : i1 to vector<16xi1>
      %parallel_loop3A_410 = tpu.scan <sum>, %parallel_loop3A_407 masked %parallel_loop3A_409 : vector<16xf32>, vector<16xi1> -> vector<16xf32>
      %parallel_loop3A_411 = vector.broadcast %parallel_loop3A_301 : i32 to vector<16xi32>
      tpu.vector_store_idx %arg16[%parallel_loop3A_411], %parallel_loop3A_410 masked %eq3A_2 : memref<128xf32, #tpu.memory_space<vmem>>[vector<16xi32>], vector<16xf32>, vector<16xi1>
    } {sc.loop_unroll_factor = 2 : i64, sc.parallel_access}
    %add3A_259 = arith.constant 2496 : i32
    %add3A_260 = arith.addi %add3A, %add3A_259 : i32
    %min3A_261 = arith.constant 2499 : i32
    %min3A_262 = arith.minsi %add3A_260, %min3A_261 : i32
    %mul3A_263 = arith.constant 128 : i32
    %mul3A_264 = arith.muli %min3A_262, %mul3A_263 : i32
    %dma_start3A_265 = tpu.memref_slice %arg6[%mul3A_264] : memref<320000xf32, #tpu.memory_space<hbm>> -> memref<128xf32, #tpu.memory_space<hbm>>
    %dma_start3A_266 = tpu.memref_slice %arg6[%mul3A_264] : memref<320000xf32, #tpu.memory_space<hbm>> -> memref<128xf32, #tpu.memory_space<hbm>>
    tpu.enqueue_dma source(%arg16 : memref<128xf32, #tpu.memory_space<vmem>>) target(%dma_start3A_266 : memref<128xf32, #tpu.memory_space<hbm>>) target_semaphore(%arg26 : memref<!tpu.dma_semaphore, #tpu.memory_space<semaphore_mem>>)
    %add3A_267 = arith.constant 2528 : i32
    %add3A_268 = arith.addi %add3A, %add3A_267 : i32
    %min3A_269 = arith.constant 2499 : i32
    %min3A_270 = arith.minsi %add3A_268, %min3A_269 : i32
    %mul3A_271 = arith.constant 128 : i32
    %mul3A_272 = arith.muli %min3A_270, %mul3A_271 : i32
    %dma_wait3A_273 = arith.constant 0 : i32
    %dma_wait3A_274 = tpu.memref_slice %arg4[%dma_wait3A_273, %mul3A_272] : memref<2x320000xi32, #tpu.memory_space<hbm>> -> memref<2x128xi32, #tpu.memory_space<hbm>>
    %dma_wait3A_275 = arith.constant 0 : i32
    %dma_wait3A_276 = tpu.memref_slice %arg4[%dma_wait3A_275, %mul3A_272] : memref<2x320000xi32, #tpu.memory_space<hbm>> -> memref<2x128xi32, #tpu.memory_space<hbm>>
    tpu.wait_dma2 semaphore(%arg21 : memref<!tpu.dma_semaphore, #tpu.memory_space<semaphore_mem>>) src(%dma_wait3A_276 : memref<2x128xi32, #tpu.memory_space<hbm>>) dst(%arg8 : memref<2x128xi32, #tpu.memory_space<vmem>>)
    %add3A_277 = arith.constant 2464 : i32
    %add3A_278 = arith.addi %add3A, %add3A_277 : i32
    %min3A_279 = arith.constant 2499 : i32
    %min3A_280 = arith.minsi %add3A_278, %min3A_279 : i32
    %mul3A_281 = arith.constant 128 : i32
    %mul3A_282 = arith.muli %min3A_280, %mul3A_281 : i32
    %dma_wait3A_283 = tpu.memref_slice %arg6[%mul3A_282] : memref<320000xf32, #tpu.memory_space<hbm>> -> memref<128xf32, #tpu.memory_space<hbm>>
    %dma_wait3A_284 = tpu.memref_slice %arg6[%mul3A_282] : memref<320000xf32, #tpu.memory_space<hbm>> -> memref<128xf32, #tpu.memory_space<hbm>>
    tpu.wait_dma2 semaphore(%arg28 : memref<!tpu.dma_semaphore, #tpu.memory_space<semaphore_mem>>) src(%arg18 : memref<128xf32, #tpu.memory_space<vmem>>) dst(%dma_wait3A_284 : memref<128xf32, #tpu.memory_space<hbm>>)
    %add3A_285 = arith.constant 2496 : i32
    %add3A_286 = arith.addi %add3A, %add3A_285 : i32
    %min3A_287 = arith.constant 2499 : i32
    %min3A_288 = arith.minsi %add3A_286, %min3A_287 : i32
    %mul3A_289 = arith.constant 128 : i32
    %mul3A_290 = arith.muli %min3A_288, %mul3A_289 : i32
    %dma_wait3A_291 = tpu.memref_slice %arg6[%mul3A_290] : memref<320000xf32, #tpu.memory_space<hbm>> -> memref<128xf32, #tpu.memory_space<hbm>>
    %dma_wait3A_292 = tpu.memref_slice %arg6[%mul3A_290] : memref<320000xf32, #tpu.memory_space<hbm>> -> memref<128xf32, #tpu.memory_space<hbm>>
    tpu.wait_dma2 semaphore(%arg26 : memref<!tpu.dma_semaphore, #tpu.memory_space<semaphore_mem>>) src(%arg16 : memref<128xf32, #tpu.memory_space<vmem>>) dst(%dma_wait3A_292 : memref<128xf32, #tpu.memory_space<hbm>>)
    %add3A_293 = arith.constant 2432 : i32
    %add3A_294 = arith.addi %add3A, %add3A_293 : i32
    %min3A_295 = arith.constant 2499 : i32
    %min3A_296 = arith.minsi %add3A_294, %min3A_295 : i32
    %mul3A_297 = arith.constant 128 : i32
    %mul3A_298 = arith.muli %min3A_296, %mul3A_297 : i32
    %dma_wait3A_299 = tpu.memref_slice %arg6[%mul3A_298] : memref<320000xf32, #tpu.memory_space<hbm>> -> memref<128xf32, #tpu.memory_space<hbm>>
    %dma_wait3A_300 = tpu.memref_slice %arg6[%mul3A_298] : memref<320000xf32, #tpu.memory_space<hbm>> -> memref<128xf32, #tpu.memory_space<hbm>>
    tpu.wait_dma2 semaphore(%arg27 : memref<!tpu.dma_semaphore, #tpu.memory_space<semaphore_mem>>) src(%arg17 : memref<128xf32, #tpu.memory_space<vmem>>) dst(%dma_wait3A_300 : memref<128xf32, #tpu.memory_space<hbm>>)
    return
  }
}

module attributes {stable_mosaic.version = 14 : i64} {
  func.func @_tables_body(%arg0: memref<10000x128xf32, #tpu.memory_space<vmem>>, %arg1: memref<1x128xf32, #tpu.memory_space<vmem>>, %arg2: memref<10000x128xi32, #tpu.memory_space<vmem>>, %arg3: memref<10000x128xi32, #tpu.memory_space<vmem>>) attributes {dimension_semantics = [], scalar_prefetch = 0 : i64, scratch_operands = 0 : i64, tpu.core_type = #tpu.core_type<tc>} {
    %get3A = arith.constant 0 : index
    %get3A_0 = arith.constant 0 : index
    %get3A_1 = vector.load %arg0[%get3A, %get3A_0] : memref<10000x128xf32, #tpu.memory_space<vmem>>, vector<10000x128xf32>
    %get3A_2 = arith.constant 0 : index
    %get3A_3 = arith.constant 0 : index
    %get3A_4 = vector.load %arg1[%get3A_2, %get3A_3] : memref<1x128xf32, #tpu.memory_space<vmem>>, vector<1x128xf32>
    %sin3A = math.sin %get3A_1 : vector<10000x128xf32>
    %cos3A = math.cos %get3A_1 : vector<10000x128xf32>
    %mul3A = vector.broadcast %get3A_4 : vector<1x128xf32> to vector<10000x128xf32>
    %mul3A_5 = arith.mulf %sin3A, %mul3A : vector<10000x128xf32>
    %mul3A_6 = vector.broadcast %get3A_4 : vector<1x128xf32> to vector<10000x128xf32>
    %mul3A_7 = arith.mulf %cos3A, %mul3A_6 : vector<10000x128xf32>
    %bitcast_convert_type3A = tpu.bitcast %mul3A_5 : vector<10000x128xf32> -> vector<10000x128xi32>
    %bitcast_convert_type3A_8 = tpu.bitcast %mul3A_7 : vector<10000x128xf32> -> vector<10000x128xi32>
    %add3A = arith.constant 32767 : i32
    %add3A_9 = vector.broadcast %add3A : i32 to vector<10000x128xi32>
    %add3A_10 = arith.addi %bitcast_convert_type3A, %add3A_9 : vector<10000x128xi32>
    %shift_right_logical3A = arith.constant 16 : i32
    %shift_right_logical3A_11 = vector.broadcast %shift_right_logical3A : i32 to vector<10000x128xi32>
    %shift_right_logical3A_12 = arith.shrui %bitcast_convert_type3A, %shift_right_logical3A_11 : vector<10000x128xi32>
    %and3A = arith.constant 1 : i32
    %and3A_13 = vector.broadcast %and3A : i32 to vector<10000x128xi32>
    %and3A_14 = arith.andi %shift_right_logical3A_12, %and3A_13 : vector<10000x128xi32>
    %add3A_15 = arith.addi %add3A_10, %and3A_14 : vector<10000x128xi32>
    %shift_right_logical3A_16 = arith.constant 16 : i32
    %shift_right_logical3A_17 = vector.broadcast %shift_right_logical3A_16 : i32 to vector<10000x128xi32>
    %shift_right_logical3A_18 = arith.shrui %add3A_15, %shift_right_logical3A_17 : vector<10000x128xi32>
    %add3A_19 = arith.constant 32767 : i32
    %add3A_20 = vector.broadcast %add3A_19 : i32 to vector<10000x128xi32>
    %add3A_21 = arith.addi %bitcast_convert_type3A_8, %add3A_20 : vector<10000x128xi32>
    %shift_right_logical3A_22 = arith.constant 16 : i32
    %shift_right_logical3A_23 = vector.broadcast %shift_right_logical3A_22 : i32 to vector<10000x128xi32>
    %shift_right_logical3A_24 = arith.shrui %bitcast_convert_type3A_8, %shift_right_logical3A_23 : vector<10000x128xi32>
    %and3A_25 = arith.constant 1 : i32
    %and3A_26 = vector.broadcast %and3A_25 : i32 to vector<10000x128xi32>
    %and3A_27 = arith.andi %shift_right_logical3A_24, %and3A_26 : vector<10000x128xi32>
    %add3A_28 = arith.addi %add3A_21, %and3A_27 : vector<10000x128xi32>
    %and3A_29 = arith.constant -65536 : i32
    %and3A_30 = vector.broadcast %and3A_29 : i32 to vector<10000x128xi32>
    %and3A_31 = arith.andi %add3A_28, %and3A_30 : vector<10000x128xi32>
    %or3A = arith.ori %shift_right_logical3A_18, %and3A_31 : vector<10000x128xi32>
    %bitcast_convert_type3A_32 = tpu.bitcast %or3A : vector<10000x128xi32> -> vector<10000x128xi32>
    %swap3A = arith.constant 0 : index
    %swap3A_33 = arith.constant 0 : index
    %swap3A_34 = vector.load %arg2[%swap3A, %swap3A_33] : memref<10000x128xi32, #tpu.memory_space<vmem>>, vector<10000x128xi32>
    tpu.vector_store %arg2[%swap3A, %swap3A_33], %bitcast_convert_type3A_32 {strides = array<i32>} : memref<10000x128xi32, #tpu.memory_space<vmem>>, vector<10000x128xi32>,
    %neg3A = arith.constant 0.000000e+00 : f32
    %neg3A_35 = vector.broadcast %neg3A : f32 to vector<10000x128xf32>
    %neg3A_36 = arith.subf %neg3A_35, %sin3A : vector<10000x128xf32>
    %bitcast_convert_type3A_37 = tpu.bitcast %cos3A : vector<10000x128xf32> -> vector<10000x128xi32>
    %bitcast_convert_type3A_38 = tpu.bitcast %neg3A_36 : vector<10000x128xf32> -> vector<10000x128xi32>
    %add3A_39 = arith.constant 32767 : i32
    %add3A_40 = vector.broadcast %add3A_39 : i32 to vector<10000x128xi32>
    %add3A_41 = arith.addi %bitcast_convert_type3A_37, %add3A_40 : vector<10000x128xi32>
    %shift_right_logical3A_42 = arith.constant 16 : i32
    %shift_right_logical3A_43 = vector.broadcast %shift_right_logical3A_42 : i32 to vector<10000x128xi32>
    %shift_right_logical3A_44 = arith.shrui %bitcast_convert_type3A_37, %shift_right_logical3A_43 : vector<10000x128xi32>
    %and3A_45 = arith.constant 1 : i32
    %and3A_46 = vector.broadcast %and3A_45 : i32 to vector<10000x128xi32>
    %and3A_47 = arith.andi %shift_right_logical3A_44, %and3A_46 : vector<10000x128xi32>
    %add3A_48 = arith.addi %add3A_41, %and3A_47 : vector<10000x128xi32>
    %shift_right_logical3A_49 = arith.constant 16 : i32
    %shift_right_logical3A_50 = vector.broadcast %shift_right_logical3A_49 : i32 to vector<10000x128xi32>
    %shift_right_logical3A_51 = arith.shrui %add3A_48, %shift_right_logical3A_50 : vector<10000x128xi32>
    %add3A_52 = arith.constant 32767 : i32
    %add3A_53 = vector.broadcast %add3A_52 : i32 to vector<10000x128xi32>
    %add3A_54 = arith.addi %bitcast_convert_type3A_38, %add3A_53 : vector<10000x128xi32>
    %shift_right_logical3A_55 = arith.constant 16 : i32
    %shift_right_logical3A_56 = vector.broadcast %shift_right_logical3A_55 : i32 to vector<10000x128xi32>
    %shift_right_logical3A_57 = arith.shrui %bitcast_convert_type3A_38, %shift_right_logical3A_56 : vector<10000x128xi32>
    %and3A_58 = arith.constant 1 : i32
    %and3A_59 = vector.broadcast %and3A_58 : i32 to vector<10000x128xi32>
    %and3A_60 = arith.andi %shift_right_logical3A_57, %and3A_59 : vector<10000x128xi32>
    %add3A_61 = arith.addi %add3A_54, %and3A_60 : vector<10000x128xi32>
    %and3A_62 = arith.constant -65536 : i32
    %and3A_63 = vector.broadcast %and3A_62 : i32 to vector<10000x128xi32>
    %and3A_64 = arith.andi %add3A_61, %and3A_63 : vector<10000x128xi32>
    %or3A_65 = arith.ori %shift_right_logical3A_51, %and3A_64 : vector<10000x128xi32>
    %bitcast_convert_type3A_66 = tpu.bitcast %or3A_65 : vector<10000x128xi32> -> vector<10000x128xi32>
    %swap3A_67 = arith.constant 0 : index
    %swap3A_68 = arith.constant 0 : index
    %swap3A_69 = vector.load %arg3[%swap3A_67, %swap3A_68] : memref<10000x128xi32, #tpu.memory_space<vmem>>, vector<10000x128xi32>
    tpu.vector_store %arg3[%swap3A_67, %swap3A_68], %bitcast_convert_type3A_66 {strides = array<i32>} : memref<10000x128xi32, #tpu.memory_space<vmem>>, vector<10000x128xi32>,
    return
  }
}

</mosaic_0001>

<sc_bundles>
// kernel: kernel.4.cloned.1.call-start
scs
__scs_entry_jumppad:
0x0: {  	(pc) =	sbr.rel $0x88, $3  }
0x1: {  	(tag) =	ssettag $0x0;
	lr =	simm.s32 $0x1  }
0x2: {  	[smem:$0x3F9D] =	sst lr;
	_ =	strace $0xD0000000  }
0x3: {  	_ = 	snop  }
0x4: {  	_ = 	snop  }
0x5: {  	_ = 	snop  }
0x6: {  	_ = 	snop  }
0x7: {  	_ = 	snop  }
__scs_overlays_trampoline_lowered:
0x8: {  	[smem:$0x3FAC] =	sst s0  }
0x9: {  	[smem:$0x3FAD] =	sst s1  }
0xa: {  	[smem:$0x3FAE] =	sst s2  }
0xb: {  	[smem:$0x3FAF] =	sst s3  }
0xc: {  	[smem:$0x3FB0] =	sst s4  }
0xd: {  	[smem:$0x3FB1] =	sst s5  }
0xe: {  	[smem:$0x3FB2] =	sst s6  }
0xf: {  	[smem:$0x3FB3] =	sst s7  }
0x10: {  	[smem:$0x3FB4] =	sst s8  }
0x11: {  	[smem:$0x3FB5] =	sst s9;
	s0 =	simm.s32 @!p0 $0x0  }
0x12: {  	s1 =	sld [smem:$0x3F9B];
	s0 =	simm.s32 @p0 $0x1  }
0x13: {  	[smem:$0x3FB6] =	sst s0;
	s0 =	simm.s32 @!p1 $0x0  }
0x14: {  	s2 =	sld [smem:$0x3F9A];
	s0 =	simm.s32 @p1 $0x1  }
0x15: {  	[smem:$0x3FB7] =	sst s0;
	s0 =	simm.s32 @!p2 $0x0  }
0x16: {  	s3 =	sld [smem:$0x3FDB];
	s0 =	simm.s32 @p2 $0x1  }
0x17: {  	s4 =	simm.s32 $0x1BF5;
	[smem:$0x3FB9] =	sst s0  }
0x18: {  	s0 =	sld [smem:$0x3F9C];
	_ =	swait.ge [sflag:s4], $0x0  }
0x19: {  	s7 =	sld [smem:$0x3F9D]  }
0x1a: {  	s8 =	sadd.s32 $0xFFFFE003, lr  }
0x1b: {  	s9 =	sadd.s32 $0xFFFFFEF7, lr;
	s5 =	simm.s32 $0xFFFFFFFF;
	p2 =	slt.u32 s8, $0xFFFFF086  }
0x1c: {  	p1 =	slt.u32 s9, $0xF7A;
	s5 =	simm.s32 @!p2 $0x0  }
0x1d: {  	s5 =	simm.s32 @p1 $0x1;
	p0 =	seq.s32 s7, s2  }
0x1e: {  	s7 =	smul.u32 @!p0 $0xF7A, s2;
	p2 =	seq.s32 @!p0 s5, $0x0  }
0x1f: {  	s9 =	smul.u32 $0xF7A, s1;
	s8 =	simm.s32 @!p0 $0x1BF5;
	p2 =	por !p2, p0  }
0x20: {  	[sflag:s8] =	ssyncset.s32 @!p0 $0xFFFFF086;
	s6 =	sadd.s32 @!p0 s3, s7;
	s7 =	simm.s32 @!p0 $0x108  }
0x21: {  	s3 =	sadd.s32 s3, s9;
	s6 =	sadd.s32 @!p0 $0x88, s6;
	s7 =	simm.s32 @p2 $0x1082  }
0x22: {  	[simem:s7], [sflag:s8] =	dma.local @!p0 [hbm:s6], $0xF7A  }
0x23: {  	s9 =	sor.u32 $0xD0000000, s2;
	s6 =	simm.s32 $0x108;
	_ =	swait.ge @!p0 [sflag:s8], $0x0  }
0x24: {  	s3 =	sadd.s32 $0x88, s3;
	s6 =	simm.s32 @!p1 $0x1082;
	[sflag:s4] =	ssyncset.s32 $0xFFFFF086  }
0x25: {  	[simem:s6], [sflag:s4] =	dma.local [hbm:s3], $0xF7A  }
0x26: {  	[smem:$0x3F9D] =	sst s1;
	(tag) =	ssettag s2;
	_ =	strace s9  }
0x27: {  	s1 =	sld [smem:$0x3FAD]  }
0x28: {  	s2 =	sld [smem:$0x3FAE]  }
0x29: {  	s4 =	sld [smem:$0x3FB0]  }
0x2a: {  	p0 =	seq.s32 s5, $0x0;
	s5 =	sld [smem:$0x3FB1]  }
0x2b: {  	s6 =	sld [smem:$0x3FB2]  }
0x2c: {  	s7 =	sld [smem:$0x3FB3]  }
0x2d: {  	s3 =	simm.s32 $0x108;
	s8 =	sld [smem:$0x3FB4]  }
0x2e: {  	s3 =	simm.s32 @!p0 $0x1082;
	s9 =	sld [smem:$0x3FB5]  }
0x2f: {  	lr =	sadd.s32 s0, s3;
	s0 =	sld [smem:$0x3FAC]  }
0x30: {  	s3 =	sld [smem:$0x3FAF]  }
0x31: {  	[smem:$0x3FB8] =	sst s10  }
0x32: {  	s10 =	sld [smem:$0x3FB6];
	_ =	sdelay $0x3  }
0x33: {  	p0 =	seq.s32 s10, $0x1;
	s10 =	sld [smem:$0x3FB8];
	_ =	sdelay $0x3  }
0x34: {  	[smem:$0x3FB8] =	sst s10  }
0x35: {  	s10 =	sld [smem:$0x3FB7];
	_ =	sdelay $0x3  }
0x36: {  	p1 =	seq.s32 s10, $0x1;
	s10 =	sld [smem:$0x3FB8];
	_ =	sdelay $0x3  }
0x37: {  	[smem:$0x3FB8] =	sst s10  }
0x38: {  	s10 =	sld [smem:$0x3FB9]  }
0x39: {  	_ = 	snop;
	(pc) =	sbr.ind lr, $3  }
0x3a: {  	_ = 	snop  }
0x3b: {  	_ = 	snop  }
0x3c: {  	p2 =	seq.s32 s10, $0x1;
	s10 =	sld [smem:$0x3FB8]  }
0x3d: {  	_ =	shalt  }
0x3e: {  	_ =	shalt  }
0x3f: {  	_ =	shalt  }
0x40: {  	_ =	shalt  }
0x41: {  	_ =	shalt  }
0x42: {  	_ =	shalt  }
0x43: {  	_ =	shalt  }
0x44: {  	_ =	shalt  }
0x45: {  	_ =	shalt  }
0x46: {  	_ =	shalt  }
0x47: {  	_ =	shalt  }
0x48: {  	_ =	shalt  }
0x49: {  	_ =	shalt  }
0x4a: {  	_ =	shalt  }
0x4b: {  	_ =	shalt  }
0x4c: {  	_ =	shalt  }
0x4d: {  	_ =	shalt  }
0x4e: {  	_ =	shalt  }
0x4f: {  	_ =	shalt  }
0x50: {  	_ =	shalt  }
0x51: {  	_ =	shalt  }
0x52: {  	_ =	shalt  }
0x53: {  	_ =	shalt  }
0x54: {  	_ =	shalt  }
0x55: {  	_ =	shalt  }
0x56: {  	_ =	shalt  }
0x57: {  	_ =	shalt  }
0x58: {  	_ =	shalt  }
0x59: {  	_ =	shalt  }
0x5a: {  	_ =	shalt  }
0x5b: {  	_ =	shalt  }
0x5c: {  	_ =	shalt  }
0x5d: {  	_ =	shalt  }
0x5e: {  	_ =	shalt  }
0x5f: {  	_ =	shalt  }
0x60: {  	_ =	shalt  }
0x61: {  	_ =	shalt  }
0x62: {  	_ =	shalt  }
0x63: {  	_ =	shalt  }
0x64: {  	_ =	shalt  }
0x65: {  	_ =	shalt  }
0x66: {  	_ =	shalt  }
0x67: {  	_ =	shalt  }
0x68: {  	_ =	shalt  }
0x69: {  	_ =	shalt  }
0x6a: {  	_ =	shalt  }
0x6b: {  	_ =	shalt  }
0x6c: {  	_ =	shalt  }
0x6d: {  	_ =	shalt  }
0x6e: {  	_ =	shalt  }
0x6f: {  	_ =	shalt  }
0x70: {  	_ =	shalt  }
0x71: {  	_ =	shalt  }
0x72: {  	_ =	shalt  }
0x73: {  	_ =	shalt  }
0x74: {  	_ =	shalt  }
0x75: {  	_ =	shalt  }
0x76: {  	_ =	shalt  }
0x77: {  	_ =	shalt  }
0x78: {  	_ =	shalt  }
0x79: {  	_ =	shalt  }
0x7a: {  	_ =	shalt  }
0x7b: {  	_ =	shalt  }
0x7c: {  	_ =	shalt  }
0x7d: {  	_ =	shalt  }
0x7e: {  	_ =	shalt  }
0x7f: {  	_ =	shalt  }
0x80: {  	_ =	shalt  }
0x81: {  	_ =	shalt  }
0x82: {  	_ =	shalt  }
0x83: {  	_ =	shalt  }
0x84: {  	_ =	shalt  }
0x85: {  	_ =	shalt  }
0x86: {  	_ =	shalt  }
0x87: {  	_ =	shalt  }
.Lfunc_end0:
.L_simem_size_0:
called_computation_lowered:
.L_overlay_start_0:
0x88: {  	s2 =	sld [smem:$0x3FD9]  }
0x89: {  	s3 =	sld [smem:$0x3FFE];
	_ =	sdelay $0x1  }
0x8a: {  	s1 =	srdreg.scid  }
0x8b: {  	s0 =	sand.u32 $0x1, s1  }
0x8c: {  	s17 =	sshll.u32 s0, $0xA;
	s2 =	sadd.s32 s3, s2  }
0x8d: {  	s2 =	sadd.s32 s2, s17  }
0x8e: {  	[smem:$0x3FC4] =	sst s2  }
0x8f: {  	_ = 	snop  }
0x90: {  	s2 =	sld [smem:$0x3FC8]  }
0x91: {  	s18 =	sld [smem:$0x3FD0];
	(tm) =	ssettm $0x1  }
0x92: {  	s4 =	sld [smem:$0x3FFB];
	_ =	sdelay $0x3  }
0x93: {  	_ =	strace s4  }
0x94: {  	s4 =	sld [smem:$0x3FFC];
	_ =	sdelay $0x3  }
0x95: {  	_ =	strace s4  }
0x96: {  	s4 =	sld [smem:$0x3FFD];
	_ =	sdelay $0x3  }
0x97: {  	_ =	strace s4  }
0x98: {  	_ =	strace $0x8FFFFFFF  }
0x99: {  	s19 =	sld [smem:$0x3FDB];
	_ =	sdelay $0x1  }
0x9a: {  	s5 =	simm.s32 $_scs_section_size  }
0x9b: {  	s6 =	simm.s32 $_size__tile_overlayer_lowered;
	s7 =	simm.s32 $_tile_overlayer_lowered  }
0x9c: {  	s22 =	simm.s32 $0x1BFF;
	s21 =	sshll.u32 s7, $0x1;
	s4 =	sadd.s32 s5, s19  }
0x9d: {  	s8 =	simm.s32 $0x0;
	s20 =	sshll.u32 s6, $0x1;
	s6 =	sadd.s32 s21, s4  }
0x9e: {  	[timem:s8], [sflag:s22] =	dma.local [hbm:s6], s20  }
0x9f: {  	_ =	swait.ge [sflag:s22], s20  }
0xa0: {  	s5 =	ssub.s32 $0x0, s20;
	[sflag:s22] =	ssyncset.done $0x0  }
0xa1: {  	[sflag:s22] =	ssyncadd.s32 s5;
	_ =	sdelay $0x1  }
0xa2: {  	s23 =	simm.s32 $0x1B8B  }
0xa3: {  	_ =	swait.ge [sflag:s23], $0x1  }
0xa4: {  	[sflag:s23] =	ssyncset.done $0x0  }
0xa5: {  	s25 =	simm.s32 $0x1B8E;
	s24 =	sld [smem:$0x3FFE];
	[sflag:s23] =	ssyncadd.s32 $0xFFFFFFFF  }
0xa6: {  	s26 =	simm.s32 $execute0_lowered;
	[smem:$0x3FD2] =	sst s25  }
0xa7: {  	s6 =	sshll.u32 s26, $0x1;
	_ =	strace $0x80000046;
	[dreg:$0x1] =	wrdreg $0xFFFFFFFF  }
0xa8: {  	s28 =	simm.s32 $_size_execute0_lowered;
	s4 =	sadd.s32 s4, s6;
	[dreg:$0x0] =	wrdreg $0x0  }
0xa9: {  	s6 =	sshll.u32 s28, $0x1;
	[dreg:$0x2] =	wrdreg s4  }
0xaa: {  	[dreg:$0x3] =	wrdreg s6  }
0xab: {  	[dreg:$0x4] =	wrdreg $0xC0  }
0xac: {  	_ =	task [dreg:s8], $0x5FFFF  }
0xad: {  	[dreg:$0x1] =	wrdreg $0xFFFFFFFF  }
0xae: {  	[dreg:$0x0] =	wrdreg $0x60  }
0xaf: {  	[dreg:$0x2] =	wrdreg s24  }
0xb0: {  	[dreg:$0x3] =	wrdreg s2  }
0xb1: {  	[dreg:$0x4] =	wrdreg s18  }
0xb2: {  	[dreg:$0x5] =	wrdreg $0x9  }
0xb3: {  	_ =	task.clear_ibuf [dreg:s8], $0x6FFFF;
	_ =	strace $0x90000046  }
0xb4: {  	s29 =	simm.s32 $0x9;
	_ =	strace $0x80000048  }
0xb5: {  	_ =	swait.ge [sflag:s29], $0x1  }
0xb6: {  	[sflag:s29] =	ssyncadd.s32 $0xFFFFFFFF  }
0xb7: {  	_ =	strace $0x90000048  }
0xb8: {  	_ =	sfence  }
0xb9: {  	s30 =	sld [smem:$0x0];
	_ =	sdelay $0x2  }
0xba: {  	s31 =	sshll.u32 s1, $0xD;
	s1 =	sshrl.u32 s1, $0x2  }
0xbb: {  	s3 =	sand.u32 $0x4000, s31;
	s1 =	sadd.s32 s1, s30  }
0xbc: {  	s0 =	sor.u32 s3, s0;
	s1 =	sshll.u32 s1, $0x11  }
0xbd: {  	s0 =	sor.u32 s1, s0  }
0xbe: {  	s0 =	sadd.s32 $0x8F2B, s0  }
0xbf: {  	[sflag:s0] =	ssyncadd.remote.s32 $0x1  }
0xc0: {  	_ =	sfence.sel $0xFFFF  }
0xc1: {  	[dreg:$0x0] =	wrdreg $0xFFFFFFFF;
	(pc) =	sbr.abs _section_cstart, $3  }
0xc2: {  	[dreg:$0x1] =	wrdreg $0xFFFFFFFF  }
0xc3: {  	_ =	task.clear_ibuf [dreg:s8], $0x2FFFF;
	_ =	strace $0x9FFFFFFF  }
0xc4: {  	(tm) =	ssettm $0x7FFFFFFF  }
0xc5: {  	_ =	shalt  }
tec
execute0_lowered:
.L_overlay_start_1:
0x0: {  	(tag) =	ssettag $0x1  }
0x1: {  	s0 =	rddreg [dreg:$0x0]  }
0x2: {  	s1 =	rddreg [dreg:$0x1];
	s4 =	simm.s32 $0x0;
	s2 =	srdreg.scid  }
0x3: {  	s3 =	stileid.u32;
	s30 =	simm.s32 $0x100;
	s31 =	simm.s32 $0x200  }
0x4: {  	s10 =	simm.s32 $0x3;
	s19 =	simm.s32 $0x4;
	[smem:$0x7FF] =	sst s4  }
0x5: {  	s2 =	sand.u32 $0x1, s2;
	s3 =	sshll.u32 s3, $0x1;
	s6 =	sadd.s32 $0xE00, s0  }
0x6: {  	s7 =	sadd.s32 $0x28000, s0;
	s9 =	sadd.s32 $0x4F200, s0;
	s28 =	sadd.s32 $0x13860, s1  }
0x7: {  	_ =	strace $0x80000047;
	s5 =	sor.u32 s2, s3;
	s2 =	ssub.s32 $0x2, s2  }
0x8: {  	[dreg:$0x9] =	wrdreg s28;
	s3 =	sshll.u32 s5, $0x5;
	s8 =	sshrl.u32 s2, $0x1  }
0x9: {  	s12 =	sor.u32 $0x40, s5;
	s23 =	smin.u32 s5, $0x3;
	s13 =	sor.u32 $0x60, s5  }
0xa: {  	s14 =	sor.u32 $0x80, s5;
	s15 =	sor.u32 $0x20, s5;
	s25 =	sshll.u32 s5, $0x4  }
0xb: {  	s16 =	sor.u32 $0xA0, s5;
	s3 =	sadd.s32 s1, s3;
	s20 =	ssub.s32 s2, s8  }
0xc: {  	s2 =	sor.u32 $0x9C0, s23;
	s26 =	sadd.s32 s25, s9;
	s23 =	simm.s32 $0x18380  }
0xd: {  	s25 =	simm.s32 $0x18400;
	s21 =	sadd.s32 $0x400, s3;
	[dreg:$0x4] =	wrdreg s3  }
0xe: {  	s22 =	sadd.s32 $0x800, s3;
	s24 =	sshll.u32 s2, $0x5;
	[dreg:$0x5] =	wrdreg s21  }
0xf: {  	s8 =	sadd.s32 $0x9600, s26;
	s2 =	sshll.u32 s2, $0x4;
	[dreg:$0x6] =	wrdreg s22  }
0x10: {  	s29 =	sadd.s32 $0x9800, s26;
	s0 =	smax.u32 s20, $0x1;
	[dreg:$0x8] =	wrdreg s8  }
0x11: {  	s20 =	simm.s32 $0x18300;
	s3 =	sadd.s32 s1, s24;
	[dreg:$0xa] =	wrdreg s29  }
0x12: {  	s2 =	sadd.s32 s9, s2;
	[dreg:$0xd] =	wrdreg s0;
	s0 =	simm.s32 $0x2  }
0x13: {  	s21 =	simm.s32 $0x1;
	s22 =	simm.s32 $0x5;
	[dreg:$0x7] =	wrdreg s3  }
0x14: {  	s8 =	simm.s32 $0x6;
	s3 =	sadd.s32 $0x9A00, s26;
	[dreg:$0xc] =	wrdreg s2  }
0x15: {  	vm0 =	vcmask $0x3F3C;
	s26 =	simm.s32 $0x80;
	[dreg:$0xb] =	wrdreg s3;
	s3 =	simm.s32 $0x0  }
.LBB2_1:
0x16: {  	[dreg:$0xe] =	wrdreg s3  }
0x17: {  	s2 =	rddreg [dreg:$0x2];
	s24 =	simm.s32 $0x18480;
	s28 =	simm.s32 $0xA  }
0x18: {  	[tilespmem:s24], [sflag:$0xA] =	stream.linear.gather [hbm4b:s2+s4], $0x80, $0x38;
	[tilespmem:$0x18500] =	vst v63  }
0x19: {  	_ =	swait.ge [sflag:s28], $0x80  }
0x1a: {  	[sflag:s28] =	ssyncset.done $0x0  }
0x1b: {  	s29 =	rddreg [dreg:$0x4];
	[sflag:s28] =	ssyncadd.s32 $0xFFFFFF80  }
0x1c: {  	[tilespmem:s4], [sflag:$0xA] =	stream.linear.gather [hbm4b:s29+s4], $0x100, $0x38;
	[tilespmem:$0x18500] =	vst v63  }
0x1d: {  	_ =	swait.ge [sflag:s28], $0x100  }
0x1e: {  	[sflag:s28] =	ssyncset.done $0x0  }
0x1f: {  	s3 =	simm.s32 $0x300;
	[sflag:s28] =	ssyncadd.s32 $0xFFFFFF00  }
0x20: {  	[tilespmem:s3], [sflag:$0x4] =	stream.indirect.gather [hbm4b:s6+s26], $0x80, s4, s26, $0xb8;
	[tilespmem:$0x18500] =	vst v63  }
0x21: {  	s11 =	simm.s32 $0xC300  }
0x22: {  	[tilespmem:s11], [sflag:$0x4] =	stream.indirect.gather [hbm4b:s7+s26], $0x80, s26, s26, $0xb8;
	[tilespmem:$0x18500] =	vst v63  }
0x23: {  	s17 =	rddreg [dreg:$0x5]  }
0x24: {  	[tilespmem:s30], [sflag:$0x2] =	stream.linear.gather [hbm4b:s17+s4], $0x100, $0x38;
	[tilespmem:$0x18500] =	vst v63  }
0x25: {  	s18 =	rddreg [dreg:$0x6]  }
0x26: {  	[tilespmem:s31], [sflag:$0x3] =	stream.linear.gather [hbm4b:s18+s4], $0x100, $0x38;
	[tilespmem:$0x18500] =	vst v63  }
0x27: {  	_ =	swait.ge [sflag:s0], $0x100  }
0x28: {  	[sflag:s0] =	ssyncset.done $0x0  }
0x29: {  	s24 =	simm.s32 $0x4300;
	[sflag:s0] =	ssyncadd.s32 $0xFFFFFF00  }
0x2a: {  	[tilespmem:s24], [sflag:$0x5] =	stream.indirect.gather [hbm4b:s6+s26], $0x80, s30, s26, $0xb8;
	[tilespmem:$0x18500] =	vst v63  }
0x2b: {  	s2 =	simm.s32 $0x0;
	s29 =	simm.s32 $0x10300;
	s28 =	simm.s32 $0x180  }
0x2c: {  	[tilespmem:s29], [sflag:$0x5] =	stream.indirect.gather [hbm4b:s7+s26], $0x80, s28, s26, $0xb8;
	[tilespmem:$0x18500] =	vst v63  }
.LBB2_2:
0x2d: {  	_ =	swait.ge [sflag:s10], $0x100  }
0x2e: {  	[sflag:s10] =	ssyncset.done $0x0  }
0x2f: {  	s3 =	simm.s32 $0x8300;
	[sflag:s10] =	ssyncadd.s32 $0xFFFFFF00  }
0x30: {  	[tilespmem:s3], [sflag:$0x6] =	stream.indirect.gather [hbm4b:s6+s26], $0x80, s31, s26, $0xb8;
	[tilespmem:$0x18500] =	vst v63  }
0x31: {  	s29 =	simm.s32 $0x280;
	s11 =	simm.s32 $0x14300  }
0x32: {  	[tilespmem:s11], [sflag:$0x6] =	stream.indirect.gather [hbm4b:s7+s26], $0x80, s29, s26, $0xb8;
	[tilespmem:$0x18500] =	vst v63  }
0x33: {  	_ =	swait.ge [sflag:s19], $0x4000  }
0x34: {  	s24 =	smul.u32 $0x60, s2;
	[sflag:s19] =	ssyncset.done $0x0  }
0x35: {  	[sflag:s19] =	ssyncadd.s32 $0xFFFFC000  }
0x36: {  	s11 =	sadd.s32 s13, s24;
	_ =	swait.ge [sflag:s19], $0x4000  }
0x37: {  	s3 =	sshll.u32 s11, $0x5;
	[sflag:s19] =	ssyncset.done $0x0  }
0x38: {  	p0 =	seq.s32 s2, $0x0;
	s3 =	sadd.s32 s1, s3;
	[sflag:s19] =	ssyncadd.s32 $0xFFFFC000  }
0x39: {  	[tilespmem:s4], [sflag:$0x1] =	stream.linear.gather [hbm4b:s3+s4], $0x100, $0x38;
	[tilespmem:$0x18500] =	vst v63  }
0x3a: {  	s3 =	simm.s32 @!p0 $0x7  }
0x3b: {  	_ =	swait.ge @!p0 [sflag:s3], $0x80  }
0x3c: {  	[sflag:s3] =	ssyncset.done @!p0 $0x0  }
0x3d: {  	s17 =	simm.s32 $0x380;
	[sflag:s3] =	ssyncadd.s32 @!p0 $0xFFFFFF80  }
0x3e: {  	s18 =	simm.s32 $0xC380;
	v0 =	vld [tilespmem:s17+$0x10]  }
0x3f: {  	v1 =	vld [tilespmem:s18+$0x10]  }
0x40: {  	v2 =	vld [tilespmem:s17+$0x20]  }
0x41: {  	v3 =	vld [tilespmem:s18+$0x20]  }
0x42: {  	v4 =	vld [tilespmem:s17+$0x30]  }
0x43: {  	v5 =	vld [tilespmem:s18+$0x30]  }
0x44: {  	v6 =	vld [tilespmem:s17+$0x40]  }
0x45: {  	v7 =	vld [tilespmem:s18+$0x40]  }
0x46: {  	v8 =	vld [tilespmem:s17+$0x50]  }
0x47: {  	v9 =	vld [tilespmem:s18+$0x50]  }
0x48: {  	v10 =	vld [tilespmem:s17+$0x60]  }
0x49: {  	v11 =	vld [tilespmem:s18+$0x60]  }
0x4a: {  	v12 =	vld [tilespmem:s17+$0x70]  }
0x4b: {  	v13 =	vld [tilespmem:s18+$0x70]  }
0x4c: {  	v14 =	vld [tilespmem:s17+$0x0]  }
0x4d: {  	v15 =	vld [tilespmem:s18+$0x0]  }
0x4e: {  	v16 =	vld [tilespmem:s17+$0xFFFFFF80]  }
0x4f: {  	v17 =	vld [tilespmem:s18+$0xFFFFFF80];
	v0 =	vmul.bf16 v1, v0;
	v1 =	vmul.bf16 v3, v2  }
0x50: {  	v18 =	vld [tilespmem:$0x18480];
	v3 =	vmul.bf16 v5, v4;
	v4 =	vmul.bf16 v7, v6  }
0x51: {  	v21 =	vld [tilespmem:s18+$0xFFFFFFB0];
	v6 =	vmul.bf16 v9, v8;
	v7 =	vmul.bf16 v11, v10  }
0x52: {  	v54 =	vld [tilespmem:s18+$0xFFFFFFD0];
	v9 =	vmul.bf16 v13, v12;
	v10 =	vmul.bf16 v15, v14;
	v12 =	vunpack.i.u.bf16.f32 v0  }
0x53: {  	s11 =	simm.s32 $0x480;
	v55 =	vld [tilespmem:s17+$0xFFFFFFE0];
	v0 =	vunpack.i.l.bf16.f32 v0;
	v13 =	vunpack.i.u.bf16.f32 v1;
	v1 =	vunpack.i.l.bf16.f32 v1  }
0x54: {  	v57 =	vld [tilespmem:s11+$0x30];
	v15 =	vunpack.i.u.bf16.f32 v3;
	v3 =	vunpack.i.l.bf16.f32 v3;
	v19 =	vunpack.i.u.bf16.f32 v4  }
0x55: {  	v2 =	vld [tilespmem:s17+$0xFFFFFF90];
	v4 =	vunpack.i.l.bf16.f32 v4;
	v20 =	vunpack.i.u.bf16.f32 v6;
	v6 =	vunpack.i.l.bf16.f32 v6  }
0x56: {  	v5 =	vld [tilespmem:s18+$0xFFFFFF90];
	v22 =	vunpack.i.u.bf16.f32 v7;
	v23 =	vunpack.i.u.bf16.f32 v10;
	v10 =	vunpack.i.l.bf16.f32 v10  }
0x57: {  	v8 =	vld [tilespmem:s17+$0xFFFFFFA0];
	v7 =	vunpack.i.l.bf16.f32 v7;
	v0 =	vadd.f32 v0, v12;
	v1 =	vadd.f32 v1, v13  }
0x58: {  	v11 =	vld [tilespmem:s18+$0xFFFFFFA0];
	v53 =	vunpack.i.u.bf16.f32 v9;
	v3 =	vadd.f32 v3, v15;
	v10 =	vadd.f32 v10, v23  }
0x59: {  	v14 =	vld [tilespmem:s17+$0xFFFFFFB0];
	v9 =	vunpack.i.l.bf16.f32 v9;
	v4 =	vadd.f32 v4, v19;
	v6 =	vadd.f32 v6, v20  }
0x5a: {  	v12 =	vld [tilespmem:s17+$0xFFFFFFC0];
	v7 =	vadd.f32 v7, v22;
	v9 =	vadd.f32 v9, v53  }
0x5b: {  	v16 =	vmul.bf16 v17, v16;
	v15 =	vld [tilespmem:s17+$0xFFFFFFD0];
	v10 =	vadd.f32 v10, v18;
	v0 =	vadd.f32 v6, v0  }
0x5c: {  	v13 =	vld [tilespmem:s18+$0xFFFFFFC0];
	v2 =	vmul.bf16 v5, v2;
	v1 =	vadd.f32 v7, v1;
	v3 =	vadd.f32 v9, v3  }
0x5d: {  	v6 =	vld [tilespmem:s18+$0xFFFFFFE0];
	v7 =	vunpack.i.u.bf16.f32 v16;
	v9 =	vunpack.i.l.bf16.f32 v16;
	v8 =	vmul.bf16 v11, v8  }
0x5e: {  	v60 =	vld [tilespmem:s11+$0x40];
	v11 =	vmul.bf16 v21, v14;
	v4 =	vadd.f32 v4, v10;
	v1 =	vadd.f32 v3, v1  }
0x5f: {  	v5 =	vld [tilespmem:s17+$0xFFFFFFF0];
	v3 =	vadd.f32 v9, v7;
	v7 =	vunpack.i.u.bf16.f32 v2;
	v2 =	vunpack.i.l.bf16.f32 v2  }
0x60: {  	v10 =	vld [tilespmem:s18+$0xFFFFFFF0];
	v9 =	vmul.bf16 v54, v15;
	v15 =	vunpack.i.u.bf16.f32 v8;
	v2 =	vadd.f32 v2, v7  }
0x61: {  	v14 =	vld [tilespmem:s11+$0x10];
	s17 =	simm.s32 $0xC480;
	v0 =	vadd.f32 v0, v4;
	v4 =	vmul.bf16 v13, v12;
	v3 =	vadd.f32 v3, v18  }
0x62: {  	v56 =	vld [tilespmem:s17+$0x20];
	v6 =	vmul.bf16 v6, v55;
	v20 =	vunpack.i.u.bf16.f32 v9;
	v9 =	vunpack.i.l.bf16.f32 v9  }
0x63: {  	v59 =	vld [tilespmem:s17+$0x30];
	v0 =	vadd.f32 v1, v0;
	v1 =	vunpack.i.l.bf16.f32 v8;
	v8 =	vunpack.i.u.bf16.f32 v11  }
0x64: {  	v61 =	vld [tilespmem:s17+$0x40];
	v11 =	vunpack.i.l.bf16.f32 v11;
	v58 =	vunpack.i.u.bf16.f32 v4;
	v4 =	vunpack.i.l.bf16.f32 v4  }
0x65: {  	v12 =	vld [tilespmem:s17+$0x10];
	v9 =	vadd.f32 v9, v20;
	v5 =	vmul.bf16 v10, v5;
	v1 =	vadd.f32 v1, v15  }
0x66: {  	v13 =	vld [tilespmem:s11+$0x20];
	v8 =	vadd.f32 v11, v8;
	v10 =	vadd.f32 v4, v58;
	(xrf2) =	vadd.scan.msk.f32 $0xffff, v0;
	v0 =	vunpack.i.u.bf16.f32 v6  }
0x67: {  	v11 =	vld [tilespmem:s11+$0x50];
	v6 =	vunpack.i.l.bf16.f32 v6;
	v7 =	vunpack.i.u.bf16.f32 v5;
	v5 =	vunpack.i.l.bf16.f32 v5  }
0x68: {  	v15 =	vld [tilespmem:s17+$0x50];
	v0 =	vadd.f32 v6, v0;
	v6 =	vadd.f32 v5, v7  }
0x69: {  	v4 =	vld [tilespmem:s11+$0x60];
	v2 =	vadd.f32 v9, v2;
	v3 =	vadd.f32 v10, v3  }
0x6a: {  	s29 =	simm.s32 $0x1;
	v9 =	vld [tilespmem:s17+$0x0];
	v0 =	vadd.f32 v0, v1;
	v1 =	vadd.f32 v6, v8  }
0x6b: {  	v62 =	vmov s29;
	s18 =	simm.s32 $0x0;
	v5 =	vld [tilespmem:s17+$0x60]  }
0x6c: {  	v7 =	vld [tilespmem:s17+$0x70];
	v2 =	vadd.f32 v2, v3;
	v0 =	vadd.f32 v1, v0;
	v1 =	vmov s18  }
0x6d: {  	v6 =	vld [tilespmem:s11+$0x70];
	v3 =	vand.u32 $0xFFFFFFFE, v1  }
0x6e: {  	v8 =	vld [tilespmem:s11+$0x0];
	v63 =	vadd.f32 v0, v2  }
0x6f: {  	v12 =	vmul.bf16 v12, v14;
	v13 =	vmul.bf16 v56, v13;
	v1 =	vld [tilespmem:s11+$0xFFFFFF80]  }
0x70: {  	v10 =	vmul.bf16 v59, v57;
	v0 =	vbroadcast v3, $0x0;
	v2 =	vld [tilespmem:s17+$0xFFFFFF80];
	v3, _, _ =	vpop (xrf2);
	(xrf2) =	vadd.scan.msk.f32 $0xffff, v63  }
0x71: {  	s28 =	simm.s32 $0x4;
	s3 =	sadd.s32 s12, s24;
	v14 =	vmul.bf16 v61, v60;
	v11 =	vmul.bf16 v15, v11;
	s18 =	simm.s32 $0x2;
	[tilespmem:v62+s20+$0x0] =	vst.idx.msk vm0, v3;
	v3 =	vld [tilespmem:s11+$0xFFFFFF90]  }
.LBB2_3:
0x72: {  	p1 =	slt.u32 s28, $0x7E;
	v15 =	vld [tilespmem:s17+$0xFFFFFF90];
	v4 =	vmul.bf16 v5, v4;
	v5 =	vmul.bf16 v7, v6  }
0x73: {  	v6 =	vld [tilespmem:s11+$0xFFFFFFA0];
	v7 =	vmul.bf16 v9, v8;
	v8 =	vunpack.i.u.bf16.f32 v12;
	v9 =	vunpack.i.l.bf16.f32 v12  }
0x74: {  	v16 =	vunpack.i.u.bf16.f32 v13;
	v13 =	vunpack.i.l.bf16.f32 v13;
	v17 =	vunpack.i.u.bf16.f32 v10;
	v12 =	vld [tilespmem:s17+$0xFFFFFFA0]  }
0x75: {  	v10 =	vunpack.i.l.bf16.f32 v10;
	v19 =	vunpack.i.u.bf16.f32 v14;
	v14 =	vunpack.i.l.bf16.f32 v14;
	v18 =	vld [tilespmem:s11+$0xFFFFFFB0]  }
0x76: {  	v21 =	vunpack.i.u.bf16.f32 v11;
	v11 =	vunpack.i.l.bf16.f32 v11;
	v22 =	vunpack.i.u.bf16.f32 v4;
	v20 =	vld [tilespmem:$0x18480]  }
0x77: {  	v8 =	vadd.f32 v9, v8;
	v4 =	vunpack.i.l.bf16.f32 v4;
	v24 =	vunpack.i.u.bf16.f32 v7;
	v23 =	vld [tilespmem:s17+$0xFFFFFFB0]  }
0x78: {  	v13 =	vadd.f32 v13, v16;
	v10 =	vadd.f32 v10, v17;
	v7 =	vunpack.i.l.bf16.f32 v7;
	v9 =	vld [tilespmem:s11+$0xFFFFFFC0]  }
0x79: {  	v14 =	vadd.f32 v14, v19;
	v17 =	vunpack.i.u.bf16.f32 v5;
	v7 =	vadd.f32 v7, v24;
	v16 =	vld [tilespmem:s17+$0xFFFFFFC0]  }
0x7a: {  	v11 =	vadd.f32 v11, v21;
	v5 =	vunpack.i.l.bf16.f32 v5;
	v4 =	vadd.f32 v4, v22;
	v19 =	vld [tilespmem:s11+$0xFFFFFFD0];
	v21, _, _ =	vpop (xrf2)  }
0x7b: {  	v1 =	vmul.bf16 v2, v1;
	v5 =	vadd.f32 v5, v17;
	v2 =	vld [tilespmem:s17+$0xFFFFFFD0];
	v7 =	vadd.f32 v7, v20  }
0x7c: {  	v8 =	vadd.f32 v11, v8;
	v3 =	vmul.bf16 v15, v3;
	v4 =	vadd.f32 v4, v13;
	v15 =	vld [tilespmem:s11+$0xFFFFFFE0]  }
0x7d: {  	v11 =	vunpack.i.u.bf16.f32 v1;
	v5 =	vadd.f32 v5, v10;
	v13 =	vld [tilespmem:s17+$0xFFFFFFE0];
	v7 =	vadd.f32 v14, v7;
	[tilespmem:v0+s20+$0x0] =	vst.idx.msk vm0, v21  }
0x7e: {  	v0 =	vunpack.i.l.bf16.f32 v1;
	v1 =	vmul.bf16 v12, v6;
	v6 =	vmul.bf16 v23, v18;
	v10 =	vld [tilespmem:s11+$0xFFFFFFF0]  }
0x7f: {  	v4 =	vadd.f32 v5, v4;
	v9 =	vmul.bf16 v16, v9;
	s11 =	sadd.s32 $0x100, s11;
	v12 =	vld [tilespmem:s17+$0xFFFFFFF0];
	v7 =	vadd.f32 v8, v7  }
0x80: {  	v5 =	vunpack.i.u.bf16.f32 v3;
	v0 =	vadd.f32 v0, v11;
	s17 =	sadd.s32 $0x100, s17;
	v14 =	vld [tilespmem:s11+$0x10];
	v2 =	vmul.bf16 v2, v19  }
0x81: {  	v3 =	vunpack.i.l.bf16.f32 v3;
	v8 =	vunpack.i.u.bf16.f32 v1;
	v11 =	vld [tilespmem:s17+$0x10];
	v4 =	vadd.f32 v4, v7  }
0x82: {  	v1 =	vunpack.i.l.bf16.f32 v1;
	v7 =	vunpack.i.u.bf16.f32 v6;
	v16 =	vld [tilespmem:s11+$0x20];
	v13 =	vmul.bf16 v13, v15  }
0x83: {  	v17 =	vunpack.i.u.bf16.f32 v9;
	v9 =	vunpack.i.l.bf16.f32 v9;
	v6 =	vunpack.i.l.bf16.f32 v6;
	v15 =	vld [tilespmem:s17+$0x20];
	(xrf2) =	vadd.scan.msk.f32 $0xffff, v4  }
0x84: {  	v4 =	vunpack.i.u.bf16.f32 v2;
	v2 =	vunpack.i.l.bf16.f32 v2;
	v18 =	vld [tilespmem:s11+$0x30];
	v10 =	vmul.bf16 v12, v10  }
0x85: {  	v0 =	vadd.f32 v0, v20;
	v12 =	vunpack.i.u.bf16.f32 v13;
	v13 =	vunpack.i.l.bf16.f32 v13;
	v19 =	vld [tilespmem:s17+$0x30]  }
0x86: {  	v3 =	vadd.f32 v3, v5;
	v20 =	vld [tilespmem:s11+$0x40];
	v5 =	vunpack.i.u.bf16.f32 v10;
	v10 =	vunpack.i.l.bf16.f32 v10  }
0x87: {  	v1 =	vadd.f32 v1, v8;
	v6 =	vadd.f32 v6, v7;
	v21 =	vld [tilespmem:s17+$0x40]  }
0x88: {  	s29 =	sadd.s32 $0x1, s18;
	v7 =	vadd.f32 v9, v17;
	v2 =	vadd.f32 v2, v4;
	v22 =	vld [tilespmem:s11+$0x50]  }
0x89: {  	v8 =	vadd.f32 v13, v12;
	v9 =	vadd.f32 v10, v5;
	v10 =	vmov s29;
	v17 =	vld [tilespmem:s17+$0x50]  }
0x8a: {  	v0 =	vadd.f32 v7, v0;
	v12 =	vadd.f32 v2, v3;
	v4 =	vld [tilespmem:s11+$0x60]  }
0x8b: {  	v1 =	vadd.f32 v8, v1;
	v3 =	vadd.f32 v9, v6;
	v5 =	vld [tilespmem:s17+$0x60]  }
0x8c: {  	v0 =	vadd.f32 v12, v0;
	v6 =	vld [tilespmem:s11+$0x70]  }
0x8d: {  	v1 =	vadd.f32 v3, v1;
	v7 =	vld [tilespmem:s17+$0x70];
	v2, _, _ =	vpop (xrf2)  }
.Ltmp0:
0x8e: {  	v3 =	vmov s18;
	s18 =	smov.u32 s28;
	v8 =	vld [tilespmem:s11+$0x0];
	[tilespmem:v10+s20+$0x0] =	vst.idx.msk vm0, v2;
	(pc) =	sbr.rel @p1 .LBB2_3-.Ltmp0, $4  }
0x8f: {  	v23 =	vadd.f32 v1, v0;
	v0 =	vand.u32 $0xFFFFFFFE, v3;
	v9 =	vld [tilespmem:s17+$0x0]  }
0x90: {  	v12 =	vmul.bf16 v11, v14;
	v0 =	vbroadcast v0, $0x0;
	v1 =	vld [tilespmem:s11+$0xFFFFFF80]  }
0x91: {  	v13 =	vmul.bf16 v15, v16;
	v10 =	vmul.bf16 v19, v18;
	v2 =	vld [tilespmem:s17+$0xFFFFFF80];
	(xrf2) =	vadd.scan.msk.f32 $0xffff, v23  }
0x92: {  	s28 =	sadd.s32 $0x2, s28;
	v14 =	vmul.bf16 v21, v20;
	v11 =	vmul.bf16 v17, v22;
	v3 =	vld [tilespmem:s11+$0xFFFFFF90]  }
0x93: {  	v15 =	vld [tilespmem:s17+$0xFFFFFF90];
	v4 =	vmul.bf16 v5, v4;
	v5 =	vmul.bf16 v7, v6;
	v16 =	vunpack.i.u.bf16.f32 v13  }
0x94: {  	v6 =	vld [tilespmem:s11+$0xFFFFFFA0];
	v13 =	vunpack.i.l.bf16.f32 v13;
	v17 =	vunpack.i.u.bf16.f32 v10;
	v10 =	vunpack.i.l.bf16.f32 v10  }
0x95: {  	v18 =	vld [tilespmem:s11+$0xFFFFFFB0];
	v7 =	vmul.bf16 v9, v8;
	v8 =	vunpack.i.u.bf16.f32 v12;
	v9 =	vunpack.i.l.bf16.f32 v12  }
0x96: {  	v20 =	vld [tilespmem:$0x18480];
	v19 =	vunpack.i.u.bf16.f32 v14;
	v14 =	vunpack.i.l.bf16.f32 v14;
	v21 =	vunpack.i.u.bf16.f32 v11  }
0x97: {  	v23 =	vld [tilespmem:s17+$0xFFFFFFB0];
	v11 =	vunpack.i.l.bf16.f32 v11;
	v13 =	vadd.f32 v13, v16;
	v10 =	vadd.f32 v10, v17  }
0x98: {  	v38 =	vld [tilespmem:s17+$0xFFFFFFC0];
	v22 =	vunpack.i.u.bf16.f32 v4;
	v8 =	vadd.f32 v9, v8;
	v4 =	vunpack.i.l.bf16.f32 v4  }
0x99: {  	v12 =	vld [tilespmem:s17+$0xFFFFFFA0];
	v14 =	vadd.f32 v14, v19;
	v39 =	vunpack.i.u.bf16.f32 v5;
	v11 =	vadd.f32 v11, v21  }
0x9a: {  	v9 =	vld [tilespmem:s11+$0xFFFFFFC0];
	v5 =	vunpack.i.l.bf16.f32 v5;
	v24 =	vunpack.i.u.bf16.f32 v7;
	v7 =	vunpack.i.l.bf16.f32 v7  }
0x9b: {  	v40 =	vld [tilespmem:s11+$0xFFFFFFD0];
	v4 =	vadd.f32 v4, v22;
	v1 =	vmul.bf16 v2, v1;
	v5 =	vadd.f32 v5, v39  }
0x9c: {  	v2 =	vld [tilespmem:s17+$0xFFFFFFD0];
	v7 =	vadd.f32 v7, v24;
	v8 =	vadd.f32 v11, v8;
	v3 =	vmul.bf16 v15, v3  }
0x9d: {  	v15 =	vld [tilespmem:s11+$0xFFFFFFE0];
	v4 =	vadd.f32 v4, v13;
	v11 =	vunpack.i.u.bf16.f32 v1;
	v5 =	vadd.f32 v5, v10  }
0x9e: {  	v13 =	vld [tilespmem:s17+$0xFFFFFFE0];
	v1 =	vunpack.i.l.bf16.f32 v1;
	v7 =	vadd.f32 v7, v20;
	v6 =	vmul.bf16 v12, v6  }
0x9f: {  	v10 =	vld [tilespmem:s11+$0xFFFFFFF0];
	v12 =	vmul.bf16 v23, v18;
	v1 =	vadd.f32 v1, v11;
	v9 =	vmul.bf16 v38, v9  }
0xa0: {  	v11 =	vunpack.i.u.bf16.f32 v3;
	v3 =	vunpack.i.l.bf16.f32 v3;
	v7 =	vadd.f32 v14, v7;
	v14 =	vld [tilespmem:s17+$0xFFFFFFF0]  }
0xa1: {  	v41 =	vunpack.i.u.bf16.f32 v6;
	v6 =	vunpack.i.l.bf16.f32 v6;
	v42 =	vunpack.i.u.bf16.f32 v12  }
0xa2: {  	v12 =	vunpack.i.l.bf16.f32 v12;
	v1 =	vadd.f32 v1, v20;
	v3 =	vadd.f32 v3, v11  }
0xa3: {  	v2 =	vmul.bf16 v2, v40;
	v6 =	vadd.f32 v6, v41;
	v12 =	vadd.f32 v12, v42  }
0xa4: {  	v13 =	vmul.bf16 v13, v15;
	v15 =	vunpack.i.u.bf16.f32 v9;
	v9 =	vunpack.i.l.bf16.f32 v9  }
0xa5: {  	v43 =	vunpack.i.u.bf16.f32 v2;
	v2 =	vunpack.i.l.bf16.f32 v2;
	v10 =	vmul.bf16 v14, v10  }
0xa6: {  	v9 =	vadd.f32 v9, v15;
	v2 =	vadd.f32 v2, v43;
	v14 =	vunpack.i.u.bf16.f32 v13  }
0xa7: {  	v13 =	vunpack.i.l.bf16.f32 v13;
	v11 =	vunpack.i.u.bf16.f32 v10;
	v10 =	vunpack.i.l.bf16.f32 v10  }
0xa8: {  	v13 =	vadd.f32 v13, v14;
	v10 =	vadd.f32 v10, v11  }
0xa9: {  	v1 =	vadd.f32 v9, v1;
	v2 =	vadd.f32 v2, v3  }
0xaa: {  	v3 =	vadd.f32 v13, v6;
	v6 =	vadd.f32 v10, v12  }
0xab: {  	v4 =	vadd.f32 v5, v4;
	v7 =	vadd.f32 v8, v7  }
0xac: {  	v1 =	vadd.f32 v2, v1;
	v2 =	vadd.f32 v6, v3  }
0xad: {  	v3 =	vadd.f32 v4, v7  }
0xae: {  	v1 =	vadd.f32 v2, v1  }
0xaf: {  	(xrf2) =	vadd.scan.msk.f32 $0xffff, v3  }
0xb0: {  	(xrf2) =	vadd.scan.msk.f32 $0xffff, v1;
	_ =	sdelay $0x2  }
0xb1: {  	v1 =	vmov s18  }
0xb2: {  	s18 =	sadd.s32 $0x1, s18;
	v1 =	vand.u32 $0xFFFFFFFE, v1  }
0xb3: {  	v2 =	vmov s18;
	v1 =	vbroadcast v1, $0x0;
	_ =	sdelay $0x2  }
0xb4: {  	v3, _, _ =	vpop (xrf2)  }
0xb5: {  	s29 =	sor.u32 s5, s24;
	[tilespmem:v0+s20+$0x0] =	vst.idx.msk vm0, v3;
	v4, _, _ =	vpop (xrf2)  }
0xb6: {  	s11 =	sshll.u32 s29, $0x4;
	[tilespmem:v2+s20+$0x0] =	vst.idx.msk vm0, v4;
	v0, _, _ =	vpop (xrf2)  }
0xb7: {  	s11 =	sadd.s32 s9, s11;
	[tilespmem:v1+s20+$0x0] =	vst.idx.msk vm0, v0  }
0xb8: {  	[hbm4b:s11+s4] =	stream.linear.scatter [tilespmem:s20], [sflag:$0x7], $0x80, $0x38;
	[tilespmem:$0x18500] =	vst v63  }
0xb9: {  	_ =	swait.ge [sflag:s21], $0x100  }
0xba: {  	[sflag:s21] =	ssyncset.done $0x0  }
0xbb: {  	s17 =	simm.s32 $0x300;
	[sflag:s21] =	ssyncadd.s32 $0xFFFFFF00  }
0xbc: {  	[tilespmem:s17], [sflag:$0x4] =	stream.indirect.gather [hbm4b:s6+s26], $0x80, s4, s26, $0xb8;
	[tilespmem:$0x18500] =	vst v63  }
0xbd: {  	s18 =	simm.s32 $0xC300  }
0xbe: {  	[tilespmem:s18], [sflag:$0x4] =	stream.indirect.gather [hbm4b:s7+s26], $0x80, s26, s26, $0xb8;
	[tilespmem:$0x18500] =	vst v63  }
0xbf: {  	_ =	swait.ge [sflag:s22], $0x4000  }
0xc0: {  	[sflag:s22] =	ssyncset.done $0x0  }
0xc1: {  	[sflag:s22] =	ssyncadd.s32 $0xFFFFC000  }
0xc2: {  	s29 =	sadd.s32 s14, s24;
	_ =	swait.ge [sflag:s22], $0x4000  }
0xc3: {  	s11 =	sshll.u32 s29, $0x5;
	[sflag:s22] =	ssyncset.done $0x0  }
0xc4: {  	s11 =	sadd.s32 s1, s11;
	[sflag:s22] =	ssyncadd.s32 $0xFFFFC000  }
0xc5: {  	[tilespmem:s30], [sflag:$0x2] =	stream.linear.gather [hbm4b:s11+s4], $0x100, $0x38;
	[tilespmem:$0x18500] =	vst v63  }
0xc6: {  	s11 =	simm.s32 @!p0 $0x8  }
0xc7: {  	_ =	swait.ge @!p0 [sflag:s11], $0x80  }
0xc8: {  	[sflag:s11] =	ssyncset.done @!p0 $0x0  }
0xc9: {  	[sflag:s11] =	ssyncadd.s32 @!p0 $0xFFFFFF80;
	s11 =	simm.s32 $0x4380  }
0xca: {  	s18 =	simm.s32 $0x10380;
	v0 =	vld [tilespmem:s11+$0x10]  }
0xcb: {  	v1 =	vld [tilespmem:s18+$0x10]  }
0xcc: {  	v2 =	vld [tilespmem:s11+$0x20]  }
0xcd: {  	v3 =	vld [tilespmem:s18+$0x20]  }
0xce: {  	v4 =	vld [tilespmem:s11+$0x30]  }
0xcf: {  	v5 =	vld [tilespmem:s18+$0x30]  }
0xd0: {  	v6 =	vld [tilespmem:s11+$0x40]  }
0xd1: {  	v7 =	vld [tilespmem:s18+$0x40]  }
0xd2: {  	v8 =	vld [tilespmem:s11+$0x50]  }
0xd3: {  	v9 =	vld [tilespmem:s18+$0x50]  }
0xd4: {  	v10 =	vld [tilespmem:s11+$0x60]  }
0xd5: {  	v11 =	vld [tilespmem:s18+$0x60]  }
0xd6: {  	v12 =	vld [tilespmem:s11+$0x70]  }
0xd7: {  	v13 =	vld [tilespmem:s18+$0x70]  }
0xd8: {  	v14 =	vld [tilespmem:s11+$0x0]  }
0xd9: {  	v15 =	vld [tilespmem:s18+$0x0]  }
0xda: {  	v44 =	vld [tilespmem:s11+$0xFFFFFF80]  }
0xdb: {  	v45 =	vld [tilespmem:s18+$0xFFFFFF80];
	v0 =	vmul.bf16 v1, v0;
	v1 =	vmul.bf16 v3, v2  }
0xdc: {  	v46 =	vld [tilespmem:$0x18480];
	v3 =	vmul.bf16 v5, v4;
	v4 =	vmul.bf16 v7, v6  }
0xdd: {  	v49 =	vld [tilespmem:s18+$0xFFFFFFB0];
	v6 =	vmul.bf16 v9, v8;
	v7 =	vmul.bf16 v11, v10  }
0xde: {  	v52 =	vld [tilespmem:s11+$0xFFFFFFC0];
	v9 =	vmul.bf16 v13, v12;
	v10 =	vmul.bf16 v15, v14;
	v12 =	vunpack.i.u.bf16.f32 v0  }
0xdf: {  	v53 =	vld [tilespmem:s18+$0xFFFFFFD0];
	v0 =	vunpack.i.l.bf16.f32 v0;
	v13 =	vunpack.i.u.bf16.f32 v1;
	v1 =	vunpack.i.l.bf16.f32 v1  }
0xe0: {  	v2 =	vld [tilespmem:s11+$0xFFFFFF90];
	v15 =	vunpack.i.u.bf16.f32 v3;
	v3 =	vunpack.i.l.bf16.f32 v3;
	v47 =	vunpack.i.u.bf16.f32 v4  }
0xe1: {  	v5 =	vld [tilespmem:s18+$0xFFFFFF90];
	v4 =	vunpack.i.l.bf16.f32 v4;
	v48 =	vunpack.i.u.bf16.f32 v6;
	v6 =	vunpack.i.l.bf16.f32 v6  }
0xe2: {  	v8 =	vld [tilespmem:s11+$0xFFFFFFA0];
	v50 =	vunpack.i.u.bf16.f32 v7;
	v51 =	vunpack.i.u.bf16.f32 v10;
	v0 =	vadd.f32 v0, v12  }
0xe3: {  	v11 =	vld [tilespmem:s18+$0xFFFFFFA0];
	v10 =	vunpack.i.l.bf16.f32 v10;
	v1 =	vadd.f32 v1, v13;
	v3 =	vadd.f32 v3, v15  }
0xe4: {  	v14 =	vld [tilespmem:s11+$0xFFFFFFB0];
	v7 =	vunpack.i.l.bf16.f32 v7;
	v10 =	vadd.f32 v10, v51;
	v4 =	vadd.f32 v4, v47  }
0xe5: {  	v54 =	vld [tilespmem:s11+$0xFFFFFFE0];
	v15 =	vunpack.i.u.bf16.f32 v9;
	v6 =	vadd.f32 v6, v48;
	v9 =	vunpack.i.l.bf16.f32 v9  }
0xe6: {  	v12 =	vld [tilespmem:s18+$0xFFFFFFC0];
	v7 =	vadd.f32 v7, v50;
	v9 =	vadd.f32 v9, v15  }
0xe7: {  	v16 =	vmul.bf16 v45, v44;
	v13 =	vld [tilespmem:s11+$0xFFFFFFD0];
	v10 =	vadd.f32 v10, v46;
	v0 =	vadd.f32 v6, v0  }
0xe8: {  	s17 =	simm.s32 $0x10480;
	v6 =	vld [tilespmem:s18+$0xFFFFFFE0];
	v2 =	vmul.bf16 v5, v2;
	v1 =	vadd.f32 v7, v1;
	v8 =	vmul.bf16 v11, v8  }
0xe9: {  	v55 =	vld [tilespmem:s17+$0x20];
	v7 =	vunpack.i.u.bf16.f32 v16;
	v11 =	vmul.bf16 v49, v14;
	v3 =	vadd.f32 v9, v3  }
0xea: {  	v59 =	vld [tilespmem:s17+$0x30];
	v9 =	vunpack.i.l.bf16.f32 v16;
	v4 =	vadd.f32 v4, v10;
	v15 =	vunpack.i.u.bf16.f32 v8  }
0xeb: {  	v5 =	vld [tilespmem:s11+$0xFFFFFFF0];
	v1 =	vadd.f32 v3, v1;
	v3 =	vadd.f32 v9, v7;
	v7 =	vunpack.i.u.bf16.f32 v2  }
0xec: {  	v10 =	vld [tilespmem:s18+$0xFFFFFFF0];
	v9 =	vmul.bf16 v53, v13;
	v2 =	vunpack.i.l.bf16.f32 v2;
	v0 =	vadd.f32 v0, v4  }
0xed: {  	v61 =	vld [tilespmem:s17+$0x40];
	s11 =	simm.s32 $0x4480;
	v4 =	vmul.bf16 v12, v52;
	v2 =	vadd.f32 v2, v7;
	v6 =	vmul.bf16 v6, v54  }
0xee: {  	v14 =	vld [tilespmem:s11+$0x10];
	v58 =	vunpack.i.u.bf16.f32 v9;
	v9 =	vunpack.i.l.bf16.f32 v9;
	v3 =	vadd.f32 v3, v46  }
0xef: {  	v56 =	vld [tilespmem:s11+$0x30];
	v0 =	vadd.f32 v1, v0;
	v1 =	vunpack.i.l.bf16.f32 v8;
	v8 =	vunpack.i.u.bf16.f32 v11  }
0xf0: {  	v60 =	vld [tilespmem:s11+$0x40];
	v11 =	vunpack.i.l.bf16.f32 v11;
	v57 =	vunpack.i.u.bf16.f32 v4;
	v4 =	vunpack.i.l.bf16.f32 v4  }
0xf1: {  	v13 =	vld [tilespmem:s11+$0x20];
	v9 =	vadd.f32 v9, v58;
	v5 =	vmul.bf16 v10, v5;
	v1 =	vadd.f32 v1, v15  }
0xf2: {  	v12 =	vld [tilespmem:s17+$0x10];
	v8 =	vadd.f32 v11, v8;
	v10 =	vadd.f32 v4, v57;
	(xrf2) =	vadd.scan.msk.f32 $0xffff, v0;
	v0 =	vunpack.i.u.bf16.f32 v6  }
0xf3: {  	v11 =	vld [tilespmem:s11+$0x50];
	v6 =	vunpack.i.l.bf16.f32 v6;
	v7 =	vunpack.i.u.bf16.f32 v5;
	v5 =	vunpack.i.l.bf16.f32 v5  }
0xf4: {  	v15 =	vld [tilespmem:s17+$0x50];
	v0 =	vadd.f32 v6, v0;
	v6 =	vadd.f32 v5, v7  }
0xf5: {  	v4 =	vld [tilespmem:s11+$0x60];
	v2 =	vadd.f32 v9, v2;
	v3 =	vadd.f32 v10, v3  }
0xf6: {  	s29 =	simm.s32 $0x1;
	v9 =	vld [tilespmem:s17+$0x0];
	v0 =	vadd.f32 v0, v1;
	v1 =	vadd.f32 v6, v8  }
0xf7: {  	s28 =	simm.s32 $0x0;
	v62 =	vmov s29;
	v5 =	vld [tilespmem:s17+$0x60]  }
0xf8: {  	v7 =	vld [tilespmem:s17+$0x70];
	v2 =	vadd.f32 v2, v3;
	v0 =	vadd.f32 v1, v0;
	v1 =	vmov s28  }
0xf9: {  	v6 =	vld [tilespmem:s11+$0x70];
	v3 =	vand.u32 $0xFFFFFFFE, v1  }
0xfa: {  	v8 =	vld [tilespmem:s11+$0x0];
	v63 =	vadd.f32 v0, v2  }
0xfb: {  	v13 =	vmul.bf16 v55, v13;
	v12 =	vmul.bf16 v12, v14;
	v1 =	vld [tilespmem:s11+$0xFFFFFF80]  }
0xfc: {  	v10 =	vmul.bf16 v59, v56;
	v0 =	vbroadcast v3, $0x0;
	v2 =	vld [tilespmem:s17+$0xFFFFFF80];
	v3, _, _ =	vpop (xrf2);
	(xrf2) =	vadd.scan.msk.f32 $0xffff, v63  }
0xfd: {  	s18 =	simm.s32 $0x2;
	v14 =	vmul.bf16 v61, v60;
	v11 =	vmul.bf16 v15, v11;
	s28 =	simm.s32 $0x4;
	[tilespmem:v62+s23+$0x0] =	vst.idx.msk vm0, v3;
	v3 =	vld [tilespmem:s11+$0xFFFFFF90]  }
.LBB2_5:
0xfe: {  	p1 =	slt.u32 s28, $0x7E;
	v15 =	vld [tilespmem:s17+$0xFFFFFF90];
	v4 =	vmul.bf16 v5, v4;
	v5 =	vmul.bf16 v7, v6  }
0xff: {  	v6 =	vld [tilespmem:s11+$0xFFFFFFA0];
	v7 =	vmul.bf16 v9, v8;
	v8 =	vunpack.i.u.bf16.f32 v12;
	v9 =	vunpack.i.l.bf16.f32 v12  }
0x100: {  	v16 =	vunpack.i.u.bf16.f32 v13;
	v13 =	vunpack.i.l.bf16.f32 v13;
	v17 =	vunpack.i.u.bf16.f32 v10;
	v12 =	vld [tilespmem:s17+$0xFFFFFFA0]  }
0x101: {  	v10 =	vunpack.i.l.bf16.f32 v10;
	v19 =	vunpack.i.u.bf16.f32 v14;
	v14 =	vunpack.i.l.bf16.f32 v14;
	v18 =	vld [tilespmem:s11+$0xFFFFFFB0]  }
0x102: {  	v21 =	vunpack.i.u.bf16.f32 v11;
	v11 =	vunpack.i.l.bf16.f32 v11;
	v22 =	vunpack.i.u.bf16.f32 v4;
	v20 =	vld [tilespmem:$0x18480]  }
0x103: {  	v8 =	vadd.f32 v9, v8;
	v4 =	vunpack.i.l.bf16.f32 v4;
	v24 =	vunpack.i.u.bf16.f32 v7;
	v23 =	vld [tilespmem:s17+$0xFFFFFFB0]  }
0x104: {  	v13 =	vadd.f32 v13, v16;
	v10 =	vadd.f32 v10, v17;
	v7 =	vunpack.i.l.bf16.f32 v7;
	v9 =	vld [tilespmem:s11+$0xFFFFFFC0]  }
0x105: {  	v14 =	vadd.f32 v14, v19;
	v17 =	vunpack.i.u.bf16.f32 v5;
	v7 =	vadd.f32 v7, v24;
	v16 =	vld [tilespmem:s17+$0xFFFFFFC0]  }
0x106: {  	v11 =	vadd.f32 v11, v21;
	v5 =	vunpack.i.l.bf16.f32 v5;
	v4 =	vadd.f32 v4, v22;
	v19 =	vld [tilespmem:s11+$0xFFFFFFD0];
	v21, _, _ =	vpop (xrf2)  }
0x107: {  	v1 =	vmul.bf16 v2, v1;
	v5 =	vadd.f32 v5, v17;
	v2 =	vld [tilespmem:s17+$0xFFFFFFD0];
	v7 =	vadd.f32 v7, v20  }
0x108: {  	v8 =	vadd.f32 v11, v8;
	v3 =	vmul.bf16 v15, v3;
	v4 =	vadd.f32 v4, v13;
	v15 =	vld [tilespmem:s11+$0xFFFFFFE0]  }
0x109: {  	v11 =	vunpack.i.u.bf16.f32 v1;
	v5 =	vadd.f32 v5, v10;
	v13 =	vld [tilespmem:s17+$0xFFFFFFE0];
	v7 =	vadd.f32 v14, v7;
	[tilespmem:v0+s23+$0x0] =	vst.idx.msk vm0, v21  }
0x10a: {  	v0 =	vunpack.i.l.bf16.f32 v1;
	v1 =	vmul.bf16 v12, v6;
	v6 =	vmul.bf16 v23, v18;
	v10 =	vld [tilespmem:s11+$0xFFFFFFF0]  }
0x10b: {  	v4 =	vadd.f32 v5, v4;
	v9 =	vmul.bf16 v16, v9;
	s11 =	sadd.s32 $0x100, s11;
	v12 =	vld [tilespmem:s17+$0xFFFFFFF0];
	v7 =	vadd.f32 v8, v7  }
0x10c: {  	v5 =	vunpack.i.u.bf16.f32 v3;
	v0 =	vadd.f32 v0, v11;
	s17 =	sadd.s32 $0x100, s17;
	v14 =	vld [tilespmem:s11+$0x10];
	v2 =	vmul.bf16 v2, v19  }
0x10d: {  	v3 =	vunpack.i.l.bf16.f32 v3;
	v8 =	vunpack.i.u.bf16.f32 v1;
	v11 =	vld [tilespmem:s17+$0x10];
	v4 =	vadd.f32 v4, v7  }
0x10e: {  	v1 =	vunpack.i.l.bf16.f32 v1;
	v7 =	vunpack.i.u.bf16.f32 v6;
	v16 =	vld [tilespmem:s11+$0x20];
	v13 =	vmul.bf16 v13, v15  }
0x10f: {  	v17 =	vunpack.i.u.bf16.f32 v9;
	v9 =	vunpack.i.l.bf16.f32 v9;
	v6 =	vunpack.i.l.bf16.f32 v6;
	v15 =	vld [tilespmem:s17+$0x20];
	(xrf2) =	vadd.scan.msk.f32 $0xffff, v4  }
0x110: {  	v4 =	vunpack.i.u.bf16.f32 v2;
	v2 =	vunpack.i.l.bf16.f32 v2;
	v18 =	vld [tilespmem:s11+$0x30];
	v10 =	vmul.bf16 v12, v10  }
0x111: {  	v0 =	vadd.f32 v0, v20;
	v12 =	vunpack.i.u.bf16.f32 v13;
	v13 =	vunpack.i.l.bf16.f32 v13;
	v19 =	vld [tilespmem:s17+$0x30]  }
0x112: {  	v3 =	vadd.f32 v3, v5;
	v20 =	vld [tilespmem:s11+$0x40];
	v5 =	vunpack.i.u.bf16.f32 v10;
	v10 =	vunpack.i.l.bf16.f32 v10  }
0x113: {  	v1 =	vadd.f32 v1, v8;
	v6 =	vadd.f32 v6, v7;
	v21 =	vld [tilespmem:s17+$0x40]  }
0x114: {  	s29 =	sadd.s32 $0x1, s18;
	v7 =	vadd.f32 v9, v17;
	v2 =	vadd.f32 v2, v4;
	v22 =	vld [tilespmem:s11+$0x50]  }
0x115: {  	v8 =	vadd.f32 v13, v12;
	v9 =	vadd.f32 v10, v5;
	v10 =	vmov s29;
	v17 =	vld [tilespmem:s17+$0x50]  }
0x116: {  	v0 =	vadd.f32 v7, v0;
	v12 =	vadd.f32 v2, v3;
	v4 =	vld [tilespmem:s11+$0x60]  }
0x117: {  	v1 =	vadd.f32 v8, v1;
	v3 =	vadd.f32 v9, v6;
	v5 =	vld [tilespmem:s17+$0x60]  }
0x118: {  	v0 =	vadd.f32 v12, v0;
	v6 =	vld [tilespmem:s11+$0x70]  }
0x119: {  	v1 =	vadd.f32 v3, v1;
	v7 =	vld [tilespmem:s17+$0x70];
	v2, _, _ =	vpop (xrf2)  }
.Ltmp1:
0x11a: {  	v3 =	vmov s18;
	s18 =	smov.u32 s28;
	v8 =	vld [tilespmem:s11+$0x0];
	[tilespmem:v10+s23+$0x0] =	vst.idx.msk vm0, v2;
	(pc) =	sbr.rel @p1 .LBB2_5-.Ltmp1, $4  }
0x11b: {  	v23 =	vadd.f32 v1, v0;
	v0 =	vand.u32 $0xFFFFFFFE, v3;
	v9 =	vld [tilespmem:s17+$0x0]  }
0x11c: {  	v12 =	vmul.bf16 v11, v14;
	v0 =	vbroadcast v0, $0x0;
	v1 =	vld [tilespmem:s11+$0xFFFFFF80]  }
0x11d: {  	v13 =	vmul.bf16 v15, v16;
	v10 =	vmul.bf16 v19, v18;
	v2 =	vld [tilespmem:s17+$0xFFFFFF80];
	(xrf2) =	vadd.scan.msk.f32 $0xffff, v23  }
0x11e: {  	s28 =	sadd.s32 $0x2, s28;
	v14 =	vmul.bf16 v21, v20;
	v11 =	vmul.bf16 v17, v22;
	v3 =	vld [tilespmem:s11+$0xFFFFFF90]  }
0x11f: {  	v15 =	vld [tilespmem:s17+$0xFFFFFF90];
	v4 =	vmul.bf16 v5, v4;
	v5 =	vmul.bf16 v7, v6;
	v16 =	vunpack.i.u.bf16.f32 v13  }
0x120: {  	v6 =	vld [tilespmem:s11+$0xFFFFFFA0];
	v13 =	vunpack.i.l.bf16.f32 v13;
	v17 =	vunpack.i.u.bf16.f32 v10;
	v10 =	vunpack.i.l.bf16.f32 v10  }
0x121: {  	v18 =	vld [tilespmem:s11+$0xFFFFFFB0];
	v7 =	vmul.bf16 v9, v8;
	v8 =	vunpack.i.u.bf16.f32 v12;
	v9 =	vunpack.i.l.bf16.f32 v12  }
0x122: {  	v20 =	vld [tilespmem:$0x18480];
	v19 =	vunpack.i.u.bf16.f32 v14;
	v14 =	vunpack.i.l.bf16.f32 v14;
	v21 =	vunpack.i.u.bf16.f32 v11  }
0x123: {  	v23 =	vld [tilespmem:s17+$0xFFFFFFB0];
	v11 =	vunpack.i.l.bf16.f32 v11;
	v13 =	vadd.f32 v13, v16;
	v10 =	vadd.f32 v10, v17  }
0x124: {  	v38 =	vld [tilespmem:s17+$0xFFFFFFC0];
	v22 =	vunpack.i.u.bf16.f32 v4;
	v8 =	vadd.f32 v9, v8;
	v4 =	vunpack.i.l.bf16.f32 v4  }
0x125: {  	v12 =	vld [tilespmem:s17+$0xFFFFFFA0];
	v14 =	vadd.f32 v14, v19;
	v39 =	vunpack.i.u.bf16.f32 v5;
	v11 =	vadd.f32 v11, v21  }
0x126: {  	v9 =	vld [tilespmem:s11+$0xFFFFFFC0];
	v5 =	vunpack.i.l.bf16.f32 v5;
	v24 =	vunpack.i.u.bf16.f32 v7;
	v7 =	vunpack.i.l.bf16.f32 v7  }
0x127: {  	v40 =	vld [tilespmem:s11+$0xFFFFFFD0];
	v4 =	vadd.f32 v4, v22;
	v1 =	vmul.bf16 v2, v1;
	v5 =	vadd.f32 v5, v39  }
0x128: {  	v2 =	vld [tilespmem:s17+$0xFFFFFFD0];
	v7 =	vadd.f32 v7, v24;
	v8 =	vadd.f32 v11, v8;
	v3 =	vmul.bf16 v15, v3  }
0x129: {  	v15 =	vld [tilespmem:s11+$0xFFFFFFE0];
	v4 =	vadd.f32 v4, v13;
	v11 =	vunpack.i.u.bf16.f32 v1;
	v5 =	vadd.f32 v5, v10  }
0x12a: {  	v13 =	vld [tilespmem:s17+$0xFFFFFFE0];
	v1 =	vunpack.i.l.bf16.f32 v1;
	v7 =	vadd.f32 v7, v20;
	v6 =	vmul.bf16 v12, v6  }
0x12b: {  	v10 =	vld [tilespmem:s11+$0xFFFFFFF0];
	v12 =	vmul.bf16 v23, v18;
	v1 =	vadd.f32 v1, v11;
	v9 =	vmul.bf16 v38, v9  }
0x12c: {  	v11 =	vunpack.i.u.bf16.f32 v3;
	v3 =	vunpack.i.l.bf16.f32 v3;
	v7 =	vadd.f32 v14, v7;
	v14 =	vld [tilespmem:s17+$0xFFFFFFF0]  }
0x12d: {  	v41 =	vunpack.i.u.bf16.f32 v6;
	v6 =	vunpack.i.l.bf16.f32 v6;
	v42 =	vunpack.i.u.bf16.f32 v12  }
0x12e: {  	v12 =	vunpack.i.l.bf16.f32 v12;
	v1 =	vadd.f32 v1, v20;
	v3 =	vadd.f32 v3, v11  }
0x12f: {  	v2 =	vmul.bf16 v2, v40;
	v6 =	vadd.f32 v6, v41;
	v12 =	vadd.f32 v12, v42  }
0x130: {  	v13 =	vmul.bf16 v13, v15;
	v15 =	vunpack.i.u.bf16.f32 v9;
	v9 =	vunpack.i.l.bf16.f32 v9  }
0x131: {  	v43 =	vunpack.i.u.bf16.f32 v2;
	v2 =	vunpack.i.l.bf16.f32 v2;
	v10 =	vmul.bf16 v14, v10  }
0x132: {  	v9 =	vadd.f32 v9, v15;
	v2 =	vadd.f32 v2, v43;
	v14 =	vunpack.i.u.bf16.f32 v13  }
0x133: {  	v13 =	vunpack.i.l.bf16.f32 v13;
	v11 =	vunpack.i.u.bf16.f32 v10;
	v10 =	vunpack.i.l.bf16.f32 v10  }
0x134: {  	v13 =	vadd.f32 v13, v14;
	v10 =	vadd.f32 v10, v11  }
0x135: {  	v1 =	vadd.f32 v9, v1;
	v2 =	vadd.f32 v2, v3  }
0x136: {  	v3 =	vadd.f32 v13, v6;
	v6 =	vadd.f32 v10, v12  }
0x137: {  	v4 =	vadd.f32 v5, v4;
	v7 =	vadd.f32 v8, v7  }
0x138: {  	v1 =	vadd.f32 v2, v1;
	v2 =	vadd.f32 v6, v3  }
0x139: {  	v3 =	vadd.f32 v4, v7  }
0x13a: {  	v1 =	vadd.f32 v2, v1  }
0x13b: {  	(xrf2) =	vadd.scan.msk.f32 $0xffff, v3  }
0x13c: {  	(xrf2) =	vadd.scan.msk.f32 $0xffff, v1;
	_ =	sdelay $0x2  }
0x13d: {  	v1 =	vmov s18  }
0x13e: {  	s29 =	sadd.s32 $0x1, s18;
	v1 =	vand.u32 $0xFFFFFFFE, v1  }
0x13f: {  	v2 =	vmov s29;
	v1 =	vbroadcast v1, $0x0;
	_ =	sdelay $0x2  }
0x140: {  	v3, _, _ =	vpop (xrf2)  }
0x141: {  	s17 =	sadd.s32 s15, s24;
	[tilespmem:v0+s23+$0x0] =	vst.idx.msk vm0, v3;
	v4, _, _ =	vpop (xrf2)  }
0x142: {  	s11 =	sshll.u32 s17, $0x4;
	[tilespmem:v2+s23+$0x0] =	vst.idx.msk vm0, v4;
	v0, _, _ =	vpop (xrf2)  }
0x143: {  	s11 =	sadd.s32 s9, s11;
	[tilespmem:v1+s23+$0x0] =	vst.idx.msk vm0, v0  }
0x144: {  	[hbm4b:s11+s4] =	stream.linear.scatter [tilespmem:s23], [sflag:$0x8], $0x80, $0x38;
	[tilespmem:$0x18500] =	vst v63  }
0x145: {  	_ =	swait.ge [sflag:s0], $0x100  }
0x146: {  	[sflag:s0] =	ssyncset.done $0x0  }
0x147: {  	s18 =	simm.s32 $0x4300;
	[sflag:s0] =	ssyncadd.s32 $0xFFFFFF00  }
0x148: {  	[tilespmem:s18], [sflag:$0x5] =	stream.indirect.gather [hbm4b:s6+s26], $0x80, s30, s26, $0xb8;
	[tilespmem:$0x18500] =	vst v63  }
0x149: {  	s28 =	simm.s32 $0x180;
	s29 =	simm.s32 $0x10300  }
0x14a: {  	[tilespmem:s29], [sflag:$0x5] =	stream.indirect.gather [hbm4b:s7+s26], $0x80, s28, s26, $0xb8;
	[tilespmem:$0x18500] =	vst v63  }
0x14b: {  	_ =	swait.ge [sflag:s8], $0x4000  }
0x14c: {  	[sflag:s8] =	ssyncset.done $0x0  }
0x14d: {  	[sflag:s8] =	ssyncadd.s32 $0xFFFFC000  }
0x14e: {  	s17 =	sadd.s32 s16, s24;
	_ =	swait.ge [sflag:s8], $0x4000  }
0x14f: {  	s11 =	sshll.u32 s17, $0x5;
	[sflag:s8] =	ssyncset.done $0x0  }
0x150: {  	s11 =	sadd.s32 s1, s11;
	[sflag:s8] =	ssyncadd.s32 $0xFFFFC000  }
0x151: {  	[tilespmem:s31], [sflag:$0x3] =	stream.linear.gather [hbm4b:s11+s4], $0x100, $0x38;
	[tilespmem:$0x18500] =	vst v63  }
0x152: {  	s11 =	simm.s32 @!p0 $0x9  }
0x153: {  	_ =	swait.ge @!p0 [sflag:s11], $0x80  }
0x154: {  	[sflag:s11] =	ssyncset.done @!p0 $0x0  }
0x155: {  	s18 =	simm.s32 $0x8380;
	[sflag:s11] =	ssyncadd.s32 @!p0 $0xFFFFFF80  }
0x156: {  	s24 =	simm.s32 $0x14380;
	v0 =	vld [tilespmem:s18+$0x10]  }
0x157: {  	v1 =	vld [tilespmem:s24+$0x10]  }
0x158: {  	v2 =	vld [tilespmem:s18+$0x20]  }
0x159: {  	v3 =	vld [tilespmem:s24+$0x20]  }
0x15a: {  	v4 =	vld [tilespmem:s18+$0x30]  }
0x15b: {  	v5 =	vld [tilespmem:s24+$0x30]  }
0x15c: {  	v6 =	vld [tilespmem:s18+$0x40]  }
0x15d: {  	v7 =	vld [tilespmem:s24+$0x40]  }
0x15e: {  	v8 =	vld [tilespmem:s18+$0x50]  }
0x15f: {  	v9 =	vld [tilespmem:s24+$0x50]  }
0x160: {  	v10 =	vld [tilespmem:s18+$0x60]  }
0x161: {  	v11 =	vld [tilespmem:s24+$0x60]  }
0x162: {  	v12 =	vld [tilespmem:s18+$0x70]  }
0x163: {  	v13 =	vld [tilespmem:s24+$0x70]  }
0x164: {  	v14 =	vld [tilespmem:s18+$0x0]  }
0x165: {  	v15 =	vld [tilespmem:s24+$0x0]  }
0x166: {  	v44 =	vld [tilespmem:s18+$0xFFFFFF80]  }
0x167: {  	v45 =	vld [tilespmem:s24+$0xFFFFFF80];
	v0 =	vmul.bf16 v1, v0;
	v1 =	vmul.bf16 v3, v2  }
0x168: {  	v46 =	vld [tilespmem:$0x18480];
	v3 =	vmul.bf16 v5, v4;
	v4 =	vmul.bf16 v7, v6  }
0x169: {  	v49 =	vld [tilespmem:s24+$0xFFFFFFB0];
	v6 =	vmul.bf16 v9, v8;
	v7 =	vmul.bf16 v11, v10  }
0x16a: {  	v52 =	vld [tilespmem:s18+$0xFFFFFFC0];
	v9 =	vmul.bf16 v13, v12;
	v10 =	vmul.bf16 v15, v14;
	v12 =	vunpack.i.u.bf16.f32 v0  }
0x16b: {  	v53 =	vld [tilespmem:s24+$0xFFFFFFD0];
	v0 =	vunpack.i.l.bf16.f32 v0;
	v13 =	vunpack.i.u.bf16.f32 v1;
	v1 =	vunpack.i.l.bf16.f32 v1  }
0x16c: {  	v2 =	vld [tilespmem:s18+$0xFFFFFF90];
	v15 =	vunpack.i.u.bf16.f32 v3;
	v3 =	vunpack.i.l.bf16.f32 v3;
	v47 =	vunpack.i.u.bf16.f32 v4  }
0x16d: {  	v5 =	vld [tilespmem:s24+$0xFFFFFF90];
	v4 =	vunpack.i.l.bf16.f32 v4;
	v48 =	vunpack.i.u.bf16.f32 v6;
	v6 =	vunpack.i.l.bf16.f32 v6  }
0x16e: {  	v8 =	vld [tilespmem:s18+$0xFFFFFFA0];
	v50 =	vunpack.i.u.bf16.f32 v7;
	v51 =	vunpack.i.u.bf16.f32 v10;
	v0 =	vadd.f32 v0, v12  }
0x16f: {  	v11 =	vld [tilespmem:s24+$0xFFFFFFA0];
	v10 =	vunpack.i.l.bf16.f32 v10;
	v1 =	vadd.f32 v1, v13;
	v3 =	vadd.f32 v3, v15  }
0x170: {  	v14 =	vld [tilespmem:s18+$0xFFFFFFB0];
	v7 =	vunpack.i.l.bf16.f32 v7;
	v10 =	vadd.f32 v10, v51;
	v4 =	vadd.f32 v4, v47  }
0x171: {  	v54 =	vld [tilespmem:s18+$0xFFFFFFE0];
	v15 =	vunpack.i.u.bf16.f32 v9;
	v6 =	vadd.f32 v6, v48;
	v9 =	vunpack.i.l.bf16.f32 v9  }
0x172: {  	v12 =	vld [tilespmem:s24+$0xFFFFFFC0];
	v7 =	vadd.f32 v7, v50;
	v9 =	vadd.f32 v9, v15  }
0x173: {  	v16 =	vmul.bf16 v45, v44;
	v13 =	vld [tilespmem:s18+$0xFFFFFFD0];
	v10 =	vadd.f32 v10, v46;
	v0 =	vadd.f32 v6, v0  }
0x174: {  	s17 =	simm.s32 $0x14480;
	v6 =	vld [tilespmem:s24+$0xFFFFFFE0];
	v2 =	vmul.bf16 v5, v2;
	v1 =	vadd.f32 v7, v1;
	v8 =	vmul.bf16 v11, v8  }
0x175: {  	s11 =	simm.s32 $0x8480;
	v55 =	vld [tilespmem:s17+$0x20];
	v7 =	vunpack.i.u.bf16.f32 v16;
	v11 =	vmul.bf16 v49, v14;
	v3 =	vadd.f32 v9, v3  }
0x176: {  	v56 =	vld [tilespmem:s11+$0x30];
	v9 =	vunpack.i.l.bf16.f32 v16;
	v4 =	vadd.f32 v4, v10;
	v15 =	vunpack.i.u.bf16.f32 v8  }
0x177: {  	v5 =	vld [tilespmem:s18+$0xFFFFFFF0];
	v1 =	vadd.f32 v3, v1;
	v3 =	vadd.f32 v9, v7;
	v7 =	vunpack.i.u.bf16.f32 v2  }
0x178: {  	v10 =	vld [tilespmem:s24+$0xFFFFFFF0];
	v9 =	vmul.bf16 v53, v13;
	v2 =	vunpack.i.l.bf16.f32 v2;
	v0 =	vadd.f32 v0, v4  }
0x179: {  	v59 =	vld [tilespmem:s17+$0x30];
	v4 =	vmul.bf16 v12, v52;
	v2 =	vadd.f32 v2, v7;
	v6 =	vmul.bf16 v6, v54  }
0x17a: {  	v60 =	vld [tilespmem:s11+$0x40];
	v58 =	vunpack.i.u.bf16.f32 v9;
	v9 =	vunpack.i.l.bf16.f32 v9;
	v3 =	vadd.f32 v3, v46  }
0x17b: {  	v61 =	vld [tilespmem:s17+$0x40];
	v0 =	vadd.f32 v1, v0;
	v1 =	vunpack.i.l.bf16.f32 v8;
	v8 =	vunpack.i.u.bf16.f32 v11  }
0x17c: {  	v14 =	vld [tilespmem:s11+$0x10];
	v11 =	vunpack.i.l.bf16.f32 v11;
	v57 =	vunpack.i.u.bf16.f32 v4;
	v4 =	vunpack.i.l.bf16.f32 v4  }
0x17d: {  	v13 =	vld [tilespmem:s11+$0x20];
	v9 =	vadd.f32 v9, v58;
	v5 =	vmul.bf16 v10, v5;
	v1 =	vadd.f32 v1, v15  }
0x17e: {  	v12 =	vld [tilespmem:s17+$0x10];
	v8 =	vadd.f32 v11, v8;
	v10 =	vadd.f32 v4, v57;
	(xrf2) =	vadd.scan.msk.f32 $0xffff, v0;
	v0 =	vunpack.i.u.bf16.f32 v6  }
0x17f: {  	v11 =	vld [tilespmem:s11+$0x50];
	v6 =	vunpack.i.l.bf16.f32 v6;
	v7 =	vunpack.i.u.bf16.f32 v5;
	v5 =	vunpack.i.l.bf16.f32 v5  }
0x180: {  	v15 =	vld [tilespmem:s17+$0x50];
	v0 =	vadd.f32 v6, v0;
	v6 =	vadd.f32 v5, v7  }
0x181: {  	v4 =	vld [tilespmem:s11+$0x60];
	v2 =	vadd.f32 v9, v2;
	v3 =	vadd.f32 v10, v3  }
0x182: {  	s28 =	simm.s32 $0x1;
	v9 =	vld [tilespmem:s17+$0x0];
	v0 =	vadd.f32 v0, v1;
	v1 =	vadd.f32 v6, v8  }
0x183: {  	s29 =	simm.s32 $0x0;
	v62 =	vmov s28;
	v5 =	vld [tilespmem:s17+$0x60]  }
0x184: {  	v7 =	vld [tilespmem:s17+$0x70];
	v2 =	vadd.f32 v2, v3;
	v0 =	vadd.f32 v1, v0;
	v1 =	vmov s29  }
0x185: {  	v6 =	vld [tilespmem:s11+$0x70];
	v3 =	vand.u32 $0xFFFFFFFE, v1  }
0x186: {  	v8 =	vld [tilespmem:s11+$0x0];
	v63 =	vadd.f32 v0, v2  }
0x187: {  	v13 =	vmul.bf16 v55, v13;
	v12 =	vmul.bf16 v12, v14;
	v1 =	vld [tilespmem:s11+$0xFFFFFF80]  }
0x188: {  	v10 =	vmul.bf16 v59, v56;
	v0 =	vbroadcast v3, $0x0;
	v2 =	vld [tilespmem:s17+$0xFFFFFF80];
	v3, _, _ =	vpop (xrf2);
	(xrf2) =	vadd.scan.msk.f32 $0xffff, v63  }
0x189: {  	s18 =	simm.s32 $0x2;
	s24 =	simm.s32 $0x4;
	v14 =	vmul.bf16 v61, v60;
	v11 =	vmul.bf16 v15, v11;
	[tilespmem:v62+s25+$0x0] =	vst.idx.msk vm0, v3;
	v3 =	vld [tilespmem:s11+$0xFFFFFF90]  }
.LBB2_7:
0x18a: {  	p0 =	slt.u32 s24, $0x7E;
	v15 =	vld [tilespmem:s17+$0xFFFFFF90];
	v4 =	vmul.bf16 v5, v4;
	v5 =	vmul.bf16 v7, v6  }
0x18b: {  	v6 =	vld [tilespmem:s11+$0xFFFFFFA0];
	v7 =	vmul.bf16 v9, v8;
	v8 =	vunpack.i.u.bf16.f32 v12;
	v9 =	vunpack.i.l.bf16.f32 v12  }
0x18c: {  	v16 =	vunpack.i.u.bf16.f32 v13;
	v13 =	vunpack.i.l.bf16.f32 v13;
	v17 =	vunpack.i.u.bf16.f32 v10;
	v12 =	vld [tilespmem:s17+$0xFFFFFFA0]  }
0x18d: {  	v10 =	vunpack.i.l.bf16.f32 v10;
	v19 =	vunpack.i.u.bf16.f32 v14;
	v14 =	vunpack.i.l.bf16.f32 v14;
	v18 =	vld [tilespmem:s11+$0xFFFFFFB0]  }
0x18e: {  	v21 =	vunpack.i.u.bf16.f32 v11;
	v11 =	vunpack.i.l.bf16.f32 v11;
	v22 =	vunpack.i.u.bf16.f32 v4;
	v20 =	vld [tilespmem:$0x18480]  }
0x18f: {  	v8 =	vadd.f32 v9, v8;
	v4 =	vunpack.i.l.bf16.f32 v4;
	v24 =	vunpack.i.u.bf16.f32 v7;
	v23 =	vld [tilespmem:s17+$0xFFFFFFB0]  }
0x190: {  	v13 =	vadd.f32 v13, v16;
	v10 =	vadd.f32 v10, v17;
	v7 =	vunpack.i.l.bf16.f32 v7;
	v9 =	vld [tilespmem:s11+$0xFFFFFFC0]  }
0x191: {  	v14 =	vadd.f32 v14, v19;
	v17 =	vunpack.i.u.bf16.f32 v5;
	v7 =	vadd.f32 v7, v24;
	v16 =	vld [tilespmem:s17+$0xFFFFFFC0]  }
0x192: {  	v11 =	vadd.f32 v11, v21;
	v5 =	vunpack.i.l.bf16.f32 v5;
	v4 =	vadd.f32 v4, v22;
	v19 =	vld [tilespmem:s11+$0xFFFFFFD0];
	v21, _, _ =	vpop (xrf2)  }
0x193: {  	v1 =	vmul.bf16 v2, v1;
	v5 =	vadd.f32 v5, v17;
	v2 =	vld [tilespmem:s17+$0xFFFFFFD0];
	v7 =	vadd.f32 v7, v20  }
0x194: {  	v8 =	vadd.f32 v11, v8;
	v3 =	vmul.bf16 v15, v3;
	v4 =	vadd.f32 v4, v13;
	v15 =	vld [tilespmem:s11+$0xFFFFFFE0]  }
0x195: {  	v11 =	vunpack.i.u.bf16.f32 v1;
	v5 =	vadd.f32 v5, v10;
	v13 =	vld [tilespmem:s17+$0xFFFFFFE0];
	v7 =	vadd.f32 v14, v7;
	[tilespmem:v0+s25+$0x0] =	vst.idx.msk vm0, v21  }
0x196: {  	v0 =	vunpack.i.l.bf16.f32 v1;
	v1 =	vmul.bf16 v12, v6;
	v6 =	vmul.bf16 v23, v18;
	v10 =	vld [tilespmem:s11+$0xFFFFFFF0]  }
0x197: {  	v4 =	vadd.f32 v5, v4;
	v9 =	vmul.bf16 v16, v9;
	s11 =	sadd.s32 $0x100, s11;
	v12 =	vld [tilespmem:s17+$0xFFFFFFF0];
	v7 =	vadd.f32 v8, v7  }
0x198: {  	v5 =	vunpack.i.u.bf16.f32 v3;
	v0 =	vadd.f32 v0, v11;
	s17 =	sadd.s32 $0x100, s17;
	v14 =	vld [tilespmem:s11+$0x10];
	v2 =	vmul.bf16 v2, v19  }
0x199: {  	v3 =	vunpack.i.l.bf16.f32 v3;
	v8 =	vunpack.i.u.bf16.f32 v1;
	v11 =	vld [tilespmem:s17+$0x10];
	v4 =	vadd.f32 v4, v7  }
0x19a: {  	v1 =	vunpack.i.l.bf16.f32 v1;
	v7 =	vunpack.i.u.bf16.f32 v6;
	v16 =	vld [tilespmem:s11+$0x20];
	v13 =	vmul.bf16 v13, v15  }
0x19b: {  	v17 =	vunpack.i.u.bf16.f32 v9;
	v9 =	vunpack.i.l.bf16.f32 v9;
	v6 =	vunpack.i.l.bf16.f32 v6;
	v15 =	vld [tilespmem:s17+$0x20];
	(xrf2) =	vadd.scan.msk.f32 $0xffff, v4  }
0x19c: {  	v4 =	vunpack.i.u.bf16.f32 v2;
	v2 =	vunpack.i.l.bf16.f32 v2;
	v18 =	vld [tilespmem:s11+$0x30];
	v10 =	vmul.bf16 v12, v10  }
0x19d: {  	v0 =	vadd.f32 v0, v20;
	v12 =	vunpack.i.u.bf16.f32 v13;
	v13 =	vunpack.i.l.bf16.f32 v13;
	v19 =	vld [tilespmem:s17+$0x30]  }
0x19e: {  	v3 =	vadd.f32 v3, v5;
	v20 =	vld [tilespmem:s11+$0x40];
	v5 =	vunpack.i.u.bf16.f32 v10;
	v10 =	vunpack.i.l.bf16.f32 v10  }
0x19f: {  	v1 =	vadd.f32 v1, v8;
	v6 =	vadd.f32 v6, v7;
	v21 =	vld [tilespmem:s17+$0x40]  }
0x1a0: {  	s28 =	sadd.s32 $0x1, s18;
	v7 =	vadd.f32 v9, v17;
	v2 =	vadd.f32 v2, v4;
	v22 =	vld [tilespmem:s11+$0x50]  }
0x1a1: {  	v8 =	vadd.f32 v13, v12;
	v9 =	vadd.f32 v10, v5;
	v10 =	vmov s28;
	v17 =	vld [tilespmem:s17+$0x50]  }
0x1a2: {  	v0 =	vadd.f32 v7, v0;
	v12 =	vadd.f32 v2, v3;
	v4 =	vld [tilespmem:s11+$0x60]  }
0x1a3: {  	v1 =	vadd.f32 v8, v1;
	v3 =	vadd.f32 v9, v6;
	v5 =	vld [tilespmem:s17+$0x60]  }
0x1a4: {  	v0 =	vadd.f32 v12, v0;
	v6 =	vld [tilespmem:s11+$0x70]  }
0x1a5: {  	v1 =	vadd.f32 v3, v1;
	v7 =	vld [tilespmem:s17+$0x70];
	v2, _, _ =	vpop (xrf2)  }
.Ltmp2:
0x1a6: {  	v3 =	vmov s18;
	s18 =	smov.u32 s24;
	v8 =	vld [tilespmem:s11+$0x0];
	[tilespmem:v10+s25+$0x0] =	vst.idx.msk vm0, v2;
	(pc) =	sbr.rel @p0 .LBB2_7-.Ltmp2, $4  }
0x1a7: {  	v23 =	vadd.f32 v1, v0;
	v0 =	vand.u32 $0xFFFFFFFE, v3;
	v9 =	vld [tilespmem:s17+$0x0]  }
0x1a8: {  	v12 =	vmul.bf16 v11, v14;
	v0 =	vbroadcast v0, $0x0;
	v1 =	vld [tilespmem:s11+$0xFFFFFF80]  }
0x1a9: {  	v13 =	vmul.bf16 v15, v16;
	v10 =	vmul.bf16 v19, v18;
	v2 =	vld [tilespmem:s17+$0xFFFFFF80];
	(xrf2) =	vadd.scan.msk.f32 $0xffff, v23  }
0x1aa: {  	s24 =	sadd.s32 $0x2, s24;
	v14 =	vmul.bf16 v21, v20;
	v11 =	vmul.bf16 v17, v22;
	v3 =	vld [tilespmem:s11+$0xFFFFFF90]  }
0x1ab: {  	v15 =	vld [tilespmem:s17+$0xFFFFFF90]  }
0x1ac: {  	v28 =	vld [tilespmem:s11+$0xFFFFFFA0]  }
0x1ad: {  	v32 =	vld [tilespmem:s17+$0xFFFFFFA0]  }
0x1ae: {  	v18 =	vld [tilespmem:s11+$0xFFFFFFB0]  }
0x1af: {  	v20 =	vld [tilespmem:$0x18480]  }
0x1b0: {  	v4 =	vmul.bf16 v5, v4;
	v63 =	vmul.bf16 v7, v6;
	v30 =	vunpack.i.u.bf16.f32 v12;
	v23 =	vld [tilespmem:s17+$0xFFFFFFB0]  }
0x1b1: {  	v31 =	vunpack.i.l.bf16.f32 v12;
	v16 =	vunpack.i.u.bf16.f32 v13;
	v33 =	vunpack.i.l.bf16.f32 v13;
	v37 =	vld [tilespmem:s11+$0xFFFFFFC0]  }
0x1b2: {  	v17 =	vunpack.i.u.bf16.f32 v10;
	v34 =	vunpack.i.l.bf16.f32 v10;
	v38 =	vld [tilespmem:s17+$0xFFFFFFC0];
	v29 =	vmul.bf16 v9, v8  }
0x1b3: {  	v40 =	vld [tilespmem:s11+$0xFFFFFFD0];
	v19 =	vunpack.i.u.bf16.f32 v14;
	v35 =	vunpack.i.l.bf16.f32 v14;
	v21 =	vunpack.i.u.bf16.f32 v11  }
0x1b4: {  	v41 =	vld [tilespmem:s17+$0xFFFFFFD0];
	v36 =	vunpack.i.l.bf16.f32 v11;
	v8 =	vadd.f32 v31, v30;
	v13 =	vadd.f32 v33, v16  }
0x1b5: {  	v42 =	vld [tilespmem:s11+$0xFFFFFFE0];
	v10 =	vadd.f32 v34, v17;
	v22 =	vunpack.i.u.bf16.f32 v4;
	v4 =	vunpack.i.l.bf16.f32 v4  }
0x1b6: {  	v44 =	vld [tilespmem:s17+$0xFFFFFFE0];
	v14 =	vadd.f32 v35, v19;
	v39 =	vunpack.i.u.bf16.f32 v63;
	v11 =	vadd.f32 v36, v21  }
0x1b7: {  	v45 =	vld [tilespmem:s11+$0xFFFFFFF0];
	v5 =	vunpack.i.l.bf16.f32 v63;
	v24 =	vunpack.i.u.bf16.f32 v29;
	v7 =	vunpack.i.l.bf16.f32 v29  }
0x1b8: {  	v47 =	vld [tilespmem:s17+$0xFFFFFFF0];
	v4 =	vadd.f32 v4, v22;
	v1 =	vmul.bf16 v2, v1;
	v5 =	vadd.f32 v5, v39  }
0x1b9: {  	v7 =	vadd.f32 v7, v24;
	v8 =	vadd.f32 v11, v8;
	v3 =	vmul.bf16 v15, v3  }
0x1ba: {  	v4 =	vadd.f32 v4, v13;
	v43 =	vunpack.i.u.bf16.f32 v1;
	v6 =	vmul.bf16 v32, v28  }
0x1bb: {  	v5 =	vadd.f32 v5, v10;
	v46 =	vmul.bf16 v23, v18;
	v9 =	vmul.bf16 v38, v37  }
0x1bc: {  	v1 =	vunpack.i.l.bf16.f32 v1;
	v2 =	vmul.bf16 v41, v40;
	v13 =	vmul.bf16 v44, v42  }
0x1bd: {  	v10 =	vmul.bf16 v47, v45;
	v7 =	vadd.f32 v7, v20;
	v1 =	vadd.f32 v1, v43  }
0x1be: {  	v48 =	vunpack.i.u.bf16.f32 v3;
	v3 =	vunpack.i.l.bf16.f32 v3;
	v49 =	vunpack.i.u.bf16.f32 v6  }
0x1bf: {  	v6 =	vunpack.i.l.bf16.f32 v6;
	v50 =	vunpack.i.u.bf16.f32 v46;
	v12 =	vunpack.i.l.bf16.f32 v46  }
0x1c0: {  	v51 =	vunpack.i.u.bf16.f32 v9;
	v9 =	vunpack.i.l.bf16.f32 v9;
	v52 =	vunpack.i.u.bf16.f32 v2  }
0x1c1: {  	v2 =	vunpack.i.l.bf16.f32 v2;
	v53 =	vunpack.i.u.bf16.f32 v13;
	v7 =	vadd.f32 v14, v7  }
0x1c2: {  	v13 =	vunpack.i.l.bf16.f32 v13;
	v1 =	vadd.f32 v1, v20;
	v3 =	vadd.f32 v3, v48  }
0x1c3: {  	v54 =	vunpack.i.u.bf16.f32 v10;
	v6 =	vadd.f32 v6, v49;
	v12 =	vadd.f32 v12, v50  }
0x1c4: {  	v10 =	vunpack.i.l.bf16.f32 v10;
	v9 =	vadd.f32 v9, v51;
	v2 =	vadd.f32 v2, v52  }
0x1c5: {  	v13 =	vadd.f32 v13, v53;
	v10 =	vadd.f32 v10, v54  }
0x1c6: {  	v1 =	vadd.f32 v9, v1;
	v2 =	vadd.f32 v2, v3  }
0x1c7: {  	v55 =	vadd.f32 v13, v6;
	v56 =	vadd.f32 v10, v12  }
0x1c8: {  	v4 =	vadd.f32 v5, v4;
	v7 =	vadd.f32 v8, v7  }
0x1c9: {  	v1 =	vadd.f32 v2, v1;
	v57 =	vadd.f32 v56, v55  }
0x1ca: {  	v58 =	vadd.f32 v4, v7  }
0x1cb: {  	v1 =	vadd.f32 v57, v1  }
0x1cc: {  	(xrf2) =	vadd.scan.msk.f32 $0xffff, v58  }
0x1cd: {  	(xrf2) =	vadd.scan.msk.f32 $0xffff, v1;
	_ =	sdelay $0x2  }
0x1ce: {  	v59 =	vmov s18  }
0x1cf: {  	s29 =	sadd.s32 $0x1, s18;
	v1 =	vand.u32 $0xFFFFFFFE, v59  }
0x1d0: {  	v60 =	vmov s29;
	v1 =	vbroadcast v1, $0x0  }
0x1d1: {  	s2 =	sadd.s32 $0x1, s2  }
0x1d2: {  	p0 =	sne.s32 s2, $0x19  }
.Ltmp3:
0x1d3: {  	v61, _, _ =	vpop (xrf2);
	(pc) =	sbr.rel @p0 .LBB2_2-.Ltmp3, $4  }
0x1d4: {  	[tilespmem:v0+s25+$0x0] =	vst.idx.msk vm0, v61;
	v62, _, _ =	vpop (xrf2)  }
0x1d5: {  	s3 =	sshll.u32 s3, $0x4;
	[tilespmem:v60+s25+$0x0] =	vst.idx.msk vm0, v62;
	v63, _, _ =	vpop (xrf2)  }
0x1d6: {  	s3 =	sadd.s32 s9, s3;
	[tilespmem:v1+s25+$0x0] =	vst.idx.msk vm0, v63  }
0x1d7: {  	[hbm4b:s3+s4] =	stream.linear.scatter [tilespmem:s25], [sflag:$0x9], $0x80, $0x38;
	[tilespmem:$0x18500] =	vst v63  }
0x1d8: {  	_ =	swait.ge [sflag:s10], $0x100  }
0x1d9: {  	[sflag:s10] =	ssyncset.done $0x0  }
0x1da: {  	s2 =	simm.s32 $0x8300;
	[sflag:s10] =	ssyncadd.s32 $0xFFFFFF00  }
0x1db: {  	[tilespmem:s2], [sflag:$0x6] =	stream.indirect.gather [hbm4b:s6+s26], $0x80, s31, s26, $0xb8;
	[tilespmem:$0x18500] =	vst v63  }
0x1dc: {  	s18 =	simm.s32 $0x280;
	s3 =	simm.s32 $0x14300  }
0x1dd: {  	[tilespmem:s3], [sflag:$0x6] =	stream.indirect.gather [hbm4b:s7+s26], $0x80, s18, s26, $0xb8;
	[tilespmem:$0x18500] =	vst v63  }
0x1de: {  	_ =	swait.ge [sflag:s19], $0x4000  }
0x1df: {  	[sflag:s19] =	ssyncset.done $0x0  }
0x1e0: {  	[sflag:s19] =	ssyncadd.s32 $0xFFFFC000  }
0x1e1: {  	_ =	swait.ge [sflag:s19], $0x4000  }
0x1e2: {  	[sflag:s19] =	ssyncset.done $0x0  }
0x1e3: {  	s11 =	simm.s32 $0x0;
	s24 =	rddreg [dreg:$0x7];
	[sflag:s19] =	ssyncadd.s32 $0xFFFFC000  }
0x1e4: {  	[tilespmem:s11], [sflag:$0x1] =	stream.linear.gather [hbm4b:s24+s11], $0x100, $0x38;
	[tilespmem:$0x18500] =	vst v63  }
0x1e5: {  	s24 =	simm.s32 $0x7  }
0x1e6: {  	_ =	swait.ge [sflag:s24], $0x80  }
0x1e7: {  	[sflag:s24] =	ssyncset.done $0x0  }
0x1e8: {  	s28 =	simm.s32 $0x380;
	[sflag:s24] =	ssyncadd.s32 $0xFFFFFF80  }
0x1e9: {  	s29 =	simm.s32 $0xC380;
	v0 =	vld [tilespmem:s28+$0x10]  }
0x1ea: {  	v1 =	vld [tilespmem:s29+$0x10]  }
0x1eb: {  	v2 =	vld [tilespmem:s28+$0x20]  }
0x1ec: {  	v3 =	vld [tilespmem:s29+$0x20]  }
0x1ed: {  	v4 =	vld [tilespmem:s28+$0x30]  }
0x1ee: {  	v5 =	vld [tilespmem:s29+$0x30]  }
0x1ef: {  	v6 =	vld [tilespmem:s28+$0x40]  }
0x1f0: {  	v7 =	vld [tilespmem:s29+$0x40]  }
0x1f1: {  	v8 =	vld [tilespmem:s28+$0x50]  }
0x1f2: {  	v9 =	vld [tilespmem:s29+$0x50]  }
0x1f3: {  	v10 =	vld [tilespmem:s28+$0x60]  }
0x1f4: {  	v11 =	vld [tilespmem:s29+$0x60]  }
0x1f5: {  	v12 =	vld [tilespmem:s28+$0x70]  }
0x1f6: {  	v13 =	vld [tilespmem:s29+$0x70]  }
0x1f7: {  	v14 =	vld [tilespmem:s28+$0x0]  }
0x1f8: {  	v15 =	vld [tilespmem:s29+$0x0]  }
0x1f9: {  	v16 =	vld [tilespmem:s28+$0xFFFFFF80]  }
0x1fa: {  	v17 =	vld [tilespmem:s29+$0xFFFFFF80];
	v0 =	vmul.bf16 v1, v0;
	v1 =	vmul.bf16 v3, v2  }
0x1fb: {  	v18 =	vld [tilespmem:$0x18480];
	v3 =	vmul.bf16 v5, v4;
	v4 =	vmul.bf16 v7, v6  }
0x1fc: {  	v21 =	vld [tilespmem:s29+$0xFFFFFFB0];
	v6 =	vmul.bf16 v9, v8;
	v7 =	vmul.bf16 v11, v10  }
0x1fd: {  	v54 =	vld [tilespmem:s29+$0xFFFFFFD0];
	v9 =	vmul.bf16 v13, v12;
	v10 =	vmul.bf16 v15, v14;
	v12 =	vunpack.i.u.bf16.f32 v0  }
0x1fe: {  	s3 =	simm.s32 $0xC480;
	v55 =	vld [tilespmem:s28+$0xFFFFFFE0];
	v0 =	vunpack.i.l.bf16.f32 v0;
	v13 =	vunpack.i.u.bf16.f32 v1;
	v1 =	vunpack.i.l.bf16.f32 v1  }
0x1ff: {  	v56 =	vld [tilespmem:s3+$0x20];
	v15 =	vunpack.i.u.bf16.f32 v3;
	v3 =	vunpack.i.l.bf16.f32 v3;
	v19 =	vunpack.i.u.bf16.f32 v4  }
0x200: {  	v2 =	vld [tilespmem:s28+$0xFFFFFF90];
	v4 =	vunpack.i.l.bf16.f32 v4;
	v20 =	vunpack.i.u.bf16.f32 v6;
	v6 =	vunpack.i.l.bf16.f32 v6  }
0x201: {  	v5 =	vld [tilespmem:s29+$0xFFFFFF90];
	v22 =	vunpack.i.u.bf16.f32 v7;
	v23 =	vunpack.i.u.bf16.f32 v10;
	v10 =	vunpack.i.l.bf16.f32 v10  }
0x202: {  	v8 =	vld [tilespmem:s28+$0xFFFFFFA0];
	v7 =	vunpack.i.l.bf16.f32 v7;
	v0 =	vadd.f32 v0, v12;
	v1 =	vadd.f32 v1, v13  }
0x203: {  	v11 =	vld [tilespmem:s29+$0xFFFFFFA0];
	v53 =	vunpack.i.u.bf16.f32 v9;
	v3 =	vadd.f32 v3, v15;
	v10 =	vadd.f32 v10, v23  }
0x204: {  	v14 =	vld [tilespmem:s28+$0xFFFFFFB0];
	v9 =	vunpack.i.l.bf16.f32 v9;
	v4 =	vadd.f32 v4, v19;
	v6 =	vadd.f32 v6, v20  }
0x205: {  	v12 =	vld [tilespmem:s28+$0xFFFFFFC0];
	v7 =	vadd.f32 v7, v22;
	v9 =	vadd.f32 v9, v53  }
0x206: {  	v16 =	vmul.bf16 v17, v16;
	v15 =	vld [tilespmem:s28+$0xFFFFFFD0];
	v10 =	vadd.f32 v10, v18;
	v0 =	vadd.f32 v6, v0  }
0x207: {  	v13 =	vld [tilespmem:s29+$0xFFFFFFC0];
	v2 =	vmul.bf16 v5, v2;
	v1 =	vadd.f32 v7, v1;
	v3 =	vadd.f32 v9, v3  }
0x208: {  	s2 =	simm.s32 $0x480;
	v6 =	vld [tilespmem:s29+$0xFFFFFFE0];
	v7 =	vunpack.i.u.bf16.f32 v16;
	v9 =	vunpack.i.l.bf16.f32 v16;
	v8 =	vmul.bf16 v11, v8  }
0x209: {  	v57 =	vld [tilespmem:s2+$0x30];
	v11 =	vmul.bf16 v21, v14;
	v4 =	vadd.f32 v4, v10;
	v1 =	vadd.f32 v3, v1  }
0x20a: {  	v5 =	vld [tilespmem:s28+$0xFFFFFFF0];
	v3 =	vadd.f32 v9, v7;
	v7 =	vunpack.i.u.bf16.f32 v2;
	v2 =	vunpack.i.l.bf16.f32 v2  }
0x20b: {  	v10 =	vld [tilespmem:s29+$0xFFFFFFF0];
	v9 =	vmul.bf16 v54, v15;
	v15 =	vunpack.i.u.bf16.f32 v8;
	v2 =	vadd.f32 v2, v7  }
0x20c: {  	v59 =	vld [tilespmem:s3+$0x30];
	v0 =	vadd.f32 v0, v4;
	v4 =	vmul.bf16 v13, v12;
	v3 =	vadd.f32 v3, v18  }
0x20d: {  	v60 =	vld [tilespmem:s2+$0x40];
	v6 =	vmul.bf16 v6, v55;
	v20 =	vunpack.i.u.bf16.f32 v9;
	v9 =	vunpack.i.l.bf16.f32 v9  }
0x20e: {  	v61 =	vld [tilespmem:s3+$0x40];
	v0 =	vadd.f32 v1, v0;
	v1 =	vunpack.i.l.bf16.f32 v8;
	v8 =	vunpack.i.u.bf16.f32 v11  }
0x20f: {  	v14 =	vld [tilespmem:s2+$0x10];
	v11 =	vunpack.i.l.bf16.f32 v11;
	v58 =	vunpack.i.u.bf16.f32 v4;
	v4 =	vunpack.i.l.bf16.f32 v4  }
0x210: {  	v12 =	vld [tilespmem:s3+$0x10];
	v9 =	vadd.f32 v9, v20;
	v5 =	vmul.bf16 v10, v5;
	v1 =	vadd.f32 v1, v15  }
0x211: {  	v13 =	vld [tilespmem:s2+$0x20];
	v8 =	vadd.f32 v11, v8;
	v10 =	vadd.f32 v4, v58;
	(xrf2) =	vadd.scan.msk.f32 $0xffff, v0;
	v0 =	vunpack.i.u.bf16.f32 v6  }
0x212: {  	v11 =	vld [tilespmem:s2+$0x50];
	v6 =	vunpack.i.l.bf16.f32 v6;
	v7 =	vunpack.i.u.bf16.f32 v5;
	v5 =	vunpack.i.l.bf16.f32 v5  }
0x213: {  	v15 =	vld [tilespmem:s3+$0x50];
	v0 =	vadd.f32 v6, v0;
	v6 =	vadd.f32 v5, v7  }
0x214: {  	v4 =	vld [tilespmem:s2+$0x60];
	v2 =	vadd.f32 v9, v2;
	v3 =	vadd.f32 v10, v3  }
0x215: {  	s17 =	simm.s32 $0x1;
	v9 =	vld [tilespmem:s3+$0x0];
	v0 =	vadd.f32 v0, v1;
	v1 =	vadd.f32 v6, v8  }
0x216: {  	v62 =	vmov s17;
	v5 =	vld [tilespmem:s3+$0x60]  }
0x217: {  	v7 =	vld [tilespmem:s3+$0x70];
	v2 =	vadd.f32 v2, v3;
	v0 =	vadd.f32 v1, v0;
	v1 =	vmov s11  }
0x218: {  	v6 =	vld [tilespmem:s2+$0x70];
	v3 =	vand.u32 $0xFFFFFFFE, v1  }
0x219: {  	v8 =	vld [tilespmem:s2+$0x0];
	v63 =	vadd.f32 v0, v2  }
0x21a: {  	v12 =	vmul.bf16 v12, v14;
	v13 =	vmul.bf16 v56, v13;
	v1 =	vld [tilespmem:s2+$0xFFFFFF80]  }
0x21b: {  	v10 =	vmul.bf16 v59, v57;
	v0 =	vbroadcast v3, $0x0;
	v2 =	vld [tilespmem:s3+$0xFFFFFF80];
	v3, _, _ =	vpop (xrf2);
	(xrf2) =	vadd.scan.msk.f32 $0xffff, v63  }
0x21c: {  	s17 =	simm.s32 $0x4;
	v14 =	vmul.bf16 v61, v60;
	v11 =	vmul.bf16 v15, v11;
	s11 =	simm.s32 $0x2;
	[tilespmem:v62+s20+$0x0] =	vst.idx.msk vm0, v3;
	v3 =	vld [tilespmem:s2+$0xFFFFFF90]  }
.LBB2_10:
0x21d: {  	p0 =	slt.u32 s17, $0x7E;
	v15 =	vld [tilespmem:s3+$0xFFFFFF90];
	v4 =	vmul.bf16 v5, v4;
	v5 =	vmul.bf16 v7, v6  }
0x21e: {  	v6 =	vld [tilespmem:s2+$0xFFFFFFA0];
	v7 =	vmul.bf16 v9, v8;
	v8 =	vunpack.i.u.bf16.f32 v12;
	v9 =	vunpack.i.l.bf16.f32 v12  }
0x21f: {  	v16 =	vunpack.i.u.bf16.f32 v13;
	v13 =	vunpack.i.l.bf16.f32 v13;
	v17 =	vunpack.i.u.bf16.f32 v10;
	v12 =	vld [tilespmem:s3+$0xFFFFFFA0]  }
0x220: {  	v10 =	vunpack.i.l.bf16.f32 v10;
	v19 =	vunpack.i.u.bf16.f32 v14;
	v14 =	vunpack.i.l.bf16.f32 v14;
	v18 =	vld [tilespmem:s2+$0xFFFFFFB0]  }
0x221: {  	v21 =	vunpack.i.u.bf16.f32 v11;
	v11 =	vunpack.i.l.bf16.f32 v11;
	v22 =	vunpack.i.u.bf16.f32 v4;
	v20 =	vld [tilespmem:$0x18480]  }
0x222: {  	v8 =	vadd.f32 v9, v8;
	v4 =	vunpack.i.l.bf16.f32 v4;
	v24 =	vunpack.i.u.bf16.f32 v7;
	v23 =	vld [tilespmem:s3+$0xFFFFFFB0]  }
0x223: {  	v13 =	vadd.f32 v13, v16;
	v10 =	vadd.f32 v10, v17;
	v7 =	vunpack.i.l.bf16.f32 v7;
	v9 =	vld [tilespmem:s2+$0xFFFFFFC0]  }
0x224: {  	v14 =	vadd.f32 v14, v19;
	v17 =	vunpack.i.u.bf16.f32 v5;
	v7 =	vadd.f32 v7, v24;
	v16 =	vld [tilespmem:s3+$0xFFFFFFC0]  }
0x225: {  	v11 =	vadd.f32 v11, v21;
	v5 =	vunpack.i.l.bf16.f32 v5;
	v4 =	vadd.f32 v4, v22;
	v19 =	vld [tilespmem:s2+$0xFFFFFFD0];
	v21, _, _ =	vpop (xrf2)  }
0x226: {  	v1 =	vmul.bf16 v2, v1;
	v5 =	vadd.f32 v5, v17;
	v2 =	vld [tilespmem:s3+$0xFFFFFFD0];
	v7 =	vadd.f32 v7, v20  }
0x227: {  	v8 =	vadd.f32 v11, v8;
	v3 =	vmul.bf16 v15, v3;
	v4 =	vadd.f32 v4, v13;
	v15 =	vld [tilespmem:s2+$0xFFFFFFE0]  }
0x228: {  	v11 =	vunpack.i.u.bf16.f32 v1;
	v5 =	vadd.f32 v5, v10;
	v13 =	vld [tilespmem:s3+$0xFFFFFFE0];
	v7 =	vadd.f32 v14, v7;
	[tilespmem:v0+s20+$0x0] =	vst.idx.msk vm0, v21  }
0x229: {  	v0 =	vunpack.i.l.bf16.f32 v1;
	v1 =	vmul.bf16 v12, v6;
	v6 =	vmul.bf16 v23, v18;
	v10 =	vld [tilespmem:s2+$0xFFFFFFF0]  }
0x22a: {  	v4 =	vadd.f32 v5, v4;
	v9 =	vmul.bf16 v16, v9;
	s2 =	sadd.s32 $0x100, s2;
	v12 =	vld [tilespmem:s3+$0xFFFFFFF0];
	v7 =	vadd.f32 v8, v7  }
0x22b: {  	v5 =	vunpack.i.u.bf16.f32 v3;
	v0 =	vadd.f32 v0, v11;
	s3 =	sadd.s32 $0x100, s3;
	v14 =	vld [tilespmem:s2+$0x10];
	v2 =	vmul.bf16 v2, v19  }
0x22c: {  	v3 =	vunpack.i.l.bf16.f32 v3;
	v8 =	vunpack.i.u.bf16.f32 v1;
	v11 =	vld [tilespmem:s3+$0x10];
	v4 =	vadd.f32 v4, v7  }
0x22d: {  	v1 =	vunpack.i.l.bf16.f32 v1;
	v7 =	vunpack.i.u.bf16.f32 v6;
	v16 =	vld [tilespmem:s2+$0x20];
	v13 =	vmul.bf16 v13, v15  }
0x22e: {  	v17 =	vunpack.i.u.bf16.f32 v9;
	v9 =	vunpack.i.l.bf16.f32 v9;
	v6 =	vunpack.i.l.bf16.f32 v6;
	v15 =	vld [tilespmem:s3+$0x20];
	(xrf2) =	vadd.scan.msk.f32 $0xffff, v4  }
0x22f: {  	v4 =	vunpack.i.u.bf16.f32 v2;
	v2 =	vunpack.i.l.bf16.f32 v2;
	v18 =	vld [tilespmem:s2+$0x30];
	v10 =	vmul.bf16 v12, v10  }
0x230: {  	v0 =	vadd.f32 v0, v20;
	v12 =	vunpack.i.u.bf16.f32 v13;
	v13 =	vunpack.i.l.bf16.f32 v13;
	v19 =	vld [tilespmem:s3+$0x30]  }
0x231: {  	v3 =	vadd.f32 v3, v5;
	v20 =	vld [tilespmem:s2+$0x40];
	v5 =	vunpack.i.u.bf16.f32 v10;
	v10 =	vunpack.i.l.bf16.f32 v10  }
0x232: {  	v1 =	vadd.f32 v1, v8;
	v6 =	vadd.f32 v6, v7;
	v21 =	vld [tilespmem:s3+$0x40]  }
0x233: {  	s18 =	sadd.s32 $0x1, s11;
	v7 =	vadd.f32 v9, v17;
	v2 =	vadd.f32 v2, v4;
	v22 =	vld [tilespmem:s2+$0x50]  }
0x234: {  	v8 =	vadd.f32 v13, v12;
	v9 =	vadd.f32 v10, v5;
	v10 =	vmov s18;
	v17 =	vld [tilespmem:s3+$0x50]  }
0x235: {  	v0 =	vadd.f32 v7, v0;
	v12 =	vadd.f32 v2, v3;
	v4 =	vld [tilespmem:s2+$0x60]  }
0x236: {  	v1 =	vadd.f32 v8, v1;
	v3 =	vadd.f32 v9, v6;
	v5 =	vld [tilespmem:s3+$0x60]  }
0x237: {  	v0 =	vadd.f32 v12, v0;
	v6 =	vld [tilespmem:s2+$0x70]  }
0x238: {  	v1 =	vadd.f32 v3, v1;
	v7 =	vld [tilespmem:s3+$0x70];
	v2, _, _ =	vpop (xrf2)  }
.Ltmp4:
0x239: {  	v3 =	vmov s11;
	s11 =	smov.u32 s17;
	v8 =	vld [tilespmem:s2+$0x0];
	[tilespmem:v10+s20+$0x0] =	vst.idx.msk vm0, v2;
	(pc) =	sbr.rel @p0 .LBB2_10-.Ltmp4, $4  }
0x23a: {  	v23 =	vadd.f32 v1, v0;
	v0 =	vand.u32 $0xFFFFFFFE, v3;
	v9 =	vld [tilespmem:s3+$0x0]  }
0x23b: {  	v12 =	vmul.bf16 v11, v14;
	v0 =	vbroadcast v0, $0x0;
	v1 =	vld [tilespmem:s2+$0xFFFFFF80]  }
0x23c: {  	v13 =	vmul.bf16 v15, v16;
	v10 =	vmul.bf16 v19, v18;
	v2 =	vld [tilespmem:s3+$0xFFFFFF80];
	(xrf2) =	vadd.scan.msk.f32 $0xffff, v23  }
0x23d: {  	s17 =	sadd.s32 $0x2, s17;
	v14 =	vmul.bf16 v21, v20;
	v11 =	vmul.bf16 v17, v22;
	v3 =	vld [tilespmem:s2+$0xFFFFFF90]  }
0x23e: {  	v15 =	vld [tilespmem:s3+$0xFFFFFF90];
	v4 =	vmul.bf16 v5, v4;
	v5 =	vmul.bf16 v7, v6;
	v16 =	vunpack.i.u.bf16.f32 v13  }
0x23f: {  	v6 =	vld [tilespmem:s2+$0xFFFFFFA0];
	v13 =	vunpack.i.l.bf16.f32 v13;
	v17 =	vunpack.i.u.bf16.f32 v10;
	v10 =	vunpack.i.l.bf16.f32 v10  }
0x240: {  	v18 =	vld [tilespmem:s2+$0xFFFFFFB0];
	v7 =	vmul.bf16 v9, v8;
	v8 =	vunpack.i.u.bf16.f32 v12;
	v9 =	vunpack.i.l.bf16.f32 v12  }
0x241: {  	v20 =	vld [tilespmem:$0x18480];
	v19 =	vunpack.i.u.bf16.f32 v14;
	v14 =	vunpack.i.l.bf16.f32 v14;
	v21 =	vunpack.i.u.bf16.f32 v11  }
0x242: {  	v23 =	vld [tilespmem:s3+$0xFFFFFFB0];
	v11 =	vunpack.i.l.bf16.f32 v11;
	v13 =	vadd.f32 v13, v16;
	v10 =	vadd.f32 v10, v17  }
0x243: {  	v38 =	vld [tilespmem:s3+$0xFFFFFFC0];
	v22 =	vunpack.i.u.bf16.f32 v4;
	v8 =	vadd.f32 v9, v8;
	v4 =	vunpack.i.l.bf16.f32 v4  }
0x244: {  	v12 =	vld [tilespmem:s3+$0xFFFFFFA0];
	v14 =	vadd.f32 v14, v19;
	v39 =	vunpack.i.u.bf16.f32 v5;
	v11 =	vadd.f32 v11, v21  }
0x245: {  	v9 =	vld [tilespmem:s2+$0xFFFFFFC0];
	v5 =	vunpack.i.l.bf16.f32 v5;
	v24 =	vunpack.i.u.bf16.f32 v7;
	v7 =	vunpack.i.l.bf16.f32 v7  }
0x246: {  	v40 =	vld [tilespmem:s2+$0xFFFFFFD0];
	v4 =	vadd.f32 v4, v22;
	v1 =	vmul.bf16 v2, v1;
	v5 =	vadd.f32 v5, v39  }
0x247: {  	v2 =	vld [tilespmem:s3+$0xFFFFFFD0];
	v7 =	vadd.f32 v7, v24;
	v8 =	vadd.f32 v11, v8;
	v3 =	vmul.bf16 v15, v3  }
0x248: {  	v15 =	vld [tilespmem:s2+$0xFFFFFFE0];
	v4 =	vadd.f32 v4, v13;
	v11 =	vunpack.i.u.bf16.f32 v1;
	v5 =	vadd.f32 v5, v10  }
0x249: {  	v13 =	vld [tilespmem:s3+$0xFFFFFFE0];
	v1 =	vunpack.i.l.bf16.f32 v1;
	v7 =	vadd.f32 v7, v20;
	v6 =	vmul.bf16 v12, v6  }
0x24a: {  	v10 =	vld [tilespmem:s2+$0xFFFFFFF0];
	v12 =	vmul.bf16 v23, v18;
	v1 =	vadd.f32 v1, v11;
	v9 =	vmul.bf16 v38, v9  }
0x24b: {  	v11 =	vunpack.i.u.bf16.f32 v3;
	v3 =	vunpack.i.l.bf16.f32 v3;
	v7 =	vadd.f32 v14, v7;
	v14 =	vld [tilespmem:s3+$0xFFFFFFF0]  }
0x24c: {  	v41 =	vunpack.i.u.bf16.f32 v6;
	v6 =	vunpack.i.l.bf16.f32 v6;
	v42 =	vunpack.i.u.bf16.f32 v12  }
0x24d: {  	v12 =	vunpack.i.l.bf16.f32 v12;
	v1 =	vadd.f32 v1, v20;
	v3 =	vadd.f32 v3, v11  }
0x24e: {  	v2 =	vmul.bf16 v2, v40;
	v6 =	vadd.f32 v6, v41;
	v12 =	vadd.f32 v12, v42  }
0x24f: {  	v13 =	vmul.bf16 v13, v15;
	v15 =	vunpack.i.u.bf16.f32 v9;
	v9 =	vunpack.i.l.bf16.f32 v9  }
0x250: {  	v43 =	vunpack.i.u.bf16.f32 v2;
	v2 =	vunpack.i.l.bf16.f32 v2;
	v10 =	vmul.bf16 v14, v10  }
0x251: {  	v9 =	vadd.f32 v9, v15;
	v2 =	vadd.f32 v2, v43;
	v14 =	vunpack.i.u.bf16.f32 v13  }
0x252: {  	v13 =	vunpack.i.l.bf16.f32 v13;
	v11 =	vunpack.i.u.bf16.f32 v10;
	v10 =	vunpack.i.l.bf16.f32 v10  }
0x253: {  	v13 =	vadd.f32 v13, v14;
	v10 =	vadd.f32 v10, v11  }
0x254: {  	v1 =	vadd.f32 v9, v1;
	v2 =	vadd.f32 v2, v3  }
0x255: {  	v3 =	vadd.f32 v13, v6;
	v6 =	vadd.f32 v10, v12  }
0x256: {  	v4 =	vadd.f32 v5, v4;
	v7 =	vadd.f32 v8, v7  }
0x257: {  	v1 =	vadd.f32 v2, v1;
	v2 =	vadd.f32 v6, v3  }
0x258: {  	v3 =	vadd.f32 v4, v7  }
0x259: {  	v1 =	vadd.f32 v2, v1  }
0x25a: {  	(xrf2) =	vadd.scan.msk.f32 $0xffff, v3  }
0x25b: {  	(xrf2) =	vadd.scan.msk.f32 $0xffff, v1;
	_ =	sdelay $0x2  }
0x25c: {  	v1 =	vmov s11  }
0x25d: {  	s17 =	sadd.s32 $0x1, s11;
	v1 =	vand.u32 $0xFFFFFFFE, v1  }
0x25e: {  	v2 =	vmov s17;
	v1 =	vbroadcast v1, $0x0;
	_ =	sdelay $0x2  }
0x25f: {  	v3, _, _ =	vpop (xrf2)  }
0x260: {  	[tilespmem:v0+s20+$0x0] =	vst.idx.msk vm0, v3;
	v4, _, _ =	vpop (xrf2)  }
0x261: {  	[tilespmem:v2+s20+$0x0] =	vst.idx.msk vm0, v4;
	v0, _, _ =	vpop (xrf2)  }
0x262: {  	[tilespmem:v1+s20+$0x0] =	vst.idx.msk vm0, v0  }
0x263: {  	s11 =	simm.s32 $0x0;
	s18 =	rddreg [dreg:$0x8]  }
0x264: {  	[hbm4b:s18+s11] =	stream.linear.scatter [tilespmem:s20], [sflag:$0x7], $0x80, $0x38;
	[tilespmem:$0x18500] =	vst v63  }
0x265: {  	_ =	swait.ge [sflag:s21], $0x100  }
0x266: {  	[sflag:s21] =	ssyncset.done $0x0  }
0x267: {  	s29 =	simm.s32 $0x300;
	[sflag:s21] =	ssyncadd.s32 $0xFFFFFF00  }
0x268: {  	[tilespmem:s29], [sflag:$0x4] =	stream.indirect.gather [hbm4b:s6+s26], $0x80, s11, s26, $0xb8;
	[tilespmem:$0x18500] =	vst v63  }
0x269: {  	s3 =	simm.s32 $0xC300  }
0x26a: {  	[tilespmem:s3], [sflag:$0x4] =	stream.indirect.gather [hbm4b:s7+s26], $0x80, s26, s26, $0xb8;
	[tilespmem:$0x18500] =	vst v63  }
0x26b: {  	_ =	swait.ge [sflag:s22], $0x4000  }
0x26c: {  	[sflag:s22] =	ssyncset.done $0x0  }
0x26d: {  	[sflag:s22] =	ssyncadd.s32 $0xFFFFC000  }
0x26e: {  	_ =	swait.ge [sflag:s22], $0x4000  }
0x26f: {  	[sflag:s22] =	ssyncset.done $0x0  }
0x270: {  	s28 =	simm.s32 $0x8;
	s17 =	rddreg [dreg:$0x9];
	[sflag:s22] =	ssyncadd.s32 $0xFFFFC000  }
0x271: {  	[tilespmem:s30], [sflag:$0x2] =	stream.linear.gather [hbm4b:s17+s11], $0x100, $0x38;
	[tilespmem:$0x18500] =	vst v63  }
0x272: {  	_ =	swait.ge [sflag:s28], $0x80  }
0x273: {  	[sflag:s28] =	ssyncset.done $0x0  }
0x274: {  	s18 =	simm.s32 $0x4380;
	[sflag:s28] =	ssyncadd.s32 $0xFFFFFF80  }
0x275: {  	s29 =	simm.s32 $0x10380;
	v0 =	vld [tilespmem:s18+$0x10]  }
0x276: {  	v1 =	vld [tilespmem:s29+$0x10]  }
0x277: {  	v2 =	vld [tilespmem:s18+$0x20]  }
0x278: {  	v3 =	vld [tilespmem:s29+$0x20]  }
0x279: {  	v4 =	vld [tilespmem:s18+$0x30]  }
0x27a: {  	v5 =	vld [tilespmem:s29+$0x30]  }
0x27b: {  	v6 =	vld [tilespmem:s18+$0x40]  }
0x27c: {  	v7 =	vld [tilespmem:s29+$0x40]  }
0x27d: {  	v8 =	vld [tilespmem:s18+$0x50]  }
0x27e: {  	v9 =	vld [tilespmem:s29+$0x50]  }
0x27f: {  	v10 =	vld [tilespmem:s18+$0x60]  }
0x280: {  	v11 =	vld [tilespmem:s29+$0x60]  }
0x281: {  	v12 =	vld [tilespmem:s18+$0x70]  }
0x282: {  	v13 =	vld [tilespmem:s29+$0x70]  }
0x283: {  	v14 =	vld [tilespmem:s18+$0x0]  }
0x284: {  	v15 =	vld [tilespmem:s29+$0x0]  }
0x285: {  	v44 =	vld [tilespmem:s18+$0xFFFFFF80]  }
0x286: {  	v45 =	vld [tilespmem:s29+$0xFFFFFF80];
	v0 =	vmul.bf16 v1, v0;
	v1 =	vmul.bf16 v3, v2  }
0x287: {  	v46 =	vld [tilespmem:$0x18480];
	v3 =	vmul.bf16 v5, v4;
	v4 =	vmul.bf16 v7, v6  }
0x288: {  	v49 =	vld [tilespmem:s29+$0xFFFFFFB0];
	v6 =	vmul.bf16 v9, v8;
	v7 =	vmul.bf16 v11, v10  }
0x289: {  	v52 =	vld [tilespmem:s18+$0xFFFFFFC0];
	v9 =	vmul.bf16 v13, v12;
	v10 =	vmul.bf16 v15, v14;
	v12 =	vunpack.i.u.bf16.f32 v0  }
0x28a: {  	v53 =	vld [tilespmem:s29+$0xFFFFFFD0];
	v0 =	vunpack.i.l.bf16.f32 v0;
	v13 =	vunpack.i.u.bf16.f32 v1;
	v1 =	vunpack.i.l.bf16.f32 v1  }
0x28b: {  	v2 =	vld [tilespmem:s18+$0xFFFFFF90];
	v15 =	vunpack.i.u.bf16.f32 v3;
	v3 =	vunpack.i.l.bf16.f32 v3;
	v47 =	vunpack.i.u.bf16.f32 v4  }
0x28c: {  	v5 =	vld [tilespmem:s29+$0xFFFFFF90];
	v4 =	vunpack.i.l.bf16.f32 v4;
	v48 =	vunpack.i.u.bf16.f32 v6;
	v6 =	vunpack.i.l.bf16.f32 v6  }
0x28d: {  	v8 =	vld [tilespmem:s18+$0xFFFFFFA0];
	v50 =	vunpack.i.u.bf16.f32 v7;
	v51 =	vunpack.i.u.bf16.f32 v10;
	v0 =	vadd.f32 v0, v12  }
0x28e: {  	v11 =	vld [tilespmem:s29+$0xFFFFFFA0];
	v10 =	vunpack.i.l.bf16.f32 v10;
	v1 =	vadd.f32 v1, v13;
	v3 =	vadd.f32 v3, v15  }
0x28f: {  	v14 =	vld [tilespmem:s18+$0xFFFFFFB0];
	v7 =	vunpack.i.l.bf16.f32 v7;
	v10 =	vadd.f32 v10, v51;
	v4 =	vadd.f32 v4, v47  }
0x290: {  	v54 =	vld [tilespmem:s18+$0xFFFFFFE0];
	v15 =	vunpack.i.u.bf16.f32 v9;
	v6 =	vadd.f32 v6, v48;
	v9 =	vunpack.i.l.bf16.f32 v9  }
0x291: {  	v12 =	vld [tilespmem:s29+$0xFFFFFFC0];
	v7 =	vadd.f32 v7, v50;
	v9 =	vadd.f32 v9, v15  }
0x292: {  	v16 =	vmul.bf16 v45, v44;
	v13 =	vld [tilespmem:s18+$0xFFFFFFD0];
	v10 =	vadd.f32 v10, v46;
	v0 =	vadd.f32 v6, v0  }
0x293: {  	s3 =	simm.s32 $0x10480;
	v6 =	vld [tilespmem:s29+$0xFFFFFFE0];
	v2 =	vmul.bf16 v5, v2;
	v1 =	vadd.f32 v7, v1;
	v8 =	vmul.bf16 v11, v8  }
0x294: {  	s2 =	simm.s32 $0x4480;
	v55 =	vld [tilespmem:s3+$0x20];
	v7 =	vunpack.i.u.bf16.f32 v16;
	v11 =	vmul.bf16 v49, v14;
	v3 =	vadd.f32 v9, v3  }
0x295: {  	v56 =	vld [tilespmem:s2+$0x30];
	v9 =	vunpack.i.l.bf16.f32 v16;
	v4 =	vadd.f32 v4, v10;
	v15 =	vunpack.i.u.bf16.f32 v8  }
0x296: {  	v5 =	vld [tilespmem:s18+$0xFFFFFFF0];
	v1 =	vadd.f32 v3, v1;
	v3 =	vadd.f32 v9, v7;
	v7 =	vunpack.i.u.bf16.f32 v2  }
0x297: {  	v10 =	vld [tilespmem:s29+$0xFFFFFFF0];
	v9 =	vmul.bf16 v53, v13;
	v2 =	vunpack.i.l.bf16.f32 v2;
	v0 =	vadd.f32 v0, v4  }
0x298: {  	v59 =	vld [tilespmem:s3+$0x30];
	v4 =	vmul.bf16 v12, v52;
	v2 =	vadd.f32 v2, v7;
	v6 =	vmul.bf16 v6, v54  }
0x299: {  	v60 =	vld [tilespmem:s2+$0x40];
	v58 =	vunpack.i.u.bf16.f32 v9;
	v9 =	vunpack.i.l.bf16.f32 v9;
	v3 =	vadd.f32 v3, v46  }
0x29a: {  	v61 =	vld [tilespmem:s3+$0x40];
	v0 =	vadd.f32 v1, v0;
	v1 =	vunpack.i.l.bf16.f32 v8;
	v8 =	vunpack.i.u.bf16.f32 v11  }
0x29b: {  	v14 =	vld [tilespmem:s2+$0x10];
	v11 =	vunpack.i.l.bf16.f32 v11;
	v57 =	vunpack.i.u.bf16.f32 v4;
	v4 =	vunpack.i.l.bf16.f32 v4  }
0x29c: {  	v13 =	vld [tilespmem:s2+$0x20];
	v9 =	vadd.f32 v9, v58;
	v5 =	vmul.bf16 v10, v5;
	v1 =	vadd.f32 v1, v15  }
0x29d: {  	v12 =	vld [tilespmem:s3+$0x10];
	v8 =	vadd.f32 v11, v8;
	v10 =	vadd.f32 v4, v57;
	(xrf2) =	vadd.scan.msk.f32 $0xffff, v0;
	v0 =	vunpack.i.u.bf16.f32 v6  }
0x29e: {  	v11 =	vld [tilespmem:s2+$0x50];
	v6 =	vunpack.i.l.bf16.f32 v6;
	v7 =	vunpack.i.u.bf16.f32 v5;
	v5 =	vunpack.i.l.bf16.f32 v5  }
0x29f: {  	v15 =	vld [tilespmem:s3+$0x50];
	v0 =	vadd.f32 v6, v0;
	v6 =	vadd.f32 v5, v7  }
0x2a0: {  	v4 =	vld [tilespmem:s2+$0x60];
	v2 =	vadd.f32 v9, v2;
	v3 =	vadd.f32 v10, v3  }
0x2a1: {  	s17 =	simm.s32 $0x1;
	v9 =	vld [tilespmem:s3+$0x0];
	v0 =	vadd.f32 v0, v1;
	v1 =	vadd.f32 v6, v8  }
0x2a2: {  	v62 =	vmov s17;
	v5 =	vld [tilespmem:s3+$0x60]  }
0x2a3: {  	v7 =	vld [tilespmem:s3+$0x70];
	v2 =	vadd.f32 v2, v3;
	v0 =	vadd.f32 v1, v0;
	v1 =	vmov s11  }
0x2a4: {  	v6 =	vld [tilespmem:s2+$0x70];
	v3 =	vand.u32 $0xFFFFFFFE, v1  }
0x2a5: {  	v8 =	vld [tilespmem:s2+$0x0];
	v63 =	vadd.f32 v0, v2  }
0x2a6: {  	v13 =	vmul.bf16 v55, v13;
	v12 =	vmul.bf16 v12, v14;
	v1 =	vld [tilespmem:s2+$0xFFFFFF80]  }
0x2a7: {  	v10 =	vmul.bf16 v59, v56;
	v0 =	vbroadcast v3, $0x0;
	v2 =	vld [tilespmem:s3+$0xFFFFFF80];
	v3, _, _ =	vpop (xrf2);
	(xrf2) =	vadd.scan.msk.f32 $0xffff, v63  }
0x2a8: {  	s17 =	simm.s32 $0x4;
	v14 =	vmul.bf16 v61, v60;
	v11 =	vmul.bf16 v15, v11;
	s11 =	simm.s32 $0x2;
	[tilespmem:v62+s23+$0x0] =	vst.idx.msk vm0, v3;
	v3 =	vld [tilespmem:s2+$0xFFFFFF90]  }
.LBB2_12:
0x2a9: {  	p0 =	slt.u32 s17, $0x7E;
	v15 =	vld [tilespmem:s3+$0xFFFFFF90];
	v4 =	vmul.bf16 v5, v4;
	v5 =	vmul.bf16 v7, v6  }
0x2aa: {  	v6 =	vld [tilespmem:s2+$0xFFFFFFA0];
	v7 =	vmul.bf16 v9, v8;
	v8 =	vunpack.i.u.bf16.f32 v12;
	v9 =	vunpack.i.l.bf16.f32 v12  }
0x2ab: {  	v16 =	vunpack.i.u.bf16.f32 v13;
	v13 =	vunpack.i.l.bf16.f32 v13;
	v17 =	vunpack.i.u.bf16.f32 v10;
	v12 =	vld [tilespmem:s3+$0xFFFFFFA0]  }
0x2ac: {  	v10 =	vunpack.i.l.bf16.f32 v10;
	v19 =	vunpack.i.u.bf16.f32 v14;
	v14 =	vunpack.i.l.bf16.f32 v14;
	v18 =	vld [tilespmem:s2+$0xFFFFFFB0]  }
0x2ad: {  	v21 =	vunpack.i.u.bf16.f32 v11;
	v11 =	vunpack.i.l.bf16.f32 v11;
	v22 =	vunpack.i.u.bf16.f32 v4;
	v20 =	vld [tilespmem:$0x18480]  }
0x2ae: {  	v8 =	vadd.f32 v9, v8;
	v4 =	vunpack.i.l.bf16.f32 v4;
	v24 =	vunpack.i.u.bf16.f32 v7;
	v23 =	vld [tilespmem:s3+$0xFFFFFFB0]  }
0x2af: {  	v13 =	vadd.f32 v13, v16;
	v10 =	vadd.f32 v10, v17;
	v7 =	vunpack.i.l.bf16.f32 v7;
	v9 =	vld [tilespmem:s2+$0xFFFFFFC0]  }
0x2b0: {  	v14 =	vadd.f32 v14, v19;
	v17 =	vunpack.i.u.bf16.f32 v5;
	v7 =	vadd.f32 v7, v24;
	v16 =	vld [tilespmem:s3+$0xFFFFFFC0]  }
0x2b1: {  	v11 =	vadd.f32 v11, v21;
	v5 =	vunpack.i.l.bf16.f32 v5;
	v4 =	vadd.f32 v4, v22;
	v19 =	vld [tilespmem:s2+$0xFFFFFFD0];
	v21, _, _ =	vpop (xrf2)  }
0x2b2: {  	v1 =	vmul.bf16 v2, v1;
	v5 =	vadd.f32 v5, v17;
	v2 =	vld [tilespmem:s3+$0xFFFFFFD0];
	v7 =	vadd.f32 v7, v20  }
0x2b3: {  	v8 =	vadd.f32 v11, v8;
	v3 =	vmul.bf16 v15, v3;
	v4 =	vadd.f32 v4, v13;
	v15 =	vld [tilespmem:s2+$0xFFFFFFE0]  }
0x2b4: {  	v11 =	vunpack.i.u.bf16.f32 v1;
	v5 =	vadd.f32 v5, v10;
	v13 =	vld [tilespmem:s3+$0xFFFFFFE0];
	v7 =	vadd.f32 v14, v7;
	[tilespmem:v0+s23+$0x0] =	vst.idx.msk vm0, v21  }
0x2b5: {  	v0 =	vunpack.i.l.bf16.f32 v1;
	v1 =	vmul.bf16 v12, v6;
	v6 =	vmul.bf16 v23, v18;
	v10 =	vld [tilespmem:s2+$0xFFFFFFF0]  }
0x2b6: {  	v4 =	vadd.f32 v5, v4;
	v9 =	vmul.bf16 v16, v9;
	s2 =	sadd.s32 $0x100, s2;
	v12 =	vld [tilespmem:s3+$0xFFFFFFF0];
	v7 =	vadd.f32 v8, v7  }
0x2b7: {  	v5 =	vunpack.i.u.bf16.f32 v3;
	v0 =	vadd.f32 v0, v11;
	s3 =	sadd.s32 $0x100, s3;
	v14 =	vld [tilespmem:s2+$0x10];
	v2 =	vmul.bf16 v2, v19  }
0x2b8: {  	v3 =	vunpack.i.l.bf16.f32 v3;
	v8 =	vunpack.i.u.bf16.f32 v1;
	v11 =	vld [tilespmem:s3+$0x10];
	v4 =	vadd.f32 v4, v7  }
0x2b9: {  	v1 =	vunpack.i.l.bf16.f32 v1;
	v7 =	vunpack.i.u.bf16.f32 v6;
	v16 =	vld [tilespmem:s2+$0x20];
	v13 =	vmul.bf16 v13, v15  }
0x2ba: {  	v17 =	vunpack.i.u.bf16.f32 v9;
	v9 =	vunpack.i.l.bf16.f32 v9;
	v6 =	vunpack.i.l.bf16.f32 v6;
	v15 =	vld [tilespmem:s3+$0x20];
	(xrf2) =	vadd.scan.msk.f32 $0xffff, v4  }
0x2bb: {  	v4 =	vunpack.i.u.bf16.f32 v2;
	v2 =	vunpack.i.l.bf16.f32 v2;
	v18 =	vld [tilespmem:s2+$0x30];
	v10 =	vmul.bf16 v12, v10  }
0x2bc: {  	v0 =	vadd.f32 v0, v20;
	v12 =	vunpack.i.u.bf16.f32 v13;
	v13 =	vunpack.i.l.bf16.f32 v13;
	v19 =	vld [tilespmem:s3+$0x30]  }
0x2bd: {  	v3 =	vadd.f32 v3, v5;
	v20 =	vld [tilespmem:s2+$0x40];
	v5 =	vunpack.i.u.bf16.f32 v10;
	v10 =	vunpack.i.l.bf16.f32 v10  }
0x2be: {  	v1 =	vadd.f32 v1, v8;
	v6 =	vadd.f32 v6, v7;
	v21 =	vld [tilespmem:s3+$0x40]  }
0x2bf: {  	s18 =	sadd.s32 $0x1, s11;
	v7 =	vadd.f32 v9, v17;
	v2 =	vadd.f32 v2, v4;
	v22 =	vld [tilespmem:s2+$0x50]  }
0x2c0: {  	v8 =	vadd.f32 v13, v12;
	v9 =	vadd.f32 v10, v5;
	v10 =	vmov s18;
	v17 =	vld [tilespmem:s3+$0x50]  }
0x2c1: {  	v0 =	vadd.f32 v7, v0;
	v12 =	vadd.f32 v2, v3;
	v4 =	vld [tilespmem:s2+$0x60]  }
0x2c2: {  	v1 =	vadd.f32 v8, v1;
	v3 =	vadd.f32 v9, v6;
	v5 =	vld [tilespmem:s3+$0x60]  }
0x2c3: {  	v0 =	vadd.f32 v12, v0;
	v6 =	vld [tilespmem:s2+$0x70]  }
0x2c4: {  	v1 =	vadd.f32 v3, v1;
	v7 =	vld [tilespmem:s3+$0x70];
	v2, _, _ =	vpop (xrf2)  }
.Ltmp5:
0x2c5: {  	v3 =	vmov s11;
	s11 =	smov.u32 s17;
	v8 =	vld [tilespmem:s2+$0x0];
	[tilespmem:v10+s23+$0x0] =	vst.idx.msk vm0, v2;
	(pc) =	sbr.rel @p0 .LBB2_12-.Ltmp5, $4  }
0x2c6: {  	v23 =	vadd.f32 v1, v0;
	v0 =	vand.u32 $0xFFFFFFFE, v3;
	v9 =	vld [tilespmem:s3+$0x0]  }
0x2c7: {  	v12 =	vmul.bf16 v11, v14;
	v0 =	vbroadcast v0, $0x0;
	v1 =	vld [tilespmem:s2+$0xFFFFFF80]  }
0x2c8: {  	v13 =	vmul.bf16 v15, v16;
	v10 =	vmul.bf16 v19, v18;
	v2 =	vld [tilespmem:s3+$0xFFFFFF80];
	(xrf2) =	vadd.scan.msk.f32 $0xffff, v23  }
0x2c9: {  	s17 =	sadd.s32 $0x2, s17;
	v14 =	vmul.bf16 v21, v20;
	v11 =	vmul.bf16 v17, v22;
	v3 =	vld [tilespmem:s2+$0xFFFFFF90]  }
0x2ca: {  	v15 =	vld [tilespmem:s3+$0xFFFFFF90];
	v4 =	vmul.bf16 v5, v4;
	v5 =	vmul.bf16 v7, v6;
	v16 =	vunpack.i.u.bf16.f32 v13  }
0x2cb: {  	v6 =	vld [tilespmem:s2+$0xFFFFFFA0];
	v13 =	vunpack.i.l.bf16.f32 v13;
	v17 =	vunpack.i.u.bf16.f32 v10;
	v10 =	vunpack.i.l.bf16.f32 v10  }
0x2cc: {  	v18 =	vld [tilespmem:s2+$0xFFFFFFB0];
	v7 =	vmul.bf16 v9, v8;
	v8 =	vunpack.i.u.bf16.f32 v12;
	v9 =	vunpack.i.l.bf16.f32 v12  }
0x2cd: {  	v20 =	vld [tilespmem:$0x18480];
	v19 =	vunpack.i.u.bf16.f32 v14;
	v14 =	vunpack.i.l.bf16.f32 v14;
	v21 =	vunpack.i.u.bf16.f32 v11  }
0x2ce: {  	v23 =	vld [tilespmem:s3+$0xFFFFFFB0];
	v11 =	vunpack.i.l.bf16.f32 v11;
	v13 =	vadd.f32 v13, v16;
	v10 =	vadd.f32 v10, v17  }
0x2cf: {  	v38 =	vld [tilespmem:s3+$0xFFFFFFC0];
	v22 =	vunpack.i.u.bf16.f32 v4;
	v8 =	vadd.f32 v9, v8;
	v4 =	vunpack.i.l.bf16.f32 v4  }
0x2d0: {  	v12 =	vld [tilespmem:s3+$0xFFFFFFA0];
	v14 =	vadd.f32 v14, v19;
	v39 =	vunpack.i.u.bf16.f32 v5;
	v11 =	vadd.f32 v11, v21  }
0x2d1: {  	v9 =	vld [tilespmem:s2+$0xFFFFFFC0];
	v5 =	vunpack.i.l.bf16.f32 v5;
	v24 =	vunpack.i.u.bf16.f32 v7;
	v7 =	vunpack.i.l.bf16.f32 v7  }
0x2d2: {  	v40 =	vld [tilespmem:s2+$0xFFFFFFD0];
	v4 =	vadd.f32 v4, v22;
	v1 =	vmul.bf16 v2, v1;
	v5 =	vadd.f32 v5, v39  }
0x2d3: {  	v2 =	vld [tilespmem:s3+$0xFFFFFFD0];
	v7 =	vadd.f32 v7, v24;
	v8 =	vadd.f32 v11, v8;
	v3 =	vmul.bf16 v15, v3  }
0x2d4: {  	v15 =	vld [tilespmem:s2+$0xFFFFFFE0];
	v4 =	vadd.f32 v4, v13;
	v11 =	vunpack.i.u.bf16.f32 v1;
	v5 =	vadd.f32 v5, v10  }
0x2d5: {  	v13 =	vld [tilespmem:s3+$0xFFFFFFE0];
	v1 =	vunpack.i.l.bf16.f32 v1;
	v7 =	vadd.f32 v7, v20;
	v6 =	vmul.bf16 v12, v6  }
0x2d6: {  	v10 =	vld [tilespmem:s2+$0xFFFFFFF0];
	v12 =	vmul.bf16 v23, v18;
	v1 =	vadd.f32 v1, v11;
	v9 =	vmul.bf16 v38, v9  }
0x2d7: {  	v11 =	vunpack.i.u.bf16.f32 v3;
	v3 =	vunpack.i.l.bf16.f32 v3;
	v7 =	vadd.f32 v14, v7;
	v14 =	vld [tilespmem:s3+$0xFFFFFFF0]  }
0x2d8: {  	v41 =	vunpack.i.u.bf16.f32 v6;
	v6 =	vunpack.i.l.bf16.f32 v6;
	v42 =	vunpack.i.u.bf16.f32 v12  }
0x2d9: {  	v12 =	vunpack.i.l.bf16.f32 v12;
	v1 =	vadd.f32 v1, v20;
	v3 =	vadd.f32 v3, v11  }
0x2da: {  	v2 =	vmul.bf16 v2, v40;
	v6 =	vadd.f32 v6, v41;
	v12 =	vadd.f32 v12, v42  }
0x2db: {  	v13 =	vmul.bf16 v13, v15;
	v15 =	vunpack.i.u.bf16.f32 v9;
	v9 =	vunpack.i.l.bf16.f32 v9  }
0x2dc: {  	v43 =	vunpack.i.u.bf16.f32 v2;
	v2 =	vunpack.i.l.bf16.f32 v2;
	v10 =	vmul.bf16 v14, v10  }
0x2dd: {  	v9 =	vadd.f32 v9, v15;
	v2 =	vadd.f32 v2, v43;
	v14 =	vunpack.i.u.bf16.f32 v13  }
0x2de: {  	v13 =	vunpack.i.l.bf16.f32 v13;
	v11 =	vunpack.i.u.bf16.f32 v10;
	v10 =	vunpack.i.l.bf16.f32 v10  }
0x2df: {  	v13 =	vadd.f32 v13, v14;
	v10 =	vadd.f32 v10, v11  }
0x2e0: {  	v1 =	vadd.f32 v9, v1;
	v2 =	vadd.f32 v2, v3  }
0x2e1: {  	v3 =	vadd.f32 v13, v6;
	v6 =	vadd.f32 v10, v12  }
0x2e2: {  	v4 =	vadd.f32 v5, v4;
	v7 =	vadd.f32 v8, v7  }
0x2e3: {  	v1 =	vadd.f32 v2, v1;
	v2 =	vadd.f32 v6, v3  }
0x2e4: {  	v3 =	vadd.f32 v4, v7  }
0x2e5: {  	v1 =	vadd.f32 v2, v1  }
0x2e6: {  	(xrf2) =	vadd.scan.msk.f32 $0xffff, v3  }
0x2e7: {  	(xrf2) =	vadd.scan.msk.f32 $0xffff, v1;
	_ =	sdelay $0x2  }
0x2e8: {  	v1 =	vmov s11  }
0x2e9: {  	s29 =	sadd.s32 $0x1, s11;
	v1 =	vand.u32 $0xFFFFFFFE, v1  }
0x2ea: {  	v2 =	vmov s29;
	v1 =	vbroadcast v1, $0x0;
	_ =	sdelay $0x2  }
0x2eb: {  	v3, _, _ =	vpop (xrf2)  }
0x2ec: {  	[tilespmem:v0+s23+$0x0] =	vst.idx.msk vm0, v3;
	v4, _, _ =	vpop (xrf2)  }
0x2ed: {  	[tilespmem:v2+s23+$0x0] =	vst.idx.msk vm0, v4;
	v0, _, _ =	vpop (xrf2)  }
0x2ee: {  	[tilespmem:v1+s23+$0x0] =	vst.idx.msk vm0, v0  }
0x2ef: {  	s11 =	simm.s32 $0x0;
	s3 =	rddreg [dreg:$0xa]  }
0x2f0: {  	[hbm4b:s3+s11] =	stream.linear.scatter [tilespmem:s23], [sflag:$0x8], $0x80, $0x38;
	[tilespmem:$0x18500] =	vst v63  }
0x2f1: {  	_ =	swait.ge [sflag:s8], $0x4000  }
0x2f2: {  	[sflag:s8] =	ssyncset.done $0x0  }
0x2f3: {  	[sflag:s8] =	ssyncadd.s32 $0xFFFFC000  }
0x2f4: {  	_ =	swait.ge [sflag:s8], $0x4000  }
0x2f5: {  	[sflag:s8] =	ssyncset.done $0x0  }
0x2f6: {  	s17 =	simm.s32 $0x9;
	[sflag:s8] =	ssyncadd.s32 $0xFFFFC000  }
0x2f7: {  	_ =	swait.ge [sflag:s17], $0x80  }
0x2f8: {  	[sflag:s17] =	ssyncset.done $0x0  }
0x2f9: {  	s18 =	simm.s32 $0x8380;
	[sflag:s17] =	ssyncadd.s32 $0xFFFFFF80  }
0x2fa: {  	s29 =	simm.s32 $0x14380;
	v0 =	vld [tilespmem:s18+$0x10]  }
0x2fb: {  	v1 =	vld [tilespmem:s29+$0x10]  }
0x2fc: {  	v2 =	vld [tilespmem:s18+$0x20]  }
0x2fd: {  	v3 =	vld [tilespmem:s29+$0x20]  }
0x2fe: {  	v4 =	vld [tilespmem:s18+$0x30]  }
0x2ff: {  	v5 =	vld [tilespmem:s29+$0x30]  }
0x300: {  	v6 =	vld [tilespmem:s18+$0x40]  }
0x301: {  	v7 =	vld [tilespmem:s29+$0x40]  }
0x302: {  	v8 =	vld [tilespmem:s18+$0x50]  }
0x303: {  	v9 =	vld [tilespmem:s29+$0x50]  }
0x304: {  	v10 =	vld [tilespmem:s18+$0x60]  }
0x305: {  	v11 =	vld [tilespmem:s29+$0x60]  }
0x306: {  	v12 =	vld [tilespmem:s18+$0x70]  }
0x307: {  	v13 =	vld [tilespmem:s29+$0x70]  }
0x308: {  	v14 =	vld [tilespmem:s18+$0x0]  }
0x309: {  	v15 =	vld [tilespmem:s29+$0x0]  }
0x30a: {  	v44 =	vld [tilespmem:s18+$0xFFFFFF80]  }
0x30b: {  	v45 =	vld [tilespmem:s29+$0xFFFFFF80];
	v0 =	vmul.bf16 v1, v0;
	v1 =	vmul.bf16 v3, v2  }
0x30c: {  	v46 =	vld [tilespmem:$0x18480];
	v3 =	vmul.bf16 v5, v4;
	v4 =	vmul.bf16 v7, v6  }
0x30d: {  	v49 =	vld [tilespmem:s29+$0xFFFFFFB0];
	v6 =	vmul.bf16 v9, v8;
	v7 =	vmul.bf16 v11, v10  }
0x30e: {  	v52 =	vld [tilespmem:s18+$0xFFFFFFC0];
	v9 =	vmul.bf16 v13, v12;
	v10 =	vmul.bf16 v15, v14;
	v12 =	vunpack.i.u.bf16.f32 v0  }
0x30f: {  	v53 =	vld [tilespmem:s29+$0xFFFFFFD0];
	v0 =	vunpack.i.l.bf16.f32 v0;
	v13 =	vunpack.i.u.bf16.f32 v1;
	v1 =	vunpack.i.l.bf16.f32 v1  }
0x310: {  	v2 =	vld [tilespmem:s18+$0xFFFFFF90];
	v15 =	vunpack.i.u.bf16.f32 v3;
	v3 =	vunpack.i.l.bf16.f32 v3;
	v47 =	vunpack.i.u.bf16.f32 v4  }
0x311: {  	v5 =	vld [tilespmem:s29+$0xFFFFFF90];
	v4 =	vunpack.i.l.bf16.f32 v4;
	v48 =	vunpack.i.u.bf16.f32 v6;
	v6 =	vunpack.i.l.bf16.f32 v6  }
0x312: {  	v8 =	vld [tilespmem:s18+$0xFFFFFFA0];
	v50 =	vunpack.i.u.bf16.f32 v7;
	v51 =	vunpack.i.u.bf16.f32 v10;
	v0 =	vadd.f32 v0, v12  }
0x313: {  	v11 =	vld [tilespmem:s29+$0xFFFFFFA0];
	v10 =	vunpack.i.l.bf16.f32 v10;
	v1 =	vadd.f32 v1, v13;
	v3 =	vadd.f32 v3, v15  }
0x314: {  	v14 =	vld [tilespmem:s18+$0xFFFFFFB0];
	v7 =	vunpack.i.l.bf16.f32 v7;
	v10 =	vadd.f32 v10, v51;
	v4 =	vadd.f32 v4, v47  }
0x315: {  	v54 =	vld [tilespmem:s18+$0xFFFFFFE0];
	v15 =	vunpack.i.u.bf16.f32 v9;
	v6 =	vadd.f32 v6, v48;
	v9 =	vunpack.i.l.bf16.f32 v9  }
0x316: {  	v12 =	vld [tilespmem:s29+$0xFFFFFFC0];
	v7 =	vadd.f32 v7, v50;
	v9 =	vadd.f32 v9, v15  }
0x317: {  	v16 =	vmul.bf16 v45, v44;
	v13 =	vld [tilespmem:s18+$0xFFFFFFD0];
	v10 =	vadd.f32 v10, v46;
	v0 =	vadd.f32 v6, v0  }
0x318: {  	s3 =	simm.s32 $0x14480;
	v6 =	vld [tilespmem:s29+$0xFFFFFFE0];
	v2 =	vmul.bf16 v5, v2;
	v1 =	vadd.f32 v7, v1;
	v8 =	vmul.bf16 v11, v8  }
0x319: {  	s2 =	simm.s32 $0x8480;
	v55 =	vld [tilespmem:s3+$0x20];
	v7 =	vunpack.i.u.bf16.f32 v16;
	v11 =	vmul.bf16 v49, v14;
	v3 =	vadd.f32 v9, v3  }
0x31a: {  	v56 =	vld [tilespmem:s2+$0x30];
	v9 =	vunpack.i.l.bf16.f32 v16;
	v4 =	vadd.f32 v4, v10;
	v15 =	vunpack.i.u.bf16.f32 v8  }
0x31b: {  	v5 =	vld [tilespmem:s18+$0xFFFFFFF0];
	v1 =	vadd.f32 v3, v1;
	v3 =	vadd.f32 v9, v7;
	v7 =	vunpack.i.u.bf16.f32 v2  }
0x31c: {  	v10 =	vld [tilespmem:s29+$0xFFFFFFF0];
	v9 =	vmul.bf16 v53, v13;
	v2 =	vunpack.i.l.bf16.f32 v2;
	v0 =	vadd.f32 v0, v4  }
0x31d: {  	v59 =	vld [tilespmem:s3+$0x30];
	v4 =	vmul.bf16 v12, v52;
	v2 =	vadd.f32 v2, v7;
	v6 =	vmul.bf16 v6, v54  }
0x31e: {  	v60 =	vld [tilespmem:s2+$0x40];
	v58 =	vunpack.i.u.bf16.f32 v9;
	v9 =	vunpack.i.l.bf16.f32 v9;
	v3 =	vadd.f32 v3, v46  }
0x31f: {  	v61 =	vld [tilespmem:s3+$0x40];
	v0 =	vadd.f32 v1, v0;
	v1 =	vunpack.i.l.bf16.f32 v8;
	v8 =	vunpack.i.u.bf16.f32 v11  }
0x320: {  	v14 =	vld [tilespmem:s2+$0x10];
	v11 =	vunpack.i.l.bf16.f32 v11;
	v57 =	vunpack.i.u.bf16.f32 v4;
	v4 =	vunpack.i.l.bf16.f32 v4  }
0x321: {  	v13 =	vld [tilespmem:s2+$0x20];
	v9 =	vadd.f32 v9, v58;
	v5 =	vmul.bf16 v10, v5;
	v1 =	vadd.f32 v1, v15  }
0x322: {  	v12 =	vld [tilespmem:s3+$0x10];
	v8 =	vadd.f32 v11, v8;
	v10 =	vadd.f32 v4, v57;
	(xrf2) =	vadd.scan.msk.f32 $0xffff, v0;
	v0 =	vunpack.i.u.bf16.f32 v6  }
0x323: {  	v11 =	vld [tilespmem:s2+$0x50];
	v6 =	vunpack.i.l.bf16.f32 v6;
	v7 =	vunpack.i.u.bf16.f32 v5;
	v5 =	vunpack.i.l.bf16.f32 v5  }
0x324: {  	v15 =	vld [tilespmem:s3+$0x50];
	v0 =	vadd.f32 v6, v0;
	v6 =	vadd.f32 v5, v7  }
0x325: {  	v4 =	vld [tilespmem:s2+$0x60];
	v2 =	vadd.f32 v9, v2;
	v3 =	vadd.f32 v10, v3  }
0x326: {  	s17 =	simm.s32 $0x1;
	v9 =	vld [tilespmem:s3+$0x0];
	v0 =	vadd.f32 v0, v1;
	v1 =	vadd.f32 v6, v8  }
0x327: {  	v62 =	vmov s17;
	v5 =	vld [tilespmem:s3+$0x60]  }
0x328: {  	v7 =	vld [tilespmem:s3+$0x70];
	v2 =	vadd.f32 v2, v3;
	v0 =	vadd.f32 v1, v0;
	v1 =	vmov s11  }
0x329: {  	v6 =	vld [tilespmem:s2+$0x70];
	v3 =	vand.u32 $0xFFFFFFFE, v1  }
0x32a: {  	v8 =	vld [tilespmem:s2+$0x0];
	v63 =	vadd.f32 v0, v2  }
0x32b: {  	v13 =	vmul.bf16 v55, v13;
	v12 =	vmul.bf16 v12, v14;
	v1 =	vld [tilespmem:s2+$0xFFFFFF80]  }
0x32c: {  	v10 =	vmul.bf16 v59, v56;
	v0 =	vbroadcast v3, $0x0;
	v2 =	vld [tilespmem:s3+$0xFFFFFF80];
	v3, _, _ =	vpop (xrf2);
	(xrf2) =	vadd.scan.msk.f32 $0xffff, v63  }
0x32d: {  	s17 =	simm.s32 $0x4;
	v14 =	vmul.bf16 v61, v60;
	v11 =	vmul.bf16 v15, v11;
	s11 =	simm.s32 $0x2;
	[tilespmem:v62+s25+$0x0] =	vst.idx.msk vm0, v3;
	v3 =	vld [tilespmem:s2+$0xFFFFFF90]  }
.LBB2_14:
0x32e: {  	p0 =	slt.u32 s17, $0x7E;
	v15 =	vld [tilespmem:s3+$0xFFFFFF90];
	v4 =	vmul.bf16 v5, v4;
	v5 =	vmul.bf16 v7, v6  }
0x32f: {  	v6 =	vld [tilespmem:s2+$0xFFFFFFA0];
	v7 =	vmul.bf16 v9, v8;
	v8 =	vunpack.i.u.bf16.f32 v12;
	v9 =	vunpack.i.l.bf16.f32 v12  }
0x330: {  	v16 =	vunpack.i.u.bf16.f32 v13;
	v13 =	vunpack.i.l.bf16.f32 v13;
	v17 =	vunpack.i.u.bf16.f32 v10;
	v12 =	vld [tilespmem:s3+$0xFFFFFFA0]  }
0x331: {  	v10 =	vunpack.i.l.bf16.f32 v10;
	v19 =	vunpack.i.u.bf16.f32 v14;
	v14 =	vunpack.i.l.bf16.f32 v14;
	v18 =	vld [tilespmem:s2+$0xFFFFFFB0]  }
0x332: {  	v21 =	vunpack.i.u.bf16.f32 v11;
	v11 =	vunpack.i.l.bf16.f32 v11;
	v22 =	vunpack.i.u.bf16.f32 v4;
	v20 =	vld [tilespmem:$0x18480]  }
0x333: {  	v8 =	vadd.f32 v9, v8;
	v4 =	vunpack.i.l.bf16.f32 v4;
	v24 =	vunpack.i.u.bf16.f32 v7;
	v23 =	vld [tilespmem:s3+$0xFFFFFFB0]  }
0x334: {  	v13 =	vadd.f32 v13, v16;
	v10 =	vadd.f32 v10, v17;
	v7 =	vunpack.i.l.bf16.f32 v7;
	v9 =	vld [tilespmem:s2+$0xFFFFFFC0]  }
0x335: {  	v14 =	vadd.f32 v14, v19;
	v17 =	vunpack.i.u.bf16.f32 v5;
	v7 =	vadd.f32 v7, v24;
	v16 =	vld [tilespmem:s3+$0xFFFFFFC0]  }
0x336: {  	v11 =	vadd.f32 v11, v21;
	v5 =	vunpack.i.l.bf16.f32 v5;
	v4 =	vadd.f32 v4, v22;
	v19 =	vld [tilespmem:s2+$0xFFFFFFD0];
	v21, _, _ =	vpop (xrf2)  }
0x337: {  	v1 =	vmul.bf16 v2, v1;
	v5 =	vadd.f32 v5, v17;
	v2 =	vld [tilespmem:s3+$0xFFFFFFD0];
	v7 =	vadd.f32 v7, v20  }
0x338: {  	v8 =	vadd.f32 v11, v8;
	v3 =	vmul.bf16 v15, v3;
	v4 =	vadd.f32 v4, v13;
	v15 =	vld [tilespmem:s2+$0xFFFFFFE0]  }
0x339: {  	v11 =	vunpack.i.u.bf16.f32 v1;
	v5 =	vadd.f32 v5, v10;
	v13 =	vld [tilespmem:s3+$0xFFFFFFE0];
	v7 =	vadd.f32 v14, v7;
	[tilespmem:v0+s25+$0x0] =	vst.idx.msk vm0, v21  }
0x33a: {  	v0 =	vunpack.i.l.bf16.f32 v1;
	v1 =	vmul.bf16 v12, v6;
	v6 =	vmul.bf16 v23, v18;
	v10 =	vld [tilespmem:s2+$0xFFFFFFF0]  }
0x33b: {  	v4 =	vadd.f32 v5, v4;
	v9 =	vmul.bf16 v16, v9;
	s2 =	sadd.s32 $0x100, s2;
	v12 =	vld [tilespmem:s3+$0xFFFFFFF0];
	v7 =	vadd.f32 v8, v7  }
0x33c: {  	v5 =	vunpack.i.u.bf16.f32 v3;
	v0 =	vadd.f32 v0, v11;
	s3 =	sadd.s32 $0x100, s3;
	v14 =	vld [tilespmem:s2+$0x10];
	v2 =	vmul.bf16 v2, v19  }
0x33d: {  	v3 =	vunpack.i.l.bf16.f32 v3;
	v8 =	vunpack.i.u.bf16.f32 v1;
	v11 =	vld [tilespmem:s3+$0x10];
	v4 =	vadd.f32 v4, v7  }
0x33e: {  	v1 =	vunpack.i.l.bf16.f32 v1;
	v7 =	vunpack.i.u.bf16.f32 v6;
	v16 =	vld [tilespmem:s2+$0x20];
	v13 =	vmul.bf16 v13, v15  }
0x33f: {  	v17 =	vunpack.i.u.bf16.f32 v9;
	v9 =	vunpack.i.l.bf16.f32 v9;
	v6 =	vunpack.i.l.bf16.f32 v6;
	v15 =	vld [tilespmem:s3+$0x20];
	(xrf2) =	vadd.scan.msk.f32 $0xffff, v4  }
0x340: {  	v4 =	vunpack.i.u.bf16.f32 v2;
	v2 =	vunpack.i.l.bf16.f32 v2;
	v18 =	vld [tilespmem:s2+$0x30];
	v10 =	vmul.bf16 v12, v10  }
0x341: {  	v0 =	vadd.f32 v0, v20;
	v12 =	vunpack.i.u.bf16.f32 v13;
	v13 =	vunpack.i.l.bf16.f32 v13;
	v19 =	vld [tilespmem:s3+$0x30]  }
0x342: {  	v3 =	vadd.f32 v3, v5;
	v20 =	vld [tilespmem:s2+$0x40];
	v5 =	vunpack.i.u.bf16.f32 v10;
	v10 =	vunpack.i.l.bf16.f32 v10  }
0x343: {  	v1 =	vadd.f32 v1, v8;
	v6 =	vadd.f32 v6, v7;
	v21 =	vld [tilespmem:s3+$0x40]  }
0x344: {  	s18 =	sadd.s32 $0x1, s11;
	v7 =	vadd.f32 v9, v17;
	v2 =	vadd.f32 v2, v4;
	v22 =	vld [tilespmem:s2+$0x50]  }
0x345: {  	v8 =	vadd.f32 v13, v12;
	v9 =	vadd.f32 v10, v5;
	v10 =	vmov s18;
	v17 =	vld [tilespmem:s3+$0x50]  }
0x346: {  	v0 =	vadd.f32 v7, v0;
	v12 =	vadd.f32 v2, v3;
	v4 =	vld [tilespmem:s2+$0x60]  }
0x347: {  	v1 =	vadd.f32 v8, v1;
	v3 =	vadd.f32 v9, v6;
	v5 =	vld [tilespmem:s3+$0x60]  }
0x348: {  	v0 =	vadd.f32 v12, v0;
	v6 =	vld [tilespmem:s2+$0x70]  }
0x349: {  	v1 =	vadd.f32 v3, v1;
	v7 =	vld [tilespmem:s3+$0x70];
	v2, _, _ =	vpop (xrf2)  }
.Ltmp6:
0x34a: {  	v3 =	vmov s11;
	s11 =	smov.u32 s17;
	v8 =	vld [tilespmem:s2+$0x0];
	[tilespmem:v10+s25+$0x0] =	vst.idx.msk vm0, v2;
	(pc) =	sbr.rel @p0 .LBB2_14-.Ltmp6, $4  }
0x34b: {  	v23 =	vadd.f32 v1, v0;
	v0 =	vand.u32 $0xFFFFFFFE, v3;
	v9 =	vld [tilespmem:s3+$0x0]  }
0x34c: {  	v12 =	vmul.bf16 v11, v14;
	v0 =	vbroadcast v0, $0x0;
	v1 =	vld [tilespmem:s2+$0xFFFFFF80]  }
0x34d: {  	v13 =	vmul.bf16 v15, v16;
	v10 =	vmul.bf16 v19, v18;
	v2 =	vld [tilespmem:s3+$0xFFFFFF80];
	(xrf2) =	vadd.scan.msk.f32 $0xffff, v23  }
0x34e: {  	s17 =	sadd.s32 $0x2, s17;
	v14 =	vmul.bf16 v21, v20;
	v11 =	vmul.bf16 v17, v22;
	v3 =	vld [tilespmem:s2+$0xFFFFFF90]  }
0x34f: {  	v15 =	vld [tilespmem:s3+$0xFFFFFF90];
	v4 =	vmul.bf16 v5, v4;
	v5 =	vmul.bf16 v7, v6;
	v16 =	vunpack.i.u.bf16.f32 v13  }
0x350: {  	v6 =	vld [tilespmem:s2+$0xFFFFFFA0];
	v13 =	vunpack.i.l.bf16.f32 v13;
	v17 =	vunpack.i.u.bf16.f32 v10;
	v10 =	vunpack.i.l.bf16.f32 v10  }
0x351: {  	v18 =	vld [tilespmem:s2+$0xFFFFFFB0];
	v7 =	vmul.bf16 v9, v8;
	v8 =	vunpack.i.u.bf16.f32 v12;
	v9 =	vunpack.i.l.bf16.f32 v12  }
0x352: {  	v20 =	vld [tilespmem:$0x18480];
	v19 =	vunpack.i.u.bf16.f32 v14;
	v14 =	vunpack.i.l.bf16.f32 v14;
	v21 =	vunpack.i.u.bf16.f32 v11  }
0x353: {  	v23 =	vld [tilespmem:s3+$0xFFFFFFB0];
	v11 =	vunpack.i.l.bf16.f32 v11;
	v13 =	vadd.f32 v13, v16;
	v10 =	vadd.f32 v10, v17  }
0x354: {  	v38 =	vld [tilespmem:s3+$0xFFFFFFC0];
	v22 =	vunpack.i.u.bf16.f32 v4;
	v8 =	vadd.f32 v9, v8;
	v4 =	vunpack.i.l.bf16.f32 v4  }
0x355: {  	v12 =	vld [tilespmem:s3+$0xFFFFFFA0];
	v14 =	vadd.f32 v14, v19;
	v39 =	vunpack.i.u.bf16.f32 v5;
	v11 =	vadd.f32 v11, v21  }
0x356: {  	v9 =	vld [tilespmem:s2+$0xFFFFFFC0];
	v5 =	vunpack.i.l.bf16.f32 v5;
	v24 =	vunpack.i.u.bf16.f32 v7;
	v7 =	vunpack.i.l.bf16.f32 v7  }
0x357: {  	v40 =	vld [tilespmem:s2+$0xFFFFFFD0];
	v4 =	vadd.f32 v4, v22;
	v1 =	vmul.bf16 v2, v1;
	v5 =	vadd.f32 v5, v39  }
0x358: {  	v2 =	vld [tilespmem:s3+$0xFFFFFFD0];
	v7 =	vadd.f32 v7, v24;
	v8 =	vadd.f32 v11, v8;
	v3 =	vmul.bf16 v15, v3  }
0x359: {  	v15 =	vld [tilespmem:s2+$0xFFFFFFE0];
	v4 =	vadd.f32 v4, v13;
	v11 =	vunpack.i.u.bf16.f32 v1;
	v5 =	vadd.f32 v5, v10  }
0x35a: {  	v13 =	vld [tilespmem:s3+$0xFFFFFFE0];
	v1 =	vunpack.i.l.bf16.f32 v1;
	v7 =	vadd.f32 v7, v20;
	v6 =	vmul.bf16 v12, v6  }
0x35b: {  	v10 =	vld [tilespmem:s2+$0xFFFFFFF0];
	v12 =	vmul.bf16 v23, v18;
	v1 =	vadd.f32 v1, v11;
	v9 =	vmul.bf16 v38, v9  }
0x35c: {  	v11 =	vunpack.i.u.bf16.f32 v3;
	v3 =	vunpack.i.l.bf16.f32 v3;
	v7 =	vadd.f32 v14, v7;
	v14 =	vld [tilespmem:s3+$0xFFFFFFF0]  }
0x35d: {  	v41 =	vunpack.i.u.bf16.f32 v6;
	v6 =	vunpack.i.l.bf16.f32 v6;
	v42 =	vunpack.i.u.bf16.f32 v12  }
0x35e: {  	v12 =	vunpack.i.l.bf16.f32 v12;
	v1 =	vadd.f32 v1, v20;
	v3 =	vadd.f32 v3, v11  }
0x35f: {  	v2 =	vmul.bf16 v2, v40;
	v6 =	vadd.f32 v6, v41;
	v12 =	vadd.f32 v12, v42  }
0x360: {  	v13 =	vmul.bf16 v13, v15;
	v15 =	vunpack.i.u.bf16.f32 v9;
	v9 =	vunpack.i.l.bf16.f32 v9  }
0x361: {  	v43 =	vunpack.i.u.bf16.f32 v2;
	v2 =	vunpack.i.l.bf16.f32 v2;
	v10 =	vmul.bf16 v14, v10  }
0x362: {  	v9 =	vadd.f32 v9, v15;
	v2 =	vadd.f32 v2, v43;
	v14 =	vunpack.i.u.bf16.f32 v13  }
0x363: {  	v13 =	vunpack.i.l.bf16.f32 v13;
	v11 =	vunpack.i.u.bf16.f32 v10;
	v10 =	vunpack.i.l.bf16.f32 v10  }
0x364: {  	v13 =	vadd.f32 v13, v14;
	v10 =	vadd.f32 v10, v11  }
0x365: {  	v1 =	vadd.f32 v9, v1;
	v2 =	vadd.f32 v2, v3  }
0x366: {  	v3 =	vadd.f32 v13, v6;
	v6 =	vadd.f32 v10, v12  }
0x367: {  	v4 =	vadd.f32 v5, v4;
	v7 =	vadd.f32 v8, v7  }
0x368: {  	v1 =	vadd.f32 v2, v1;
	v2 =	vadd.f32 v6, v3  }
0x369: {  	v3 =	vadd.f32 v4, v7  }
0x36a: {  	v1 =	vadd.f32 v2, v1  }
0x36b: {  	(xrf2) =	vadd.scan.msk.f32 $0xffff, v3  }
0x36c: {  	(xrf2) =	vadd.scan.msk.f32 $0xffff, v1;
	_ =	sdelay $0x2  }
0x36d: {  	v1 =	vmov s11  }
0x36e: {  	s11 =	sadd.s32 $0x1, s11;
	v1 =	vand.u32 $0xFFFFFFFE, v1  }
0x36f: {  	v2 =	vmov s11;
	v1 =	vbroadcast v1, $0x0;
	_ =	sdelay $0x2  }
0x370: {  	v3, _, _ =	vpop (xrf2)  }
0x371: {  	[tilespmem:v0+s25+$0x0] =	vst.idx.msk vm0, v3;
	v4, _, _ =	vpop (xrf2)  }
0x372: {  	[tilespmem:v2+s25+$0x0] =	vst.idx.msk vm0, v4;
	v0, _, _ =	vpop (xrf2)  }
0x373: {  	[tilespmem:v1+s25+$0x0] =	vst.idx.msk vm0, v0  }
0x374: {  	s11 =	simm.s32 $0x0;
	s17 =	rddreg [dreg:$0xb]  }
0x375: {  	[hbm4b:s17+s11] =	stream.linear.scatter [tilespmem:s25], [sflag:$0x9], $0x80, $0x38;
	[tilespmem:$0x18500] =	vst v63  }
0x376: {  	_ =	swait.ge [sflag:s19], $0x4000  }
0x377: {  	[sflag:s19] =	ssyncset.done $0x0  }
0x378: {  	[sflag:s19] =	ssyncadd.s32 $0xFFFFC000  }
0x379: {  	_ =	swait.ge [sflag:s19], $0x4000  }
0x37a: {  	[sflag:s19] =	ssyncset.done $0x0  }
0x37b: {  	[sflag:s19] =	ssyncadd.s32 $0xFFFFC000  }
0x37c: {  	_ =	swait.ge [sflag:s24], $0x80  }
0x37d: {  	[sflag:s24] =	ssyncset.done $0x0  }
0x37e: {  	s18 =	simm.s32 $0x380;
	[sflag:s24] =	ssyncadd.s32 $0xFFFFFF80  }
0x37f: {  	s29 =	simm.s32 $0xC380;
	v0 =	vld [tilespmem:s18+$0x10]  }
0x380: {  	v1 =	vld [tilespmem:s29+$0x10]  }
0x381: {  	v2 =	vld [tilespmem:s18+$0x20]  }
0x382: {  	v3 =	vld [tilespmem:s29+$0x20]  }
0x383: {  	v4 =	vld [tilespmem:s18+$0x30]  }
0x384: {  	v5 =	vld [tilespmem:s29+$0x30]  }
0x385: {  	v6 =	vld [tilespmem:s18+$0x40]  }
0x386: {  	v7 =	vld [tilespmem:s29+$0x40]  }
0x387: {  	v8 =	vld [tilespmem:s18+$0x50]  }
0x388: {  	v9 =	vld [tilespmem:s29+$0x50]  }
0x389: {  	v10 =	vld [tilespmem:s18+$0x60]  }
0x38a: {  	v11 =	vld [tilespmem:s29+$0x60]  }
0x38b: {  	v12 =	vld [tilespmem:s18+$0x70]  }
0x38c: {  	v13 =	vld [tilespmem:s29+$0x70]  }
0x38d: {  	v14 =	vld [tilespmem:s18+$0x0]  }
0x38e: {  	v15 =	vld [tilespmem:s29+$0x0]  }
0x38f: {  	v44 =	vld [tilespmem:s18+$0xFFFFFF80]  }
0x390: {  	v45 =	vld [tilespmem:s29+$0xFFFFFF80];
	v0 =	vmul.bf16 v1, v0;
	v1 =	vmul.bf16 v3, v2  }
0x391: {  	v46 =	vld [tilespmem:$0x18480];
	v3 =	vmul.bf16 v5, v4;
	v4 =	vmul.bf16 v7, v6  }
0x392: {  	v49 =	vld [tilespmem:s29+$0xFFFFFFB0];
	v6 =	vmul.bf16 v9, v8;
	v7 =	vmul.bf16 v11, v10  }
0x393: {  	v52 =	vld [tilespmem:s18+$0xFFFFFFC0];
	v9 =	vmul.bf16 v13, v12;
	v10 =	vmul.bf16 v15, v14;
	v12 =	vunpack.i.u.bf16.f32 v0  }
0x394: {  	v53 =	vld [tilespmem:s29+$0xFFFFFFD0];
	v0 =	vunpack.i.l.bf16.f32 v0;
	v13 =	vunpack.i.u.bf16.f32 v1;
	v1 =	vunpack.i.l.bf16.f32 v1  }
0x395: {  	v2 =	vld [tilespmem:s18+$0xFFFFFF90];
	v15 =	vunpack.i.u.bf16.f32 v3;
	v3 =	vunpack.i.l.bf16.f32 v3;
	v47 =	vunpack.i.u.bf16.f32 v4  }
0x396: {  	v5 =	vld [tilespmem:s29+$0xFFFFFF90];
	v4 =	vunpack.i.l.bf16.f32 v4;
	v48 =	vunpack.i.u.bf16.f32 v6;
	v6 =	vunpack.i.l.bf16.f32 v6  }
0x397: {  	v8 =	vld [tilespmem:s18+$0xFFFFFFA0];
	v50 =	vunpack.i.u.bf16.f32 v7;
	v51 =	vunpack.i.u.bf16.f32 v10;
	v0 =	vadd.f32 v0, v12  }
0x398: {  	v11 =	vld [tilespmem:s29+$0xFFFFFFA0];
	v10 =	vunpack.i.l.bf16.f32 v10;
	v1 =	vadd.f32 v1, v13;
	v3 =	vadd.f32 v3, v15  }
0x399: {  	v14 =	vld [tilespmem:s18+$0xFFFFFFB0];
	v7 =	vunpack.i.l.bf16.f32 v7;
	v10 =	vadd.f32 v10, v51;
	v4 =	vadd.f32 v4, v47  }
0x39a: {  	v54 =	vld [tilespmem:s18+$0xFFFFFFE0];
	v15 =	vunpack.i.u.bf16.f32 v9;
	v6 =	vadd.f32 v6, v48;
	v9 =	vunpack.i.l.bf16.f32 v9  }
0x39b: {  	v12 =	vld [tilespmem:s29+$0xFFFFFFC0];
	v7 =	vadd.f32 v7, v50;
	v9 =	vadd.f32 v9, v15  }
0x39c: {  	v16 =	vmul.bf16 v45, v44;
	v13 =	vld [tilespmem:s18+$0xFFFFFFD0];
	v10 =	vadd.f32 v10, v46;
	v0 =	vadd.f32 v6, v0  }
0x39d: {  	s3 =	simm.s32 $0xC480;
	v6 =	vld [tilespmem:s29+$0xFFFFFFE0];
	v2 =	vmul.bf16 v5, v2;
	v1 =	vadd.f32 v7, v1;
	v8 =	vmul.bf16 v11, v8  }
0x39e: {  	s2 =	simm.s32 $0x480;
	v55 =	vld [tilespmem:s3+$0x20];
	v7 =	vunpack.i.u.bf16.f32 v16;
	v11 =	vmul.bf16 v49, v14;
	v3 =	vadd.f32 v9, v3  }
0x39f: {  	v56 =	vld [tilespmem:s2+$0x30];
	v9 =	vunpack.i.l.bf16.f32 v16;
	v4 =	vadd.f32 v4, v10;
	v15 =	vunpack.i.u.bf16.f32 v8  }
0x3a0: {  	v5 =	vld [tilespmem:s18+$0xFFFFFFF0];
	v1 =	vadd.f32 v3, v1;
	v3 =	vadd.f32 v9, v7;
	v7 =	vunpack.i.u.bf16.f32 v2  }
0x3a1: {  	v10 =	vld [tilespmem:s29+$0xFFFFFFF0];
	v9 =	vmul.bf16 v53, v13;
	v2 =	vunpack.i.l.bf16.f32 v2;
	v0 =	vadd.f32 v0, v4  }
0x3a2: {  	v59 =	vld [tilespmem:s3+$0x30];
	v4 =	vmul.bf16 v12, v52;
	v2 =	vadd.f32 v2, v7;
	v6 =	vmul.bf16 v6, v54  }
0x3a3: {  	v60 =	vld [tilespmem:s2+$0x40];
	v58 =	vunpack.i.u.bf16.f32 v9;
	v9 =	vunpack.i.l.bf16.f32 v9;
	v3 =	vadd.f32 v3, v46  }
0x3a4: {  	v61 =	vld [tilespmem:s3+$0x40];
	v0 =	vadd.f32 v1, v0;
	v1 =	vunpack.i.l.bf16.f32 v8;
	v8 =	vunpack.i.u.bf16.f32 v11  }
0x3a5: {  	v14 =	vld [tilespmem:s2+$0x10];
	v11 =	vunpack.i.l.bf16.f32 v11;
	v57 =	vunpack.i.u.bf16.f32 v4;
	v4 =	vunpack.i.l.bf16.f32 v4  }
0x3a6: {  	v13 =	vld [tilespmem:s2+$0x20];
	v9 =	vadd.f32 v9, v58;
	v5 =	vmul.bf16 v10, v5;
	v1 =	vadd.f32 v1, v15  }
0x3a7: {  	v12 =	vld [tilespmem:s3+$0x10];
	v8 =	vadd.f32 v11, v8;
	v10 =	vadd.f32 v4, v57;
	(xrf2) =	vadd.scan.msk.f32 $0xffff, v0;
	v0 =	vunpack.i.u.bf16.f32 v6  }
0x3a8: {  	v11 =	vld [tilespmem:s2+$0x50];
	v6 =	vunpack.i.l.bf16.f32 v6;
	v7 =	vunpack.i.u.bf16.f32 v5;
	v5 =	vunpack.i.l.bf16.f32 v5  }
0x3a9: {  	v15 =	vld [tilespmem:s3+$0x50];
	v0 =	vadd.f32 v6, v0;
	v6 =	vadd.f32 v5, v7  }
0x3aa: {  	v4 =	vld [tilespmem:s2+$0x60];
	v2 =	vadd.f32 v9, v2;
	v3 =	vadd.f32 v10, v3  }
0x3ab: {  	s17 =	simm.s32 $0x1;
	v9 =	vld [tilespmem:s3+$0x0];
	v0 =	vadd.f32 v0, v1;
	v1 =	vadd.f32 v6, v8  }
0x3ac: {  	v62 =	vmov s17;
	v5 =	vld [tilespmem:s3+$0x60]  }
0x3ad: {  	v7 =	vld [tilespmem:s3+$0x70];
	v2 =	vadd.f32 v2, v3;
	v0 =	vadd.f32 v1, v0;
	v1 =	vmov s11  }
0x3ae: {  	v6 =	vld [tilespmem:s2+$0x70];
	v3 =	vand.u32 $0xFFFFFFFE, v1  }
0x3af: {  	v8 =	vld [tilespmem:s2+$0x0];
	v63 =	vadd.f32 v0, v2  }
0x3b0: {  	v13 =	vmul.bf16 v55, v13;
	v12 =	vmul.bf16 v12, v14;
	v1 =	vld [tilespmem:s2+$0xFFFFFF80]  }
0x3b1: {  	v10 =	vmul.bf16 v59, v56;
	v0 =	vbroadcast v3, $0x0;
	v2 =	vld [tilespmem:s3+$0xFFFFFF80];
	v3, _, _ =	vpop (xrf2);
	(xrf2) =	vadd.scan.msk.f32 $0xffff, v63  }
0x3b2: {  	s17 =	simm.s32 $0x4;
	v14 =	vmul.bf16 v61, v60;
	v11 =	vmul.bf16 v15, v11;
	s11 =	simm.s32 $0x2;
	[tilespmem:v62+s20+$0x0] =	vst.idx.msk vm0, v3;
	v3 =	vld [tilespmem:s2+$0xFFFFFF90]  }
.LBB2_16:
0x3b3: {  	p0 =	slt.u32 s17, $0x7E;
	v15 =	vld [tilespmem:s3+$0xFFFFFF90];
	v4 =	vmul.bf16 v5, v4;
	v5 =	vmul.bf16 v7, v6  }
0x3b4: {  	v6 =	vld [tilespmem:s2+$0xFFFFFFA0];
	v7 =	vmul.bf16 v9, v8;
	v8 =	vunpack.i.u.bf16.f32 v12;
	v9 =	vunpack.i.l.bf16.f32 v12  }
0x3b5: {  	v16 =	vunpack.i.u.bf16.f32 v13;
	v13 =	vunpack.i.l.bf16.f32 v13;
	v17 =	vunpack.i.u.bf16.f32 v10;
	v12 =	vld [tilespmem:s3+$0xFFFFFFA0]  }
0x3b6: {  	v10 =	vunpack.i.l.bf16.f32 v10;
	v19 =	vunpack.i.u.bf16.f32 v14;
	v14 =	vunpack.i.l.bf16.f32 v14;
	v18 =	vld [tilespmem:s2+$0xFFFFFFB0]  }
0x3b7: {  	v21 =	vunpack.i.u.bf16.f32 v11;
	v11 =	vunpack.i.l.bf16.f32 v11;
	v22 =	vunpack.i.u.bf16.f32 v4;
	v20 =	vld [tilespmem:$0x18480]  }
0x3b8: {  	v8 =	vadd.f32 v9, v8;
	v4 =	vunpack.i.l.bf16.f32 v4;
	v24 =	vunpack.i.u.bf16.f32 v7;
	v23 =	vld [tilespmem:s3+$0xFFFFFFB0]  }
0x3b9: {  	v13 =	vadd.f32 v13, v16;
	v10 =	vadd.f32 v10, v17;
	v7 =	vunpack.i.l.bf16.f32 v7;
	v9 =	vld [tilespmem:s2+$0xFFFFFFC0]  }
0x3ba: {  	v14 =	vadd.f32 v14, v19;
	v17 =	vunpack.i.u.bf16.f32 v5;
	v7 =	vadd.f32 v7, v24;
	v16 =	vld [tilespmem:s3+$0xFFFFFFC0]  }
0x3bb: {  	v11 =	vadd.f32 v11, v21;
	v5 =	vunpack.i.l.bf16.f32 v5;
	v4 =	vadd.f32 v4, v22;
	v19 =	vld [tilespmem:s2+$0xFFFFFFD0];
	v21, _, _ =	vpop (xrf2)  }
0x3bc: {  	v1 =	vmul.bf16 v2, v1;
	v5 =	vadd.f32 v5, v17;
	v2 =	vld [tilespmem:s3+$0xFFFFFFD0];
	v7 =	vadd.f32 v7, v20  }
0x3bd: {  	v8 =	vadd.f32 v11, v8;
	v3 =	vmul.bf16 v15, v3;
	v4 =	vadd.f32 v4, v13;
	v15 =	vld [tilespmem:s2+$0xFFFFFFE0]  }
0x3be: {  	v11 =	vunpack.i.u.bf16.f32 v1;
	v5 =	vadd.f32 v5, v10;
	v13 =	vld [tilespmem:s3+$0xFFFFFFE0];
	v7 =	vadd.f32 v14, v7;
	[tilespmem:v0+s20+$0x0] =	vst.idx.msk vm0, v21  }
0x3bf: {  	v0 =	vunpack.i.l.bf16.f32 v1;
	v1 =	vmul.bf16 v12, v6;
	v6 =	vmul.bf16 v23, v18;
	v10 =	vld [tilespmem:s2+$0xFFFFFFF0]  }
0x3c0: {  	v4 =	vadd.f32 v5, v4;
	v9 =	vmul.bf16 v16, v9;
	s2 =	sadd.s32 $0x100, s2;
	v12 =	vld [tilespmem:s3+$0xFFFFFFF0];
	v7 =	vadd.f32 v8, v7  }
0x3c1: {  	v5 =	vunpack.i.u.bf16.f32 v3;
	v0 =	vadd.f32 v0, v11;
	s3 =	sadd.s32 $0x100, s3;
	v14 =	vld [tilespmem:s2+$0x10];
	v2 =	vmul.bf16 v2, v19  }
0x3c2: {  	v3 =	vunpack.i.l.bf16.f32 v3;
	v8 =	vunpack.i.u.bf16.f32 v1;
	v11 =	vld [tilespmem:s3+$0x10];
	v4 =	vadd.f32 v4, v7  }
0x3c3: {  	v1 =	vunpack.i.l.bf16.f32 v1;
	v7 =	vunpack.i.u.bf16.f32 v6;
	v16 =	vld [tilespmem:s2+$0x20];
	v13 =	vmul.bf16 v13, v15  }
0x3c4: {  	v17 =	vunpack.i.u.bf16.f32 v9;
	v9 =	vunpack.i.l.bf16.f32 v9;
	v6 =	vunpack.i.l.bf16.f32 v6;
	v15 =	vld [tilespmem:s3+$0x20];
	(xrf2) =	vadd.scan.msk.f32 $0xffff, v4  }
0x3c5: {  	v4 =	vunpack.i.u.bf16.f32 v2;
	v2 =	vunpack.i.l.bf16.f32 v2;
	v18 =	vld [tilespmem:s2+$0x30];
	v10 =	vmul.bf16 v12, v10  }
0x3c6: {  	v0 =	vadd.f32 v0, v20;
	v12 =	vunpack.i.u.bf16.f32 v13;
	v13 =	vunpack.i.l.bf16.f32 v13;
	v19 =	vld [tilespmem:s3+$0x30]  }
0x3c7: {  	v3 =	vadd.f32 v3, v5;
	v20 =	vld [tilespmem:s2+$0x40];
	v5 =	vunpack.i.u.bf16.f32 v10;
	v10 =	vunpack.i.l.bf16.f32 v10  }
0x3c8: {  	v1 =	vadd.f32 v1, v8;
	v6 =	vadd.f32 v6, v7;
	v21 =	vld [tilespmem:s3+$0x40]  }
0x3c9: {  	s18 =	sadd.s32 $0x1, s11;
	v7 =	vadd.f32 v9, v17;
	v2 =	vadd.f32 v2, v4;
	v22 =	vld [tilespmem:s2+$0x50]  }
0x3ca: {  	v8 =	vadd.f32 v13, v12;
	v9 =	vadd.f32 v10, v5;
	v10 =	vmov s18;
	v17 =	vld [tilespmem:s3+$0x50]  }
0x3cb: {  	v0 =	vadd.f32 v7, v0;
	v12 =	vadd.f32 v2, v3;
	v4 =	vld [tilespmem:s2+$0x60]  }
0x3cc: {  	v1 =	vadd.f32 v8, v1;
	v3 =	vadd.f32 v9, v6;
	v5 =	vld [tilespmem:s3+$0x60]  }
0x3cd: {  	v0 =	vadd.f32 v12, v0;
	v6 =	vld [tilespmem:s2+$0x70]  }
0x3ce: {  	v1 =	vadd.f32 v3, v1;
	v7 =	vld [tilespmem:s3+$0x70];
	v2, _, _ =	vpop (xrf2)  }
.Ltmp7:
0x3cf: {  	v3 =	vmov s11;
	s11 =	smov.u32 s17;
	v8 =	vld [tilespmem:s2+$0x0];
	[tilespmem:v10+s20+$0x0] =	vst.idx.msk vm0, v2;
	(pc) =	sbr.rel @p0 .LBB2_16-.Ltmp7, $4  }
0x3d0: {  	v23 =	vadd.f32 v1, v0;
	v0 =	vand.u32 $0xFFFFFFFE, v3;
	v9 =	vld [tilespmem:s3+$0x0]  }
0x3d1: {  	v12 =	vmul.bf16 v11, v14;
	v0 =	vbroadcast v0, $0x0;
	v1 =	vld [tilespmem:s2+$0xFFFFFF80]  }
0x3d2: {  	v13 =	vmul.bf16 v15, v16;
	v10 =	vmul.bf16 v19, v18;
	v2 =	vld [tilespmem:s3+$0xFFFFFF80];
	(xrf2) =	vadd.scan.msk.f32 $0xffff, v23  }
0x3d3: {  	s17 =	sadd.s32 $0x2, s17;
	v14 =	vmul.bf16 v21, v20;
	v11 =	vmul.bf16 v17, v22;
	v3 =	vld [tilespmem:s2+$0xFFFFFF90]  }
0x3d4: {  	v15 =	vld [tilespmem:s3+$0xFFFFFF90]  }
0x3d5: {  	v28 =	vld [tilespmem:s2+$0xFFFFFFA0]  }
0x3d6: {  	v32 =	vld [tilespmem:s3+$0xFFFFFFA0]  }
0x3d7: {  	v18 =	vld [tilespmem:s2+$0xFFFFFFB0]  }
0x3d8: {  	v20 =	vld [tilespmem:$0x18480]  }
0x3d9: {  	v4 =	vmul.bf16 v5, v4;
	v63 =	vmul.bf16 v7, v6;
	v30 =	vunpack.i.u.bf16.f32 v12;
	v23 =	vld [tilespmem:s3+$0xFFFFFFB0]  }
0x3da: {  	v31 =	vunpack.i.l.bf16.f32 v12;
	v16 =	vunpack.i.u.bf16.f32 v13;
	v33 =	vunpack.i.l.bf16.f32 v13;
	v37 =	vld [tilespmem:s2+$0xFFFFFFC0]  }
0x3db: {  	v17 =	vunpack.i.u.bf16.f32 v10;
	v34 =	vunpack.i.l.bf16.f32 v10;
	v38 =	vld [tilespmem:s3+$0xFFFFFFC0];
	v29 =	vmul.bf16 v9, v8  }
0x3dc: {  	v40 =	vld [tilespmem:s2+$0xFFFFFFD0];
	v19 =	vunpack.i.u.bf16.f32 v14;
	v35 =	vunpack.i.l.bf16.f32 v14;
	v21 =	vunpack.i.u.bf16.f32 v11  }
0x3dd: {  	v41 =	vld [tilespmem:s3+$0xFFFFFFD0];
	v36 =	vunpack.i.l.bf16.f32 v11;
	v8 =	vadd.f32 v31, v30;
	v13 =	vadd.f32 v33, v16  }
0x3de: {  	v42 =	vld [tilespmem:s2+$0xFFFFFFE0];
	v10 =	vadd.f32 v34, v17;
	v22 =	vunpack.i.u.bf16.f32 v4;
	v4 =	vunpack.i.l.bf16.f32 v4  }
0x3df: {  	v44 =	vld [tilespmem:s3+$0xFFFFFFE0];
	v14 =	vadd.f32 v35, v19;
	v39 =	vunpack.i.u.bf16.f32 v63;
	v11 =	vadd.f32 v36, v21  }
0x3e0: {  	v45 =	vld [tilespmem:s2+$0xFFFFFFF0];
	v5 =	vunpack.i.l.bf16.f32 v63;
	v24 =	vunpack.i.u.bf16.f32 v29;
	v7 =	vunpack.i.l.bf16.f32 v29  }
0x3e1: {  	v47 =	vld [tilespmem:s3+$0xFFFFFFF0];
	v4 =	vadd.f32 v4, v22;
	v1 =	vmul.bf16 v2, v1;
	v5 =	vadd.f32 v5, v39  }
0x3e2: {  	v7 =	vadd.f32 v7, v24;
	v8 =	vadd.f32 v11, v8;
	v3 =	vmul.bf16 v15, v3  }
0x3e3: {  	v4 =	vadd.f32 v4, v13;
	v43 =	vunpack.i.u.bf16.f32 v1;
	v6 =	vmul.bf16 v32, v28  }
0x3e4: {  	v5 =	vadd.f32 v5, v10;
	v46 =	vmul.bf16 v23, v18;
	v9 =	vmul.bf16 v38, v37  }
0x3e5: {  	v1 =	vunpack.i.l.bf16.f32 v1;
	v2 =	vmul.bf16 v41, v40;
	v13 =	vmul.bf16 v44, v42  }
0x3e6: {  	v10 =	vmul.bf16 v47, v45;
	v7 =	vadd.f32 v7, v20;
	v1 =	vadd.f32 v1, v43  }
0x3e7: {  	v48 =	vunpack.i.u.bf16.f32 v3;
	v3 =	vunpack.i.l.bf16.f32 v3;
	v49 =	vunpack.i.u.bf16.f32 v6  }
0x3e8: {  	v6 =	vunpack.i.l.bf16.f32 v6;
	v50 =	vunpack.i.u.bf16.f32 v46;
	v12 =	vunpack.i.l.bf16.f32 v46  }
0x3e9: {  	v51 =	vunpack.i.u.bf16.f32 v9;
	v9 =	vunpack.i.l.bf16.f32 v9;
	v52 =	vunpack.i.u.bf16.f32 v2  }
0x3ea: {  	v2 =	vunpack.i.l.bf16.f32 v2;
	v53 =	vunpack.i.u.bf16.f32 v13;
	v7 =	vadd.f32 v14, v7  }
0x3eb: {  	v13 =	vunpack.i.l.bf16.f32 v13;
	v1 =	vadd.f32 v1, v20;
	v3 =	vadd.f32 v3, v48  }
0x3ec: {  	v54 =	vunpack.i.u.bf16.f32 v10;
	v6 =	vadd.f32 v6, v49;
	v12 =	vadd.f32 v12, v50  }
0x3ed: {  	v10 =	vunpack.i.l.bf16.f32 v10;
	v9 =	vadd.f32 v9, v51;
	v2 =	vadd.f32 v2, v52  }
0x3ee: {  	v13 =	vadd.f32 v13, v53;
	v10 =	vadd.f32 v10, v54  }
0x3ef: {  	v1 =	vadd.f32 v9, v1;
	v2 =	vadd.f32 v2, v3  }
0x3f0: {  	v55 =	vadd.f32 v13, v6;
	v56 =	vadd.f32 v10, v12  }
0x3f1: {  	v4 =	vadd.f32 v5, v4;
	v7 =	vadd.f32 v8, v7  }
0x3f2: {  	v1 =	vadd.f32 v2, v1;
	v57 =	vadd.f32 v56, v55  }
0x3f3: {  	v58 =	vadd.f32 v4, v7  }
0x3f4: {  	v1 =	vadd.f32 v57, v1  }
0x3f5: {  	(xrf2) =	vadd.scan.msk.f32 $0xffff, v58  }
0x3f6: {  	(xrf2) =	vadd.scan.msk.f32 $0xffff, v1;
	_ =	sdelay $0x2  }
0x3f7: {  	v59 =	vmov s11  }
0x3f8: {  	s11 =	sadd.s32 $0x1, s11;
	v1 =	vand.u32 $0xFFFFFFFE, v59  }
0x3f9: {  	v60 =	vmov s11;
	v1 =	vbroadcast v1, $0x0;
	_ =	sdelay $0x2  }
0x3fa: {  	v61, _, _ =	vpop (xrf2)  }
0x3fb: {  	[tilespmem:v0+s20+$0x0] =	vst.idx.msk vm0, v61;
	v62, _, _ =	vpop (xrf2)  }
0x3fc: {  	[tilespmem:v60+s20+$0x0] =	vst.idx.msk vm0, v62;
	v63, _, _ =	vpop (xrf2)  }
0x3fd: {  	[tilespmem:v1+s20+$0x0] =	vst.idx.msk vm0, v63  }
0x3fe: {  	s17 =	rddreg [dreg:$0xc]  }
0x3ff: {  	[hbm4b:s17+s4] =	stream.linear.scatter [tilespmem:s20], [sflag:$0x7], $0x80, $0x38;
	[tilespmem:$0x18500] =	vst v63  }
0x400: {  	_ =	swait.ge [sflag:s0], $0x100  }
0x401: {  	[sflag:s0] =	ssyncset.done $0x0  }
0x402: {  	s18 =	simm.s32 $0x9;
	[sflag:s0] =	ssyncadd.s32 $0xFFFFFF00  }
0x403: {  	_ =	swait.ge [sflag:s18], $0x80  }
0x404: {  	[sflag:s18] =	ssyncset.done $0x0  }
0x405: {  	[sflag:s18] =	ssyncadd.s32 $0xFFFFFF80  }
0x406: {  	_ =	swait.ge [sflag:s24], $0x80  }
0x407: {  	[sflag:s24] =	ssyncset.done $0x0  }
0x408: {  	[sflag:s24] =	ssyncadd.s32 $0xFFFFFF80  }
0x409: {  	_ =	swait.ge [sflag:s28], $0x80  }
0x40a: {  	s24 =	rddreg [dreg:$0xe]  }
0x40b: {  	s29 =	rddreg [dreg:$0xd];
	s3 =	sadd.s32 $0x1, s24  }
0x40c: {  	p0 =	sne.s32 s3, s29  }
.Ltmp8:
0x40d: {  	_ = 	snop;
	(pc) =	sbr.rel @p0 .LBB2_1-.Ltmp8, $3  }
0x40e: {  	_ =	sdelay $0x1  }
0x40f: {  	[sflag:s28] =	ssyncset.done $0x0  }
0x410: {  	[sflag:s28] =	ssyncadd.s32 $0xFFFFFF80  }
0x411: {  	_ =	sfence.sel $0x180000  }
0x412: {  	[bflag:$0x0] =	sbarrier.arrive $0xFFFF  }
0x413: {  	_ =	strace $0x90000047  }
0x414: {  	s0 =	stileid.u32;
	[bflag:$0x2] =	sbarrier.arrive $0xFFFF  }
0x415: {  	p0 =	sne.s32 s0, $0x0;
	s0 =	rddreg [dreg:$0x3]  }
0x416: {  	s0 =	sadd.s32 @!p0 $0x100000, s0  }
0x417: {  	[sflag:s0] =	ssyncadd.tile.s32 @!p0 $0x1;
	_ =	shalt  }
.Lfunc_end2:
_tile_overlayer_lowered:
.L_overlay_start_2:
0x418: {  	(tag) =	ssettag $0x2  }
0x419: {  	s0 =	rddreg [dreg:$0x0];
	s2 =	stileid.u32  }
0x41a: {  	s1 =	rddreg [dreg:$0x1];
	p0 =	sne.s32 s2, $0x0  }
0x41b: {  	s3 =	rddreg [dreg:$0x2];
	[bflag:$0x3] =	sbarrier.arrive $0xFFFF;
	s2 =	simm.s32 @!p0 $0x1C0A  }
0x41c: {  	[timem:s3], [sflag:s2] =	dma.local @!p0 [hbm:s0], s1  }
0x41d: {  	s0 =	simm.s32 @!p0 $0xA  }
0x41e: {  	_ =	swait.ge @!p0 [sflag:s0], s1  }
0x41f: {  	s1 =	ssub.s32 @!p0 $0x0, s1;
	[sflag:s0] =	ssyncset.done @!p0 $0x0  }
0x420: {  	[sflag:s0] =	ssyncadd.s32 @!p0 s1  }
0x421: {  	[bflag:$0x3] =	sbarrier.arrive $0xFFFF  }
0x422: {  	_ =	shalt  }

</sc_bundles>
